<compile_context>
chip_gen: v7x
topology: tpu7x:2x2x1
jax: 0.10.2.dev20260603
libtpu: 0.0.44.dev20260713+nightly
codegen_flags: <defaults>
</compile_context>

<pallas_src>
import functools
import math

import jax
import jax.numpy as jnp
from jax import lax
from jax.experimental import pallas as pl
from jax.experimental.pallas import tpu as pltpu
from jax.experimental.pallas import tpu_sc as plsc

VOCAB = 100000
EMBED_DIM = 128
SEQ_LEN = 200
BATCH = 1024

L = 16
NW = 32
ROWS_PER_W = (BATCH * SEQ_LEN) // NW
CHUNK = 200
NCHUNK = ROWS_PER_W // CHUNK
NBUF = 3


def _sc_kernel(table_hbm, idx_hbm, pe_hbm, out_hbm, idx_v, pe_v,
               buf0, buf1, buf2, g0, g1, g2, o0, o1, o2):
    bufs = (buf0, buf1, buf2)
    gsems = (g0, g1, g2)
    osems = (o0, o1, o2)
    nc = 2
    wid = lax.axis_index("s") * nc + lax.axis_index("c")
    base = wid * ROWS_PER_W
    pltpu.sync_copy(idx_hbm.at[pl.ds(base, ROWS_PER_W)], idx_v)
    pltpu.sync_copy(pe_hbm, pe_v)

    def gather_desc(c, b):
        off = pl.multiple_of(c * CHUNK, 8)
        return pltpu.make_async_copy(
            table_hbm.at[idx_v.at[pl.ds(off, CHUNK)]], bufs[b], gsems[b])

    def write_desc(c, b):
        off = pl.multiple_of(c * CHUNK, 8)
        return pltpu.make_async_copy(
            bufs[b], out_hbm.at[pl.ds(base + off, CHUNK)], osems[b])

    def fill_pe(b):
        buf = bufs[b]

        @plsc.parallel_loop(0, CHUNK, 1, unroll=4)
        def _row(r):
            for j in range(EMBED_DIM // L):
                sl = pl.ds(j * L, L)
                buf[r, sl] = pe_v[r, sl]

    for b in range(3):
        fill_pe(b)
        gather_desc(b, b).start(add=True)
    for v in (0, 1):
        gather_desc(v, v).wait()
        write_desc(v, v).start()

    def group(g, _):
        v0 = 2 + g * 3
        for i in range(3):
            v = v0 + i
            b = (2 + i) % 3
            tb = i
            write_desc(v - 2, tb).wait()
            fill_pe(tb)
            gather_desc(v + 1, tb).start(add=True)
            gather_desc(v, b).wait()
            write_desc(v, b).start()
        return ()

    lax.fori_loop(0, (NCHUNK - 5) // 3, group, ())

    for v in (NCHUNK - 3, NCHUNK - 2):
        b = v % 3
        tb = (v + 1) % 3
        write_desc(v - 2, tb).wait()
        fill_pe(tb)
        gather_desc(v + 1, tb).start(add=True)
        gather_desc(v, b).wait()
        write_desc(v, b).start()
    v = NCHUNK - 1
    b = v % 3
    gather_desc(v, b).wait()
    write_desc(v, b).start()
    for v in (NCHUNK - 3, NCHUNK - 2, NCHUNK - 1):
        write_desc(v, v % 3).wait()


@jax.jit
def kernel(token_ids, table, positional_encoding):
    ids = token_ids.astype(jnp.int32).reshape(-1)
    pe = positional_encoding[0, :SEQ_LEN].astype(jnp.float32)

    mesh = plsc.VectorSubcoreMesh(core_axis_name="c", subcore_axis_name="s")
    out = pl.kernel(
        _sc_kernel,
        mesh=mesh,
        out_type=jax.ShapeDtypeStruct((BATCH * SEQ_LEN, EMBED_DIM), jnp.float32),
        scratch_types=[
            pltpu.VMEM((ROWS_PER_W,), jnp.int32),
            pltpu.VMEM((SEQ_LEN, EMBED_DIM), jnp.float32),
        ] + [pltpu.VMEM((CHUNK, EMBED_DIM), jnp.float32)] * NBUF
          + [pltpu.SemaphoreType.DMA] * (2 * NBUF),
    )(table, ids, pe)
    return out.reshape(BATCH, SEQ_LEN, EMBED_DIM)

# --- scband reference (transcript-rebuilt; emitter-appended) ---
"""Pipeline reference for scband-embedding-14568529068188 (READ-ONLY COPY).

The authoritative reference and input builder live on the scoring server;
editing this copy changes nothing except your own understanding.
"""

import jax, jax.numpy as jnp
import numpy as np
import math

VOCAB = 100000
EMBED_DIM = 128
CONTEXT_LENGTH = 512
BATCH = 1024
SEQ_LEN = 200


def _positional_encoding(seq_len, d):
    position = jnp.arange(seq_len, dtype=jnp.float32)[:, None]
    div_term = jnp.exp(jnp.arange(0, d, 2, dtype=jnp.float32) * -(math.log(10000.0) / d))
    pe = jnp.zeros((seq_len, d), dtype=jnp.float32)
    pe = pe.at[:, 0::2].set(jnp.sin(position * div_term))
    pe = pe.at[:, 1::2].set(jnp.cos(position * div_term))
    return pe[None]  # (1, seq_len, d)


def setup_inputs(seed: int = 0) -> dict:
    key = jax.random.key(seed)
    k1, k2 = jax.random.split(key)
    token_ids = jax.random.randint(k1, (BATCH, SEQ_LEN), 0, VOCAB, dtype=jnp.int64 if jax.config.jax_enable_x64 else jnp.int32)
    # nn.Embedding default init: N(0, 1)
    table = jax.random.normal(k2, (VOCAB, EMBED_DIM), dtype=jnp.float32)
    # register_buffer positional_encoding built at init with context_length
    positional_encoding = _positional_encoding(CONTEXT_LENGTH, EMBED_DIM)
    return {"token_ids": token_ids, "table": table, "positional_encoding": positional_encoding}


def reference(token_ids, table, positional_encoding):
    # token embedding gather
    token_embedded = jnp.take(table, token_ids, axis=0)  # (B, S, D)
    seq_len = token_ids.shape[1]
    if seq_len > CONTEXT_LENGTH:
        position_encoded = _positional_encoding(seq_len, EMBED_DIM)
    else:
        position_encoded = positional_encoding[:, :seq_len, :]
    return token_embedded + position_encoded

if __name__ == "__main__":
    import jax
    _d = setup_inputs()
    print(jax.jit(kernel)(*tuple(_d.values())))

</pallas_src>

<mosaic_0001>
#map = affine_map<(d0, d1) -> (0, 0)>
#map1 = affine_map<(d0, d1) -> (0)>
module attributes {stable_mosaic.version = 14 : i64} {
  func.func @_sc_kernel(%arg0: i32, %arg1: i32, %arg2: memref<100000x128xf32, #tpu.memory_space<hbm>>, %arg3: memref<204800xi32, #tpu.memory_space<hbm>>, %arg4: memref<200x128xf32, #tpu.memory_space<hbm>>, %arg5: memref<204800x128xf32, #tpu.memory_space<hbm>>, %arg6: memref<6400xi32, #tpu.memory_space<vmem>>, %arg7: memref<200x128xf32, #tpu.memory_space<vmem>>, %arg8: memref<200x128xf32, #tpu.memory_space<vmem>>, %arg9: memref<200x128xf32, #tpu.memory_space<vmem>>, %arg10: memref<200x128xf32, #tpu.memory_space<vmem>>, %arg11: memref<!tpu.dma_semaphore, #tpu.memory_space<semaphore_mem>>, %arg12: memref<!tpu.dma_semaphore, #tpu.memory_space<semaphore_mem>>, %arg13: memref<!tpu.dma_semaphore, #tpu.memory_space<semaphore_mem>>, %arg14: memref<!tpu.dma_semaphore, #tpu.memory_space<semaphore_mem>>, %arg15: memref<!tpu.dma_semaphore, #tpu.memory_space<semaphore_mem>>, %arg16: memref<!tpu.dma_semaphore, #tpu.memory_space<semaphore_mem>>) attributes {dimension_semantics = [#tpu.dimension_semantics<core_parallel>, #tpu.dimension_semantics<subcore_parallel>], iteration_bounds = array<i64: 2, 16>, scalar_prefetch = 0 : i64, scratch_operands = 11 : i64, tpu.core_type = #tpu.core_type<sc_vector_subcore>, window_params = [{transform_indices = #map}, {transform_indices = #map1}, {transform_indices = #map}, {transform_indices = #map}]} {
    %mul3A = arith.constant 2 : i32
    %mul3A_0 = arith.muli %arg1, %mul3A : i32
    %add3A = arith.addi %mul3A_0, %arg0 : i32
    %mul3A_1 = arith.constant 6400 : i32
    %mul3A_2 = arith.muli %add3A, %mul3A_1 : i32
    "tpu.region"() ({
      %run_scoped3A = tpu.sem_alloc : memref<!tpu.dma_semaphore, #tpu.memory_space<semaphore_mem>>
      %dma_start3A_148 = tpu.memref_slice %arg3[%mul3A_2] : memref<204800xi32, #tpu.memory_space<hbm>> -> memref<6400xi32, #tpu.memory_space<hbm>>
      %dma_start3A_149 = tpu.memref_slice %arg3[%mul3A_2] : memref<204800xi32, #tpu.memory_space<hbm>> -> memref<6400xi32, #tpu.memory_space<hbm>>
      tpu.enqueue_dma source(%dma_start3A_149 : memref<6400xi32, #tpu.memory_space<hbm>>) target(%arg6 : memref<6400xi32, #tpu.memory_space<vmem>>) target_semaphore(%run_scoped3A : memref<!tpu.dma_semaphore, #tpu.memory_space<semaphore_mem>>)
      %dma_wait3A_150 = tpu.memref_slice %arg3[%mul3A_2] : memref<204800xi32, #tpu.memory_space<hbm>> -> memref<6400xi32, #tpu.memory_space<hbm>>
      %dma_wait3A_151 = tpu.memref_slice %arg3[%mul3A_2] : memref<204800xi32, #tpu.memory_space<hbm>> -> memref<6400xi32, #tpu.memory_space<hbm>>
      tpu.wait_dma2 semaphore(%run_scoped3A : memref<!tpu.dma_semaphore, #tpu.memory_space<semaphore_mem>>) src(%dma_wait3A_151 : memref<6400xi32, #tpu.memory_space<hbm>>) dst(%arg6 : memref<6400xi32, #tpu.memory_space<vmem>>)
      tpu.yield
    }) : () -> ()
    "tpu.region"() ({
      %run_scoped3A = tpu.sem_alloc : memref<!tpu.dma_semaphore, #tpu.memory_space<semaphore_mem>>
      tpu.enqueue_dma source(%arg4 : memref<200x128xf32, #tpu.memory_space<hbm>>) target(%arg7 : memref<200x128xf32, #tpu.memory_space<vmem>>) target_semaphore(%run_scoped3A : memref<!tpu.dma_semaphore, #tpu.memory_space<semaphore_mem>>)
      tpu.wait_dma2 semaphore(%run_scoped3A : memref<!tpu.dma_semaphore, #tpu.memory_space<semaphore_mem>>) src(%arg4 : memref<200x128xf32, #tpu.memory_space<hbm>>) dst(%arg7 : memref<200x128xf32, #tpu.memory_space<vmem>>)
      tpu.yield
    }) : () -> ()
    %parallel_loop3A = arith.constant 0 : i32
    %parallel_loop3A_3 = arith.constant 200 : i32
    %parallel_loop3A_4 = arith.constant 1 : i32
    scf.for %parallel_loop3A_148 = %parallel_loop3A to %parallel_loop3A_3 step %parallel_loop3A_4  : i32 {
      %parallel_loop3A_149 = arith.index_cast %parallel_loop3A_148 : i32 to index
      %parallel_loop3A_150 = arith.constant 0 : index
      %parallel_loop3A_151 = tpu.vector_load %arg7[%parallel_loop3A_149, %parallel_loop3A_150] {strides = array<i32>} : memref<200x128xf32, #tpu.memory_space<vmem>>, vector<1x16xf32>,
      %parallel_loop3A_152 = vector.shape_cast %parallel_loop3A_151 : vector<1x16xf32> to vector<16xf32>
      %parallel_loop3A_153 = arith.index_cast %parallel_loop3A_148 : i32 to index
      %parallel_loop3A_154 = arith.constant 0 : index
      %parallel_loop3A_155 = tpu.vector_load %arg8[%parallel_loop3A_153, %parallel_loop3A_154] {strides = array<i32>} : memref<200x128xf32, #tpu.memory_space<vmem>>, vector<1x16xf32>,
      %parallel_loop3A_156 = vector.shape_cast %parallel_loop3A_155 : vector<1x16xf32> to vector<16xf32>
      %parallel_loop3A_157 = vector.shape_cast %parallel_loop3A_152 : vector<16xf32> to vector<1x16xf32>
      tpu.vector_store %arg8[%parallel_loop3A_153, %parallel_loop3A_154], %parallel_loop3A_157 {strides = array<i32>} : memref<200x128xf32, #tpu.memory_space<vmem>>, vector<1x16xf32>,
      %parallel_loop3A_158 = arith.index_cast %parallel_loop3A_148 : i32 to index
      %parallel_loop3A_159 = arith.constant 16 : index
      %parallel_loop3A_160 = tpu.vector_load %arg7[%parallel_loop3A_158, %parallel_loop3A_159] {strides = array<i32>} : memref<200x128xf32, #tpu.memory_space<vmem>>, vector<1x16xf32>,
      %parallel_loop3A_161 = vector.shape_cast %parallel_loop3A_160 : vector<1x16xf32> to vector<16xf32>
      %parallel_loop3A_162 = arith.index_cast %parallel_loop3A_148 : i32 to index
      %parallel_loop3A_163 = arith.constant 16 : index
      %parallel_loop3A_164 = tpu.vector_load %arg8[%parallel_loop3A_162, %parallel_loop3A_163] {strides = array<i32>} : memref<200x128xf32, #tpu.memory_space<vmem>>, vector<1x16xf32>,
      %parallel_loop3A_165 = vector.shape_cast %parallel_loop3A_164 : vector<1x16xf32> to vector<16xf32>
      %parallel_loop3A_166 = vector.shape_cast %parallel_loop3A_161 : vector<16xf32> to vector<1x16xf32>
      tpu.vector_store %arg8[%parallel_loop3A_162, %parallel_loop3A_163], %parallel_loop3A_166 {strides = array<i32>} : memref<200x128xf32, #tpu.memory_space<vmem>>, vector<1x16xf32>,
      %parallel_loop3A_167 = arith.index_cast %parallel_loop3A_148 : i32 to index
      %parallel_loop3A_168 = arith.constant 32 : index
      %parallel_loop3A_169 = tpu.vector_load %arg7[%parallel_loop3A_167, %parallel_loop3A_168] {strides = array<i32>} : memref<200x128xf32, #tpu.memory_space<vmem>>, vector<1x16xf32>,
      %parallel_loop3A_170 = vector.shape_cast %parallel_loop3A_169 : vector<1x16xf32> to vector<16xf32>
      %parallel_loop3A_171 = arith.index_cast %parallel_loop3A_148 : i32 to index
      %parallel_loop3A_172 = arith.constant 32 : index
      %parallel_loop3A_173 = tpu.vector_load %arg8[%parallel_loop3A_171, %parallel_loop3A_172] {strides = array<i32>} : memref<200x128xf32, #tpu.memory_space<vmem>>, vector<1x16xf32>,
      %parallel_loop3A_174 = vector.shape_cast %parallel_loop3A_173 : vector<1x16xf32> to vector<16xf32>
      %parallel_loop3A_175 = vector.shape_cast %parallel_loop3A_170 : vector<16xf32> to vector<1x16xf32>
      tpu.vector_store %arg8[%parallel_loop3A_171, %parallel_loop3A_172], %parallel_loop3A_175 {strides = array<i32>} : memref<200x128xf32, #tpu.memory_space<vmem>>, vector<1x16xf32>,
      %parallel_loop3A_176 = arith.index_cast %parallel_loop3A_148 : i32 to index
      %parallel_loop3A_177 = arith.constant 48 : index
      %parallel_loop3A_178 = tpu.vector_load %arg7[%parallel_loop3A_176, %parallel_loop3A_177] {strides = array<i32>} : memref<200x128xf32, #tpu.memory_space<vmem>>, vector<1x16xf32>,
      %parallel_loop3A_179 = vector.shape_cast %parallel_loop3A_178 : vector<1x16xf32> to vector<16xf32>
      %parallel_loop3A_180 = arith.index_cast %parallel_loop3A_148 : i32 to index
      %parallel_loop3A_181 = arith.constant 48 : index
      %parallel_loop3A_182 = tpu.vector_load %arg8[%parallel_loop3A_180, %parallel_loop3A_181] {strides = array<i32>} : memref<200x128xf32, #tpu.memory_space<vmem>>, vector<1x16xf32>,
      %parallel_loop3A_183 = vector.shape_cast %parallel_loop3A_182 : vector<1x16xf32> to vector<16xf32>
      %parallel_loop3A_184 = vector.shape_cast %parallel_loop3A_179 : vector<16xf32> to vector<1x16xf32>
      tpu.vector_store %arg8[%parallel_loop3A_180, %parallel_loop3A_181], %parallel_loop3A_184 {strides = array<i32>} : memref<200x128xf32, #tpu.memory_space<vmem>>, vector<1x16xf32>,
      %parallel_loop3A_185 = arith.index_cast %parallel_loop3A_148 : i32 to index
      %parallel_loop3A_186 = arith.constant 64 : index
      %parallel_loop3A_187 = tpu.vector_load %arg7[%parallel_loop3A_185, %parallel_loop3A_186] {strides = array<i32>} : memref<200x128xf32, #tpu.memory_space<vmem>>, vector<1x16xf32>,
      %parallel_loop3A_188 = vector.shape_cast %parallel_loop3A_187 : vector<1x16xf32> to vector<16xf32>
      %parallel_loop3A_189 = arith.index_cast %parallel_loop3A_148 : i32 to index
      %parallel_loop3A_190 = arith.constant 64 : index
      %parallel_loop3A_191 = tpu.vector_load %arg8[%parallel_loop3A_189, %parallel_loop3A_190] {strides = array<i32>} : memref<200x128xf32, #tpu.memory_space<vmem>>, vector<1x16xf32>,
      %parallel_loop3A_192 = vector.shape_cast %parallel_loop3A_191 : vector<1x16xf32> to vector<16xf32>
      %parallel_loop3A_193 = vector.shape_cast %parallel_loop3A_188 : vector<16xf32> to vector<1x16xf32>
      tpu.vector_store %arg8[%parallel_loop3A_189, %parallel_loop3A_190], %parallel_loop3A_193 {strides = array<i32>} : memref<200x128xf32, #tpu.memory_space<vmem>>, vector<1x16xf32>,
      %parallel_loop3A_194 = arith.index_cast %parallel_loop3A_148 : i32 to index
      %parallel_loop3A_195 = arith.constant 80 : index
      %parallel_loop3A_196 = tpu.vector_load %arg7[%parallel_loop3A_194, %parallel_loop3A_195] {strides = array<i32>} : memref<200x128xf32, #tpu.memory_space<vmem>>, vector<1x16xf32>,
      %parallel_loop3A_197 = vector.shape_cast %parallel_loop3A_196 : vector<1x16xf32> to vector<16xf32>
      %parallel_loop3A_198 = arith.index_cast %parallel_loop3A_148 : i32 to index
      %parallel_loop3A_199 = arith.constant 80 : index
      %parallel_loop3A_200 = tpu.vector_load %arg8[%parallel_loop3A_198, %parallel_loop3A_199] {strides = array<i32>} : memref<200x128xf32, #tpu.memory_space<vmem>>, vector<1x16xf32>,
      %parallel_loop3A_201 = vector.shape_cast %parallel_loop3A_200 : vector<1x16xf32> to vector<16xf32>
      %parallel_loop3A_202 = vector.shape_cast %parallel_loop3A_197 : vector<16xf32> to vector<1x16xf32>
      tpu.vector_store %arg8[%parallel_loop3A_198, %parallel_loop3A_199], %parallel_loop3A_202 {strides = array<i32>} : memref<200x128xf32, #tpu.memory_space<vmem>>, vector<1x16xf32>,
      %parallel_loop3A_203 = arith.index_cast %parallel_loop3A_148 : i32 to index
      %parallel_loop3A_204 = arith.constant 96 : index
      %parallel_loop3A_205 = tpu.vector_load %arg7[%parallel_loop3A_203, %parallel_loop3A_204] {strides = array<i32>} : memref<200x128xf32, #tpu.memory_space<vmem>>, vector<1x16xf32>,
      %parallel_loop3A_206 = vector.shape_cast %parallel_loop3A_205 : vector<1x16xf32> to vector<16xf32>
      %parallel_loop3A_207 = arith.index_cast %parallel_loop3A_148 : i32 to index
      %parallel_loop3A_208 = arith.constant 96 : index
      %parallel_loop3A_209 = tpu.vector_load %arg8[%parallel_loop3A_207, %parallel_loop3A_208] {strides = array<i32>} : memref<200x128xf32, #tpu.memory_space<vmem>>, vector<1x16xf32>,
      %parallel_loop3A_210 = vector.shape_cast %parallel_loop3A_209 : vector<1x16xf32> to vector<16xf32>
      %parallel_loop3A_211 = vector.shape_cast %parallel_loop3A_206 : vector<16xf32> to vector<1x16xf32>
      tpu.vector_store %arg8[%parallel_loop3A_207, %parallel_loop3A_208], %parallel_loop3A_211 {strides = array<i32>} : memref<200x128xf32, #tpu.memory_space<vmem>>, vector<1x16xf32>,
      %parallel_loop3A_212 = arith.index_cast %parallel_loop3A_148 : i32 to index
      %parallel_loop3A_213 = arith.constant 112 : index
      %parallel_loop3A_214 = tpu.vector_load %arg7[%parallel_loop3A_212, %parallel_loop3A_213] {strides = array<i32>} : memref<200x128xf32, #tpu.memory_space<vmem>>, vector<1x16xf32>,
      %parallel_loop3A_215 = vector.shape_cast %parallel_loop3A_214 : vector<1x16xf32> to vector<16xf32>
      %parallel_loop3A_216 = arith.index_cast %parallel_loop3A_148 : i32 to index
      %parallel_loop3A_217 = arith.constant 112 : index
      %parallel_loop3A_218 = tpu.vector_load %arg8[%parallel_loop3A_216, %parallel_loop3A_217] {strides = array<i32>} : memref<200x128xf32, #tpu.memory_space<vmem>>, vector<1x16xf32>,
      %parallel_loop3A_219 = vector.shape_cast %parallel_loop3A_218 : vector<1x16xf32> to vector<16xf32>
      %parallel_loop3A_220 = vector.shape_cast %parallel_loop3A_215 : vector<16xf32> to vector<1x16xf32>
      tpu.vector_store %arg8[%parallel_loop3A_216, %parallel_loop3A_217], %parallel_loop3A_220 {strides = array<i32>} : memref<200x128xf32, #tpu.memory_space<vmem>>, vector<1x16xf32>,
    } {sc.loop_unroll_factor = 4 : i64, sc.parallel_access}
    %multiple_of3A = arith.constant 0 : i32
    %multiple_of3A_5 = tpu.assume_multiple %multiple_of3A, 8 : i32
    %dma_start3A = tpu.memref_slice %arg6[%multiple_of3A_5] : memref<6400xi32, #tpu.memory_space<vmem>> -> memref<200xi32, #tpu.memory_space<vmem>>
    %dma_start3A_6 = arith.constant 0 : i32
    %dma_start3A_7 = arith.constant 0 : i32
    %dma_start3A_8 = tpu.memref_slice %arg2[%dma_start3A_6, %dma_start3A_7] : memref<100000x128xf32, #tpu.memory_space<hbm>> -> memref<100000x128xf32, #tpu.memory_space<hbm>>
    tpu.enqueue_indirect_dma source(%dma_start3A_8 : memref<100000x128xf32, #tpu.memory_space<hbm>>) target(%arg8 : memref<200x128xf32, #tpu.memory_space<vmem>>) offsets(%dma_start3A : memref<200xi32, #tpu.memory_space<vmem>>) semaphore(%arg11 : memref<!tpu.dma_semaphore, #tpu.memory_space<semaphore_mem>>) {add = true}
    %parallel_loop3A_9 = arith.constant 0 : i32
    %parallel_loop3A_10 = arith.constant 200 : i32
    %parallel_loop3A_11 = arith.constant 1 : i32
    scf.for %parallel_loop3A_148 = %parallel_loop3A_9 to %parallel_loop3A_10 step %parallel_loop3A_11  : i32 {
      %parallel_loop3A_149 = arith.index_cast %parallel_loop3A_148 : i32 to index
      %parallel_loop3A_150 = arith.constant 0 : index
      %parallel_loop3A_151 = tpu.vector_load %arg7[%parallel_loop3A_149, %parallel_loop3A_150] {strides = array<i32>} : memref<200x128xf32, #tpu.memory_space<vmem>>, vector<1x16xf32>,
      %parallel_loop3A_152 = vector.shape_cast %parallel_loop3A_151 : vector<1x16xf32> to vector<16xf32>
      %parallel_loop3A_153 = arith.index_cast %parallel_loop3A_148 : i32 to index
      %parallel_loop3A_154 = arith.constant 0 : index
      %parallel_loop3A_155 = tpu.vector_load %arg9[%parallel_loop3A_153, %parallel_loop3A_154] {strides = array<i32>} : memref<200x128xf32, #tpu.memory_space<vmem>>, vector<1x16xf32>,
      %parallel_loop3A_156 = vector.shape_cast %parallel_loop3A_155 : vector<1x16xf32> to vector<16xf32>
      %parallel_loop3A_157 = vector.shape_cast %parallel_loop3A_152 : vector<16xf32> to vector<1x16xf32>
      tpu.vector_store %arg9[%parallel_loop3A_153, %parallel_loop3A_154], %parallel_loop3A_157 {strides = array<i32>} : memref<200x128xf32, #tpu.memory_space<vmem>>, vector<1x16xf32>,
      %parallel_loop3A_158 = arith.index_cast %parallel_loop3A_148 : i32 to index
      %parallel_loop3A_159 = arith.constant 16 : index
      %parallel_loop3A_160 = tpu.vector_load %arg7[%parallel_loop3A_158, %parallel_loop3A_159] {strides = array<i32>} : memref<200x128xf32, #tpu.memory_space<vmem>>, vector<1x16xf32>,
      %parallel_loop3A_161 = vector.shape_cast %parallel_loop3A_160 : vector<1x16xf32> to vector<16xf32>
      %parallel_loop3A_162 = arith.index_cast %parallel_loop3A_148 : i32 to index
      %parallel_loop3A_163 = arith.constant 16 : index
      %parallel_loop3A_164 = tpu.vector_load %arg9[%parallel_loop3A_162, %parallel_loop3A_163] {strides = array<i32>} : memref<200x128xf32, #tpu.memory_space<vmem>>, vector<1x16xf32>,
      %parallel_loop3A_165 = vector.shape_cast %parallel_loop3A_164 : vector<1x16xf32> to vector<16xf32>
      %parallel_loop3A_166 = vector.shape_cast %parallel_loop3A_161 : vector<16xf32> to vector<1x16xf32>
      tpu.vector_store %arg9[%parallel_loop3A_162, %parallel_loop3A_163], %parallel_loop3A_166 {strides = array<i32>} : memref<200x128xf32, #tpu.memory_space<vmem>>, vector<1x16xf32>,
      %parallel_loop3A_167 = arith.index_cast %parallel_loop3A_148 : i32 to index
      %parallel_loop3A_168 = arith.constant 32 : index
      %parallel_loop3A_169 = tpu.vector_load %arg7[%parallel_loop3A_167, %parallel_loop3A_168] {strides = array<i32>} : memref<200x128xf32, #tpu.memory_space<vmem>>, vector<1x16xf32>,
      %parallel_loop3A_170 = vector.shape_cast %parallel_loop3A_169 : vector<1x16xf32> to vector<16xf32>
      %parallel_loop3A_171 = arith.index_cast %parallel_loop3A_148 : i32 to index
      %parallel_loop3A_172 = arith.constant 32 : index
      %parallel_loop3A_173 = tpu.vector_load %arg9[%parallel_loop3A_171, %parallel_loop3A_172] {strides = array<i32>} : memref<200x128xf32, #tpu.memory_space<vmem>>, vector<1x16xf32>,
      %parallel_loop3A_174 = vector.shape_cast %parallel_loop3A_173 : vector<1x16xf32> to vector<16xf32>
      %parallel_loop3A_175 = vector.shape_cast %parallel_loop3A_170 : vector<16xf32> to vector<1x16xf32>
      tpu.vector_store %arg9[%parallel_loop3A_171, %parallel_loop3A_172], %parallel_loop3A_175 {strides = array<i32>} : memref<200x128xf32, #tpu.memory_space<vmem>>, vector<1x16xf32>,
      %parallel_loop3A_176 = arith.index_cast %parallel_loop3A_148 : i32 to index
      %parallel_loop3A_177 = arith.constant 48 : index
      %parallel_loop3A_178 = tpu.vector_load %arg7[%parallel_loop3A_176, %parallel_loop3A_177] {strides = array<i32>} : memref<200x128xf32, #tpu.memory_space<vmem>>, vector<1x16xf32>,
      %parallel_loop3A_179 = vector.shape_cast %parallel_loop3A_178 : vector<1x16xf32> to vector<16xf32>
      %parallel_loop3A_180 = arith.index_cast %parallel_loop3A_148 : i32 to index
      %parallel_loop3A_181 = arith.constant 48 : index
      %parallel_loop3A_182 = tpu.vector_load %arg9[%parallel_loop3A_180, %parallel_loop3A_181] {strides = array<i32>} : memref<200x128xf32, #tpu.memory_space<vmem>>, vector<1x16xf32>,
      %parallel_loop3A_183 = vector.shape_cast %parallel_loop3A_182 : vector<1x16xf32> to vector<16xf32>
      %parallel_loop3A_184 = vector.shape_cast %parallel_loop3A_179 : vector<16xf32> to vector<1x16xf32>
      tpu.vector_store %arg9[%parallel_loop3A_180, %parallel_loop3A_181], %parallel_loop3A_184 {strides = array<i32>} : memref<200x128xf32, #tpu.memory_space<vmem>>, vector<1x16xf32>,
      %parallel_loop3A_185 = arith.index_cast %parallel_loop3A_148 : i32 to index
      %parallel_loop3A_186 = arith.constant 64 : index
      %parallel_loop3A_187 = tpu.vector_load %arg7[%parallel_loop3A_185, %parallel_loop3A_186] {strides = array<i32>} : memref<200x128xf32, #tpu.memory_space<vmem>>, vector<1x16xf32>,
      %parallel_loop3A_188 = vector.shape_cast %parallel_loop3A_187 : vector<1x16xf32> to vector<16xf32>
      %parallel_loop3A_189 = arith.index_cast %parallel_loop3A_148 : i32 to index
      %parallel_loop3A_190 = arith.constant 64 : index
      %parallel_loop3A_191 = tpu.vector_load %arg9[%parallel_loop3A_189, %parallel_loop3A_190] {strides = array<i32>} : memref<200x128xf32, #tpu.memory_space<vmem>>, vector<1x16xf32>,
      %parallel_loop3A_192 = vector.shape_cast %parallel_loop3A_191 : vector<1x16xf32> to vector<16xf32>
      %parallel_loop3A_193 = vector.shape_cast %parallel_loop3A_188 : vector<16xf32> to vector<1x16xf32>
      tpu.vector_store %arg9[%parallel_loop3A_189, %parallel_loop3A_190], %parallel_loop3A_193 {strides = array<i32>} : memref<200x128xf32, #tpu.memory_space<vmem>>, vector<1x16xf32>,
      %parallel_loop3A_194 = arith.index_cast %parallel_loop3A_148 : i32 to index
      %parallel_loop3A_195 = arith.constant 80 : index
      %parallel_loop3A_196 = tpu.vector_load %arg7[%parallel_loop3A_194, %parallel_loop3A_195] {strides = array<i32>} : memref<200x128xf32, #tpu.memory_space<vmem>>, vector<1x16xf32>,
      %parallel_loop3A_197 = vector.shape_cast %parallel_loop3A_196 : vector<1x16xf32> to vector<16xf32>
      %parallel_loop3A_198 = arith.index_cast %parallel_loop3A_148 : i32 to index
      %parallel_loop3A_199 = arith.constant 80 : index
      %parallel_loop3A_200 = tpu.vector_load %arg9[%parallel_loop3A_198, %parallel_loop3A_199] {strides = array<i32>} : memref<200x128xf32, #tpu.memory_space<vmem>>, vector<1x16xf32>,
      %parallel_loop3A_201 = vector.shape_cast %parallel_loop3A_200 : vector<1x16xf32> to vector<16xf32>
      %parallel_loop3A_202 = vector.shape_cast %parallel_loop3A_197 : vector<16xf32> to vector<1x16xf32>
      tpu.vector_store %arg9[%parallel_loop3A_198, %parallel_loop3A_199], %parallel_loop3A_202 {strides = array<i32>} : memref<200x128xf32, #tpu.memory_space<vmem>>, vector<1x16xf32>,
      %parallel_loop3A_203 = arith.index_cast %parallel_loop3A_148 : i32 to index
      %parallel_loop3A_204 = arith.constant 96 : index
      %parallel_loop3A_205 = tpu.vector_load %arg7[%parallel_loop3A_203, %parallel_loop3A_204] {strides = array<i32>} : memref<200x128xf32, #tpu.memory_space<vmem>>, vector<1x16xf32>,
      %parallel_loop3A_206 = vector.shape_cast %parallel_loop3A_205 : vector<1x16xf32> to vector<16xf32>
      %parallel_loop3A_207 = arith.index_cast %parallel_loop3A_148 : i32 to index
      %parallel_loop3A_208 = arith.constant 96 : index
      %parallel_loop3A_209 = tpu.vector_load %arg9[%parallel_loop3A_207, %parallel_loop3A_208] {strides = array<i32>} : memref<200x128xf32, #tpu.memory_space<vmem>>, vector<1x16xf32>,
      %parallel_loop3A_210 = vector.shape_cast %parallel_loop3A_209 : vector<1x16xf32> to vector<16xf32>
      %parallel_loop3A_211 = vector.shape_cast %parallel_loop3A_206 : vector<16xf32> to vector<1x16xf32>
      tpu.vector_store %arg9[%parallel_loop3A_207, %parallel_loop3A_208], %parallel_loop3A_211 {strides = array<i32>} : memref<200x128xf32, #tpu.memory_space<vmem>>, vector<1x16xf32>,
      %parallel_loop3A_212 = arith.index_cast %parallel_loop3A_148 : i32 to index
      %parallel_loop3A_213 = arith.constant 112 : index
      %parallel_loop3A_214 = tpu.vector_load %arg7[%parallel_loop3A_212, %parallel_loop3A_213] {strides = array<i32>} : memref<200x128xf32, #tpu.memory_space<vmem>>, vector<1x16xf32>,
      %parallel_loop3A_215 = vector.shape_cast %parallel_loop3A_214 : vector<1x16xf32> to vector<16xf32>
      %parallel_loop3A_216 = arith.index_cast %parallel_loop3A_148 : i32 to index
      %parallel_loop3A_217 = arith.constant 112 : index
      %parallel_loop3A_218 = tpu.vector_load %arg9[%parallel_loop3A_216, %parallel_loop3A_217] {strides = array<i32>} : memref<200x128xf32, #tpu.memory_space<vmem>>, vector<1x16xf32>,
      %parallel_loop3A_219 = vector.shape_cast %parallel_loop3A_218 : vector<1x16xf32> to vector<16xf32>
      %parallel_loop3A_220 = vector.shape_cast %parallel_loop3A_215 : vector<16xf32> to vector<1x16xf32>
      tpu.vector_store %arg9[%parallel_loop3A_216, %parallel_loop3A_217], %parallel_loop3A_220 {strides = array<i32>} : memref<200x128xf32, #tpu.memory_space<vmem>>, vector<1x16xf32>,
    } {sc.loop_unroll_factor = 4 : i64, sc.parallel_access}
    %multiple_of3A_12 = arith.constant 200 : i32
    %multiple_of3A_13 = tpu.assume_multiple %multiple_of3A_12, 8 : i32
    %dma_start3A_14 = tpu.memref_slice %arg6[%multiple_of3A_13] : memref<6400xi32, #tpu.memory_space<vmem>> -> memref<200xi32, #tpu.memory_space<vmem>>
    %dma_start3A_15 = arith.constant 0 : i32
    %dma_start3A_16 = arith.constant 0 : i32
    %dma_start3A_17 = tpu.memref_slice %arg2[%dma_start3A_15, %dma_start3A_16] : memref<100000x128xf32, #tpu.memory_space<hbm>> -> memref<100000x128xf32, #tpu.memory_space<hbm>>
    tpu.enqueue_indirect_dma source(%dma_start3A_17 : memref<100000x128xf32, #tpu.memory_space<hbm>>) target(%arg9 : memref<200x128xf32, #tpu.memory_space<vmem>>) offsets(%dma_start3A_14 : memref<200xi32, #tpu.memory_space<vmem>>) semaphore(%arg12 : memref<!tpu.dma_semaphore, #tpu.memory_space<semaphore_mem>>) {add = true}
    %parallel_loop3A_18 = arith.constant 0 : i32
    %parallel_loop3A_19 = arith.constant 200 : i32
    %parallel_loop3A_20 = arith.constant 1 : i32
    scf.for %parallel_loop3A_148 = %parallel_loop3A_18 to %parallel_loop3A_19 step %parallel_loop3A_20  : i32 {
      %parallel_loop3A_149 = arith.index_cast %parallel_loop3A_148 : i32 to index
      %parallel_loop3A_150 = arith.constant 0 : index
      %parallel_loop3A_151 = tpu.vector_load %arg7[%parallel_loop3A_149, %parallel_loop3A_150] {strides = array<i32>} : memref<200x128xf32, #tpu.memory_space<vmem>>, vector<1x16xf32>,
      %parallel_loop3A_152 = vector.shape_cast %parallel_loop3A_151 : vector<1x16xf32> to vector<16xf32>
      %parallel_loop3A_153 = arith.index_cast %parallel_loop3A_148 : i32 to index
      %parallel_loop3A_154 = arith.constant 0 : index
      %parallel_loop3A_155 = tpu.vector_load %arg10[%parallel_loop3A_153, %parallel_loop3A_154] {strides = array<i32>} : memref<200x128xf32, #tpu.memory_space<vmem>>, vector<1x16xf32>,
      %parallel_loop3A_156 = vector.shape_cast %parallel_loop3A_155 : vector<1x16xf32> to vector<16xf32>
      %parallel_loop3A_157 = vector.shape_cast %parallel_loop3A_152 : vector<16xf32> to vector<1x16xf32>
      tpu.vector_store %arg10[%parallel_loop3A_153, %parallel_loop3A_154], %parallel_loop3A_157 {strides = array<i32>} : memref<200x128xf32, #tpu.memory_space<vmem>>, vector<1x16xf32>,
      %parallel_loop3A_158 = arith.index_cast %parallel_loop3A_148 : i32 to index
      %parallel_loop3A_159 = arith.constant 16 : index
      %parallel_loop3A_160 = tpu.vector_load %arg7[%parallel_loop3A_158, %parallel_loop3A_159] {strides = array<i32>} : memref<200x128xf32, #tpu.memory_space<vmem>>, vector<1x16xf32>,
      %parallel_loop3A_161 = vector.shape_cast %parallel_loop3A_160 : vector<1x16xf32> to vector<16xf32>
      %parallel_loop3A_162 = arith.index_cast %parallel_loop3A_148 : i32 to index
      %parallel_loop3A_163 = arith.constant 16 : index
      %parallel_loop3A_164 = tpu.vector_load %arg10[%parallel_loop3A_162, %parallel_loop3A_163] {strides = array<i32>} : memref<200x128xf32, #tpu.memory_space<vmem>>, vector<1x16xf32>,
      %parallel_loop3A_165 = vector.shape_cast %parallel_loop3A_164 : vector<1x16xf32> to vector<16xf32>
      %parallel_loop3A_166 = vector.shape_cast %parallel_loop3A_161 : vector<16xf32> to vector<1x16xf32>
      tpu.vector_store %arg10[%parallel_loop3A_162, %parallel_loop3A_163], %parallel_loop3A_166 {strides = array<i32>} : memref<200x128xf32, #tpu.memory_space<vmem>>, vector<1x16xf32>,
      %parallel_loop3A_167 = arith.index_cast %parallel_loop3A_148 : i32 to index
      %parallel_loop3A_168 = arith.constant 32 : index
      %parallel_loop3A_169 = tpu.vector_load %arg7[%parallel_loop3A_167, %parallel_loop3A_168] {strides = array<i32>} : memref<200x128xf32, #tpu.memory_space<vmem>>, vector<1x16xf32>,
      %parallel_loop3A_170 = vector.shape_cast %parallel_loop3A_169 : vector<1x16xf32> to vector<16xf32>
      %parallel_loop3A_171 = arith.index_cast %parallel_loop3A_148 : i32 to index
      %parallel_loop3A_172 = arith.constant 32 : index
      %parallel_loop3A_173 = tpu.vector_load %arg10[%parallel_loop3A_171, %parallel_loop3A_172] {strides = array<i32>} : memref<200x128xf32, #tpu.memory_space<vmem>>, vector<1x16xf32>,
      %parallel_loop3A_174 = vector.shape_cast %parallel_loop3A_173 : vector<1x16xf32> to vector<16xf32>
      %parallel_loop3A_175 = vector.shape_cast %parallel_loop3A_170 : vector<16xf32> to vector<1x16xf32>
      tpu.vector_store %arg10[%parallel_loop3A_171, %parallel_loop3A_172], %parallel_loop3A_175 {strides = array<i32>} : memref<200x128xf32, #tpu.memory_space<vmem>>, vector<1x16xf32>,
      %parallel_loop3A_176 = arith.index_cast %parallel_loop3A_148 : i32 to index
      %parallel_loop3A_177 = arith.constant 48 : index
      %parallel_loop3A_178 = tpu.vector_load %arg7[%parallel_loop3A_176, %parallel_loop3A_177] {strides = array<i32>} : memref<200x128xf32, #tpu.memory_space<vmem>>, vector<1x16xf32>,
      %parallel_loop3A_179 = vector.shape_cast %parallel_loop3A_178 : vector<1x16xf32> to vector<16xf32>
      %parallel_loop3A_180 = arith.index_cast %parallel_loop3A_148 : i32 to index
      %parallel_loop3A_181 = arith.constant 48 : index
      %parallel_loop3A_182 = tpu.vector_load %arg10[%parallel_loop3A_180, %parallel_loop3A_181] {strides = array<i32>} : memref<200x128xf32, #tpu.memory_space<vmem>>, vector<1x16xf32>,
      %parallel_loop3A_183 = vector.shape_cast %parallel_loop3A_182 : vector<1x16xf32> to vector<16xf32>
      %parallel_loop3A_184 = vector.shape_cast %parallel_loop3A_179 : vector<16xf32> to vector<1x16xf32>
      tpu.vector_store %arg10[%parallel_loop3A_180, %parallel_loop3A_181], %parallel_loop3A_184 {strides = array<i32>} : memref<200x128xf32, #tpu.memory_space<vmem>>, vector<1x16xf32>,
      %parallel_loop3A_185 = arith.index_cast %parallel_loop3A_148 : i32 to index
      %parallel_loop3A_186 = arith.constant 64 : index
      %parallel_loop3A_187 = tpu.vector_load %arg7[%parallel_loop3A_185, %parallel_loop3A_186] {strides = array<i32>} : memref<200x128xf32, #tpu.memory_space<vmem>>, vector<1x16xf32>,
      %parallel_loop3A_188 = vector.shape_cast %parallel_loop3A_187 : vector<1x16xf32> to vector<16xf32>
      %parallel_loop3A_189 = arith.index_cast %parallel_loop3A_148 : i32 to index
      %parallel_loop3A_190 = arith.constant 64 : index
      %parallel_loop3A_191 = tpu.vector_load %arg10[%parallel_loop3A_189, %parallel_loop3A_190] {strides = array<i32>} : memref<200x128xf32, #tpu.memory_space<vmem>>, vector<1x16xf32>,
      %parallel_loop3A_192 = vector.shape_cast %parallel_loop3A_191 : vector<1x16xf32> to vector<16xf32>
      %parallel_loop3A_193 = vector.shape_cast %parallel_loop3A_188 : vector<16xf32> to vector<1x16xf32>
      tpu.vector_store %arg10[%parallel_loop3A_189, %parallel_loop3A_190], %parallel_loop3A_193 {strides = array<i32>} : memref<200x128xf32, #tpu.memory_space<vmem>>, vector<1x16xf32>,
      %parallel_loop3A_194 = arith.index_cast %parallel_loop3A_148 : i32 to index
      %parallel_loop3A_195 = arith.constant 80 : index
      %parallel_loop3A_196 = tpu.vector_load %arg7[%parallel_loop3A_194, %parallel_loop3A_195] {strides = array<i32>} : memref<200x128xf32, #tpu.memory_space<vmem>>, vector<1x16xf32>,
      %parallel_loop3A_197 = vector.shape_cast %parallel_loop3A_196 : vector<1x16xf32> to vector<16xf32>
      %parallel_loop3A_198 = arith.index_cast %parallel_loop3A_148 : i32 to index
      %parallel_loop3A_199 = arith.constant 80 : index
      %parallel_loop3A_200 = tpu.vector_load %arg10[%parallel_loop3A_198, %parallel_loop3A_199] {strides = array<i32>} : memref<200x128xf32, #tpu.memory_space<vmem>>, vector<1x16xf32>,
      %parallel_loop3A_201 = vector.shape_cast %parallel_loop3A_200 : vector<1x16xf32> to vector<16xf32>
      %parallel_loop3A_202 = vector.shape_cast %parallel_loop3A_197 : vector<16xf32> to vector<1x16xf32>
      tpu.vector_store %arg10[%parallel_loop3A_198, %parallel_loop3A_199], %parallel_loop3A_202 {strides = array<i32>} : memref<200x128xf32, #tpu.memory_space<vmem>>, vector<1x16xf32>,
      %parallel_loop3A_203 = arith.index_cast %parallel_loop3A_148 : i32 to index
      %parallel_loop3A_204 = arith.constant 96 : index
      %parallel_loop3A_205 = tpu.vector_load %arg7[%parallel_loop3A_203, %parallel_loop3A_204] {strides = array<i32>} : memref<200x128xf32, #tpu.memory_space<vmem>>, vector<1x16xf32>,
      %parallel_loop3A_206 = vector.shape_cast %parallel_loop3A_205 : vector<1x16xf32> to vector<16xf32>
      %parallel_loop3A_207 = arith.index_cast %parallel_loop3A_148 : i32 to index
      %parallel_loop3A_208 = arith.constant 96 : index
      %parallel_loop3A_209 = tpu.vector_load %arg10[%parallel_loop3A_207, %parallel_loop3A_208] {strides = array<i32>} : memref<200x128xf32, #tpu.memory_space<vmem>>, vector<1x16xf32>,
      %parallel_loop3A_210 = vector.shape_cast %parallel_loop3A_209 : vector<1x16xf32> to vector<16xf32>
      %parallel_loop3A_211 = vector.shape_cast %parallel_loop3A_206 : vector<16xf32> to vector<1x16xf32>
      tpu.vector_store %arg10[%parallel_loop3A_207, %parallel_loop3A_208], %parallel_loop3A_211 {strides = array<i32>} : memref<200x128xf32, #tpu.memory_space<vmem>>, vector<1x16xf32>,
      %parallel_loop3A_212 = arith.index_cast %parallel_loop3A_148 : i32 to index
      %parallel_loop3A_213 = arith.constant 112 : index
      %parallel_loop3A_214 = tpu.vector_load %arg7[%parallel_loop3A_212, %parallel_loop3A_213] {strides = array<i32>} : memref<200x128xf32, #tpu.memory_space<vmem>>, vector<1x16xf32>,
      %parallel_loop3A_215 = vector.shape_cast %parallel_loop3A_214 : vector<1x16xf32> to vector<16xf32>
      %parallel_loop3A_216 = arith.index_cast %parallel_loop3A_148 : i32 to index
      %parallel_loop3A_217 = arith.constant 112 : index
      %parallel_loop3A_218 = tpu.vector_load %arg10[%parallel_loop3A_216, %parallel_loop3A_217] {strides = array<i32>} : memref<200x128xf32, #tpu.memory_space<vmem>>, vector<1x16xf32>,
      %parallel_loop3A_219 = vector.shape_cast %parallel_loop3A_218 : vector<1x16xf32> to vector<16xf32>
      %parallel_loop3A_220 = vector.shape_cast %parallel_loop3A_215 : vector<16xf32> to vector<1x16xf32>
      tpu.vector_store %arg10[%parallel_loop3A_216, %parallel_loop3A_217], %parallel_loop3A_220 {strides = array<i32>} : memref<200x128xf32, #tpu.memory_space<vmem>>, vector<1x16xf32>,
    } {sc.loop_unroll_factor = 4 : i64, sc.parallel_access}
    %multiple_of3A_21 = arith.constant 400 : i32
    %multiple_of3A_22 = tpu.assume_multiple %multiple_of3A_21, 8 : i32
    %dma_start3A_23 = tpu.memref_slice %arg6[%multiple_of3A_22] : memref<6400xi32, #tpu.memory_space<vmem>> -> memref<200xi32, #tpu.memory_space<vmem>>
    %dma_start3A_24 = arith.constant 0 : i32
    %dma_start3A_25 = arith.constant 0 : i32
    %dma_start3A_26 = tpu.memref_slice %arg2[%dma_start3A_24, %dma_start3A_25] : memref<100000x128xf32, #tpu.memory_space<hbm>> -> memref<100000x128xf32, #tpu.memory_space<hbm>>
    tpu.enqueue_indirect_dma source(%dma_start3A_26 : memref<100000x128xf32, #tpu.memory_space<hbm>>) target(%arg10 : memref<200x128xf32, #tpu.memory_space<vmem>>) offsets(%dma_start3A_23 : memref<200xi32, #tpu.memory_space<vmem>>) semaphore(%arg13 : memref<!tpu.dma_semaphore, #tpu.memory_space<semaphore_mem>>) {add = true}
    %multiple_of3A_27 = arith.constant 0 : i32
    %multiple_of3A_28 = tpu.assume_multiple %multiple_of3A_27, 8 : i32
    %dma_wait3A = tpu.memref_slice %arg6[%multiple_of3A_28] : memref<6400xi32, #tpu.memory_space<vmem>> -> memref<200xi32, #tpu.memory_space<vmem>>
    %dma_wait3A_29 = arith.constant 0 : i32
    %dma_wait3A_30 = arith.constant 0 : i32
    %dma_wait3A_31 = tpu.memref_slice %arg2[%dma_wait3A_29, %dma_wait3A_30] : memref<100000x128xf32, #tpu.memory_space<hbm>> -> memref<100000x128xf32, #tpu.memory_space<hbm>>
    tpu.wait_indirect_dma semaphore(%arg11 : memref<!tpu.dma_semaphore, #tpu.memory_space<semaphore_mem>>) src(%dma_wait3A_31 : memref<100000x128xf32, #tpu.memory_space<hbm>>) dst(%arg8 : memref<200x128xf32, #tpu.memory_space<vmem>>)
    %multiple_of3A_32 = arith.constant 0 : i32
    %multiple_of3A_33 = tpu.assume_multiple %multiple_of3A_32, 8 : i32
    %add3A_34 = arith.addi %mul3A_2, %multiple_of3A_33 : i32
    %dma_start3A_35 = arith.constant 0 : i32
    %dma_start3A_36 = tpu.memref_slice %arg5[%add3A_34, %dma_start3A_35] : memref<204800x128xf32, #tpu.memory_space<hbm>> -> memref<200x128xf32, #tpu.memory_space<hbm>>
    %dma_start3A_37 = arith.constant 0 : i32
    %dma_start3A_38 = tpu.memref_slice %arg5[%add3A_34, %dma_start3A_37] : memref<204800x128xf32, #tpu.memory_space<hbm>> -> memref<200x128xf32, #tpu.memory_space<hbm>>
    tpu.enqueue_dma source(%arg8 : memref<200x128xf32, #tpu.memory_space<vmem>>) target(%dma_start3A_38 : memref<200x128xf32, #tpu.memory_space<hbm>>) target_semaphore(%arg14 : memref<!tpu.dma_semaphore, #tpu.memory_space<semaphore_mem>>)
    %multiple_of3A_39 = arith.constant 200 : i32
    %multiple_of3A_40 = tpu.assume_multiple %multiple_of3A_39, 8 : i32
    %dma_wait3A_41 = tpu.memref_slice %arg6[%multiple_of3A_40] : memref<6400xi32, #tpu.memory_space<vmem>> -> memref<200xi32, #tpu.memory_space<vmem>>
    %dma_wait3A_42 = arith.constant 0 : i32
    %dma_wait3A_43 = arith.constant 0 : i32
    %dma_wait3A_44 = tpu.memref_slice %arg2[%dma_wait3A_42, %dma_wait3A_43] : memref<100000x128xf32, #tpu.memory_space<hbm>> -> memref<100000x128xf32, #tpu.memory_space<hbm>>
    tpu.wait_indirect_dma semaphore(%arg12 : memref<!tpu.dma_semaphore, #tpu.memory_space<semaphore_mem>>) src(%dma_wait3A_44 : memref<100000x128xf32, #tpu.memory_space<hbm>>) dst(%arg9 : memref<200x128xf32, #tpu.memory_space<vmem>>)
    %multiple_of3A_45 = arith.constant 200 : i32
    %multiple_of3A_46 = tpu.assume_multiple %multiple_of3A_45, 8 : i32
    %add3A_47 = arith.addi %mul3A_2, %multiple_of3A_46 : i32
    %dma_start3A_48 = arith.constant 0 : i32
    %dma_start3A_49 = tpu.memref_slice %arg5[%add3A_47, %dma_start3A_48] : memref<204800x128xf32, #tpu.memory_space<hbm>> -> memref<200x128xf32, #tpu.memory_space<hbm>>
    %dma_start3A_50 = arith.constant 0 : i32
    %dma_start3A_51 = tpu.memref_slice %arg5[%add3A_47, %dma_start3A_50] : memref<204800x128xf32, #tpu.memory_space<hbm>> -> memref<200x128xf32, #tpu.memory_space<hbm>>
    tpu.enqueue_dma source(%arg9 : memref<200x128xf32, #tpu.memory_space<vmem>>) target(%dma_start3A_51 : memref<200x128xf32, #tpu.memory_space<hbm>>) target_semaphore(%arg15 : memref<!tpu.dma_semaphore, #tpu.memory_space<semaphore_mem>>)
    %scan3A = arith.constant 0 : i32
    %scan3A_52 = arith.constant 9 : i32
    %scan3A_53 = arith.addi %scan3A, %scan3A_52 : i32
    %scan3A_54 = arith.constant 1 : i32
    scf.for %scan3A_148 = %scan3A to %scan3A_53 step %scan3A_54  : i32 {
      %mul3A_149 = arith.constant 3 : i32
      %mul3A_150 = arith.muli %scan3A_148, %mul3A_149 : i32
      %add3A_151 = arith.constant 2 : i32
      %add3A_152 = arith.addi %add3A_151, %mul3A_150 : i32
      %add3A_153 = arith.constant 0 : i32
      %add3A_154 = arith.addi %add3A_152, %add3A_153 : i32
      %sub3A = arith.constant 2 : i32
      %sub3A_155 = arith.subi %add3A_154, %sub3A : i32
      %mul3A_156 = arith.constant 200 : i32
      %mul3A_157 = arith.muli %sub3A_155, %mul3A_156 : i32
      %multiple_of3A_158 = tpu.assume_multiple %mul3A_157, 8 : i32
      %add3A_159 = arith.addi %mul3A_2, %multiple_of3A_158 : i32
      %dma_wait3A_160 = arith.constant 0 : i32
      %dma_wait3A_161 = tpu.memref_slice %arg5[%add3A_159, %dma_wait3A_160] : memref<204800x128xf32, #tpu.memory_space<hbm>> -> memref<200x128xf32, #tpu.memory_space<hbm>>
      %dma_wait3A_162 = arith.constant 0 : i32
      %dma_wait3A_163 = tpu.memref_slice %arg5[%add3A_159, %dma_wait3A_162] : memref<204800x128xf32, #tpu.memory_space<hbm>> -> memref<200x128xf32, #tpu.memory_space<hbm>>
      tpu.wait_dma2 semaphore(%arg14 : memref<!tpu.dma_semaphore, #tpu.memory_space<semaphore_mem>>) src(%arg8 : memref<200x128xf32, #tpu.memory_space<vmem>>) dst(%dma_wait3A_163 : memref<200x128xf32, #tpu.memory_space<hbm>>)
      %parallel_loop3A_164 = arith.constant 0 : i32
      %parallel_loop3A_165 = arith.constant 200 : i32
      %parallel_loop3A_166 = arith.constant 1 : i32
      scf.for %parallel_loop3A_269 = %parallel_loop3A_164 to %parallel_loop3A_165 step %parallel_loop3A_166  : i32 {
        %parallel_loop3A_270 = arith.index_cast %parallel_loop3A_269 : i32 to index
        %parallel_loop3A_271 = arith.constant 0 : index
        %parallel_loop3A_272 = tpu.vector_load %arg7[%parallel_loop3A_270, %parallel_loop3A_271] {strides = array<i32>} : memref<200x128xf32, #tpu.memory_space<vmem>>, vector<1x16xf32>,
        %parallel_loop3A_273 = vector.shape_cast %parallel_loop3A_272 : vector<1x16xf32> to vector<16xf32>
        %parallel_loop3A_274 = arith.index_cast %parallel_loop3A_269 : i32 to index
        %parallel_loop3A_275 = arith.constant 0 : index
        %parallel_loop3A_276 = tpu.vector_load %arg8[%parallel_loop3A_274, %parallel_loop3A_275] {strides = array<i32>} : memref<200x128xf32, #tpu.memory_space<vmem>>, vector<1x16xf32>,
        %parallel_loop3A_277 = vector.shape_cast %parallel_loop3A_276 : vector<1x16xf32> to vector<16xf32>
        %parallel_loop3A_278 = vector.shape_cast %parallel_loop3A_273 : vector<16xf32> to vector<1x16xf32>
        tpu.vector_store %arg8[%parallel_loop3A_274, %parallel_loop3A_275], %parallel_loop3A_278 {strides = array<i32>} : memref<200x128xf32, #tpu.memory_space<vmem>>, vector<1x16xf32>,
        %parallel_loop3A_279 = arith.index_cast %parallel_loop3A_269 : i32 to index
        %parallel_loop3A_280 = arith.constant 16 : index
        %parallel_loop3A_281 = tpu.vector_load %arg7[%parallel_loop3A_279, %parallel_loop3A_280] {strides = array<i32>} : memref<200x128xf32, #tpu.memory_space<vmem>>, vector<1x16xf32>,
        %parallel_loop3A_282 = vector.shape_cast %parallel_loop3A_281 : vector<1x16xf32> to vector<16xf32>
        %parallel_loop3A_283 = arith.index_cast %parallel_loop3A_269 : i32 to index
        %parallel_loop3A_284 = arith.constant 16 : index
        %parallel_loop3A_285 = tpu.vector_load %arg8[%parallel_loop3A_283, %parallel_loop3A_284] {strides = array<i32>} : memref<200x128xf32, #tpu.memory_space<vmem>>, vector<1x16xf32>,
        %parallel_loop3A_286 = vector.shape_cast %parallel_loop3A_285 : vector<1x16xf32> to vector<16xf32>
        %parallel_loop3A_287 = vector.shape_cast %parallel_loop3A_282 : vector<16xf32> to vector<1x16xf32>
        tpu.vector_store %arg8[%parallel_loop3A_283, %parallel_loop3A_284], %parallel_loop3A_287 {strides = array<i32>} : memref<200x128xf32, #tpu.memory_space<vmem>>, vector<1x16xf32>,
        %parallel_loop3A_288 = arith.index_cast %parallel_loop3A_269 : i32 to index
        %parallel_loop3A_289 = arith.constant 32 : index
        %parallel_loop3A_290 = tpu.vector_load %arg7[%parallel_loop3A_288, %parallel_loop3A_289] {strides = array<i32>} : memref<200x128xf32, #tpu.memory_space<vmem>>, vector<1x16xf32>,
        %parallel_loop3A_291 = vector.shape_cast %parallel_loop3A_290 : vector<1x16xf32> to vector<16xf32>
        %parallel_loop3A_292 = arith.index_cast %parallel_loop3A_269 : i32 to index
        %parallel_loop3A_293 = arith.constant 32 : index
        %parallel_loop3A_294 = tpu.vector_load %arg8[%parallel_loop3A_292, %parallel_loop3A_293] {strides = array<i32>} : memref<200x128xf32, #tpu.memory_space<vmem>>, vector<1x16xf32>,
        %parallel_loop3A_295 = vector.shape_cast %parallel_loop3A_294 : vector<1x16xf32> to vector<16xf32>
        %parallel_loop3A_296 = vector.shape_cast %parallel_loop3A_291 : vector<16xf32> to vector<1x16xf32>
        tpu.vector_store %arg8[%parallel_loop3A_292, %parallel_loop3A_293], %parallel_loop3A_296 {strides = array<i32>} : memref<200x128xf32, #tpu.memory_space<vmem>>, vector<1x16xf32>,
        %parallel_loop3A_297 = arith.index_cast %parallel_loop3A_269 : i32 to index
        %parallel_loop3A_298 = arith.constant 48 : index
        %parallel_loop3A_299 = tpu.vector_load %arg7[%parallel_loop3A_297, %parallel_loop3A_298] {strides = array<i32>} : memref<200x128xf32, #tpu.memory_space<vmem>>, vector<1x16xf32>,
        %parallel_loop3A_300 = vector.shape_cast %parallel_loop3A_299 : vector<1x16xf32> to vector<16xf32>
        %parallel_loop3A_301 = arith.index_cast %parallel_loop3A_269 : i32 to index
        %parallel_loop3A_302 = arith.constant 48 : index
        %parallel_loop3A_303 = tpu.vector_load %arg8[%parallel_loop3A_301, %parallel_loop3A_302] {strides = array<i32>} : memref<200x128xf32, #tpu.memory_space<vmem>>, vector<1x16xf32>,
        %parallel_loop3A_304 = vector.shape_cast %parallel_loop3A_303 : vector<1x16xf32> to vector<16xf32>
        %parallel_loop3A_305 = vector.shape_cast %parallel_loop3A_300 : vector<16xf32> to vector<1x16xf32>
        tpu.vector_store %arg8[%parallel_loop3A_301, %parallel_loop3A_302], %parallel_loop3A_305 {strides = array<i32>} : memref<200x128xf32, #tpu.memory_space<vmem>>, vector<1x16xf32>,
        %parallel_loop3A_306 = arith.index_cast %parallel_loop3A_269 : i32 to index
        %parallel_loop3A_307 = arith.constant 64 : index
        %parallel_loop3A_308 = tpu.vector_load %arg7[%parallel_loop3A_306, %parallel_loop3A_307] {strides = array<i32>} : memref<200x128xf32, #tpu.memory_space<vmem>>, vector<1x16xf32>,
        %parallel_loop3A_309 = vector.shape_cast %parallel_loop3A_308 : vector<1x16xf32> to vector<16xf32>
        %parallel_loop3A_310 = arith.index_cast %parallel_loop3A_269 : i32 to index
        %parallel_loop3A_311 = arith.constant 64 : index
        %parallel_loop3A_312 = tpu.vector_load %arg8[%parallel_loop3A_310, %parallel_loop3A_311] {strides = array<i32>} : memref<200x128xf32, #tpu.memory_space<vmem>>, vector<1x16xf32>,
        %parallel_loop3A_313 = vector.shape_cast %parallel_loop3A_312 : vector<1x16xf32> to vector<16xf32>
        %parallel_loop3A_314 = vector.shape_cast %parallel_loop3A_309 : vector<16xf32> to vector<1x16xf32>
        tpu.vector_store %arg8[%parallel_loop3A_310, %parallel_loop3A_311], %parallel_loop3A_314 {strides = array<i32>} : memref<200x128xf32, #tpu.memory_space<vmem>>, vector<1x16xf32>,
        %parallel_loop3A_315 = arith.index_cast %parallel_loop3A_269 : i32 to index
        %parallel_loop3A_316 = arith.constant 80 : index
        %parallel_loop3A_317 = tpu.vector_load %arg7[%parallel_loop3A_315, %parallel_loop3A_316] {strides = array<i32>} : memref<200x128xf32, #tpu.memory_space<vmem>>, vector<1x16xf32>,
        %parallel_loop3A_318 = vector.shape_cast %parallel_loop3A_317 : vector<1x16xf32> to vector<16xf32>
        %parallel_loop3A_319 = arith.index_cast %parallel_loop3A_269 : i32 to index
        %parallel_loop3A_320 = arith.constant 80 : index
        %parallel_loop3A_321 = tpu.vector_load %arg8[%parallel_loop3A_319, %parallel_loop3A_320] {strides = array<i32>} : memref<200x128xf32, #tpu.memory_space<vmem>>, vector<1x16xf32>,
        %parallel_loop3A_322 = vector.shape_cast %parallel_loop3A_321 : vector<1x16xf32> to vector<16xf32>
        %parallel_loop3A_323 = vector.shape_cast %parallel_loop3A_318 : vector<16xf32> to vector<1x16xf32>
        tpu.vector_store %arg8[%parallel_loop3A_319, %parallel_loop3A_320], %parallel_loop3A_323 {strides = array<i32>} : memref<200x128xf32, #tpu.memory_space<vmem>>, vector<1x16xf32>,
        %parallel_loop3A_324 = arith.index_cast %parallel_loop3A_269 : i32 to index
        %parallel_loop3A_325 = arith.constant 96 : index
        %parallel_loop3A_326 = tpu.vector_load %arg7[%parallel_loop3A_324, %parallel_loop3A_325] {strides = array<i32>} : memref<200x128xf32, #tpu.memory_space<vmem>>, vector<1x16xf32>,
        %parallel_loop3A_327 = vector.shape_cast %parallel_loop3A_326 : vector<1x16xf32> to vector<16xf32>
        %parallel_loop3A_328 = arith.index_cast %parallel_loop3A_269 : i32 to index
        %parallel_loop3A_329 = arith.constant 96 : index
        %parallel_loop3A_330 = tpu.vector_load %arg8[%parallel_loop3A_328, %parallel_loop3A_329] {strides = array<i32>} : memref<200x128xf32, #tpu.memory_space<vmem>>, vector<1x16xf32>,
        %parallel_loop3A_331 = vector.shape_cast %parallel_loop3A_330 : vector<1x16xf32> to vector<16xf32>
        %parallel_loop3A_332 = vector.shape_cast %parallel_loop3A_327 : vector<16xf32> to vector<1x16xf32>
        tpu.vector_store %arg8[%parallel_loop3A_328, %parallel_loop3A_329], %parallel_loop3A_332 {strides = array<i32>} : memref<200x128xf32, #tpu.memory_space<vmem>>, vector<1x16xf32>,
        %parallel_loop3A_333 = arith.index_cast %parallel_loop3A_269 : i32 to index
        %parallel_loop3A_334 = arith.constant 112 : index
        %parallel_loop3A_335 = tpu.vector_load %arg7[%parallel_loop3A_333, %parallel_loop3A_334] {strides = array<i32>} : memref<200x128xf32, #tpu.memory_space<vmem>>, vector<1x16xf32>,
        %parallel_loop3A_336 = vector.shape_cast %parallel_loop3A_335 : vector<1x16xf32> to vector<16xf32>
        %parallel_loop3A_337 = arith.index_cast %parallel_loop3A_269 : i32 to index
        %parallel_loop3A_338 = arith.constant 112 : index
        %parallel_loop3A_339 = tpu.vector_load %arg8[%parallel_loop3A_337, %parallel_loop3A_338] {strides = array<i32>} : memref<200x128xf32, #tpu.memory_space<vmem>>, vector<1x16xf32>,
        %parallel_loop3A_340 = vector.shape_cast %parallel_loop3A_339 : vector<1x16xf32> to vector<16xf32>
        %parallel_loop3A_341 = vector.shape_cast %parallel_loop3A_336 : vector<16xf32> to vector<1x16xf32>
        tpu.vector_store %arg8[%parallel_loop3A_337, %parallel_loop3A_338], %parallel_loop3A_341 {strides = array<i32>} : memref<200x128xf32, #tpu.memory_space<vmem>>, vector<1x16xf32>,
      } {sc.loop_unroll_factor = 4 : i64, sc.parallel_access}
      %add3A_167 = arith.constant 1 : i32
      %add3A_168 = arith.addi %add3A_154, %add3A_167 : i32
      %mul3A_169 = arith.constant 200 : i32
      %mul3A_170 = arith.muli %add3A_168, %mul3A_169 : i32
      %multiple_of3A_171 = tpu.assume_multiple %mul3A_170, 8 : i32
      %dma_start3A_172 = tpu.memref_slice %arg6[%multiple_of3A_171] : memref<6400xi32, #tpu.memory_space<vmem>> -> memref<200xi32, #tpu.memory_space<vmem>>
      %dma_start3A_173 = arith.constant 0 : i32
      %dma_start3A_174 = arith.constant 0 : i32
      %dma_start3A_175 = tpu.memref_slice %arg2[%dma_start3A_173, %dma_start3A_174] : memref<100000x128xf32, #tpu.memory_space<hbm>> -> memref<100000x128xf32, #tpu.memory_space<hbm>>
      tpu.enqueue_indirect_dma source(%dma_start3A_175 : memref<100000x128xf32, #tpu.memory_space<hbm>>) target(%arg8 : memref<200x128xf32, #tpu.memory_space<vmem>>) offsets(%dma_start3A_172 : memref<200xi32, #tpu.memory_space<vmem>>) semaphore(%arg11 : memref<!tpu.dma_semaphore, #tpu.memory_space<semaphore_mem>>) {add = true}
      %mul3A_176 = arith.constant 200 : i32
      %mul3A_177 = arith.muli %add3A_154, %mul3A_176 : i32
      %multiple_of3A_178 = tpu.assume_multiple %mul3A_177, 8 : i32
      %dma_wait3A_179 = tpu.memref_slice %arg6[%multiple_of3A_178] : memref<6400xi32, #tpu.memory_space<vmem>> -> memref<200xi32, #tpu.memory_space<vmem>>
      %dma_wait3A_180 = arith.constant 0 : i32
      %dma_wait3A_181 = arith.constant 0 : i32
      %dma_wait3A_182 = tpu.memref_slice %arg2[%dma_wait3A_180, %dma_wait3A_181] : memref<100000x128xf32, #tpu.memory_space<hbm>> -> memref<100000x128xf32, #tpu.memory_space<hbm>>
      tpu.wait_indirect_dma semaphore(%arg13 : memref<!tpu.dma_semaphore, #tpu.memory_space<semaphore_mem>>) src(%dma_wait3A_182 : memref<100000x128xf32, #tpu.memory_space<hbm>>) dst(%arg10 : memref<200x128xf32, #tpu.memory_space<vmem>>)
      %mul3A_183 = arith.constant 200 : i32
      %mul3A_184 = arith.muli %add3A_154, %mul3A_183 : i32
      %multiple_of3A_185 = tpu.assume_multiple %mul3A_184, 8 : i32
      %add3A_186 = arith.addi %mul3A_2, %multiple_of3A_185 : i32
      %dma_start3A_187 = arith.constant 0 : i32
      %dma_start3A_188 = tpu.memref_slice %arg5[%add3A_186, %dma_start3A_187] : memref<204800x128xf32, #tpu.memory_space<hbm>> -> memref<200x128xf32, #tpu.memory_space<hbm>>
      %dma_start3A_189 = arith.constant 0 : i32
      %dma_start3A_190 = tpu.memref_slice %arg5[%add3A_186, %dma_start3A_189] : memref<204800x128xf32, #tpu.memory_space<hbm>> -> memref<200x128xf32, #tpu.memory_space<hbm>>
      tpu.enqueue_dma source(%arg10 : memref<200x128xf32, #tpu.memory_space<vmem>>) target(%dma_start3A_190 : memref<200x128xf32, #tpu.memory_space<hbm>>) target_semaphore(%arg16 : memref<!tpu.dma_semaphore, #tpu.memory_space<semaphore_mem>>)
      %add3A_191 = arith.constant 1 : i32
      %add3A_192 = arith.addi %add3A_152, %add3A_191 : i32
      %sub3A_193 = arith.constant 2 : i32
      %sub3A_194 = arith.subi %add3A_192, %sub3A_193 : i32
      %mul3A_195 = arith.constant 200 : i32
      %mul3A_196 = arith.muli %sub3A_194, %mul3A_195 : i32
      %multiple_of3A_197 = tpu.assume_multiple %mul3A_196, 8 : i32
      %add3A_198 = arith.addi %mul3A_2, %multiple_of3A_197 : i32
      %dma_wait3A_199 = arith.constant 0 : i32
      %dma_wait3A_200 = tpu.memref_slice %arg5[%add3A_198, %dma_wait3A_199] : memref<204800x128xf32, #tpu.memory_space<hbm>> -> memref<200x128xf32, #tpu.memory_space<hbm>>
      %dma_wait3A_201 = arith.constant 0 : i32
      %dma_wait3A_202 = tpu.memref_slice %arg5[%add3A_198, %dma_wait3A_201] : memref<204800x128xf32, #tpu.memory_space<hbm>> -> memref<200x128xf32, #tpu.memory_space<hbm>>
      tpu.wait_dma2 semaphore(%arg15 : memref<!tpu.dma_semaphore, #tpu.memory_space<semaphore_mem>>) src(%arg9 : memref<200x128xf32, #tpu.memory_space<vmem>>) dst(%dma_wait3A_202 : memref<200x128xf32, #tpu.memory_space<hbm>>)
      %parallel_loop3A_203 = arith.constant 0 : i32
      %parallel_loop3A_204 = arith.constant 200 : i32
      %parallel_loop3A_205 = arith.constant 1 : i32
      scf.for %parallel_loop3A_269 = %parallel_loop3A_203 to %parallel_loop3A_204 step %parallel_loop3A_205  : i32 {
        %parallel_loop3A_270 = arith.index_cast %parallel_loop3A_269 : i32 to index
        %parallel_loop3A_271 = arith.constant 0 : index
        %parallel_loop3A_272 = tpu.vector_load %arg7[%parallel_loop3A_270, %parallel_loop3A_271] {strides = array<i32>} : memref<200x128xf32, #tpu.memory_space<vmem>>, vector<1x16xf32>,
        %parallel_loop3A_273 = vector.shape_cast %parallel_loop3A_272 : vector<1x16xf32> to vector<16xf32>
        %parallel_loop3A_274 = arith.index_cast %parallel_loop3A_269 : i32 to index
        %parallel_loop3A_275 = arith.constant 0 : index
        %parallel_loop3A_276 = tpu.vector_load %arg9[%parallel_loop3A_274, %parallel_loop3A_275] {strides = array<i32>} : memref<200x128xf32, #tpu.memory_space<vmem>>, vector<1x16xf32>,
        %parallel_loop3A_277 = vector.shape_cast %parallel_loop3A_276 : vector<1x16xf32> to vector<16xf32>
        %parallel_loop3A_278 = vector.shape_cast %parallel_loop3A_273 : vector<16xf32> to vector<1x16xf32>
        tpu.vector_store %arg9[%parallel_loop3A_274, %parallel_loop3A_275], %parallel_loop3A_278 {strides = array<i32>} : memref<200x128xf32, #tpu.memory_space<vmem>>, vector<1x16xf32>,
        %parallel_loop3A_279 = arith.index_cast %parallel_loop3A_269 : i32 to index
        %parallel_loop3A_280 = arith.constant 16 : index
        %parallel_loop3A_281 = tpu.vector_load %arg7[%parallel_loop3A_279, %parallel_loop3A_280] {strides = array<i32>} : memref<200x128xf32, #tpu.memory_space<vmem>>, vector<1x16xf32>,
        %parallel_loop3A_282 = vector.shape_cast %parallel_loop3A_281 : vector<1x16xf32> to vector<16xf32>
        %parallel_loop3A_283 = arith.index_cast %parallel_loop3A_269 : i32 to index
        %parallel_loop3A_284 = arith.constant 16 : index
        %parallel_loop3A_285 = tpu.vector_load %arg9[%parallel_loop3A_283, %parallel_loop3A_284] {strides = array<i32>} : memref<200x128xf32, #tpu.memory_space<vmem>>, vector<1x16xf32>,
        %parallel_loop3A_286 = vector.shape_cast %parallel_loop3A_285 : vector<1x16xf32> to vector<16xf32>
        %parallel_loop3A_287 = vector.shape_cast %parallel_loop3A_282 : vector<16xf32> to vector<1x16xf32>
        tpu.vector_store %arg9[%parallel_loop3A_283, %parallel_loop3A_284], %parallel_loop3A_287 {strides = array<i32>} : memref<200x128xf32, #tpu.memory_space<vmem>>, vector<1x16xf32>,
        %parallel_loop3A_288 = arith.index_cast %parallel_loop3A_269 : i32 to index
        %parallel_loop3A_289 = arith.constant 32 : index
        %parallel_loop3A_290 = tpu.vector_load %arg7[%parallel_loop3A_288, %parallel_loop3A_289] {strides = array<i32>} : memref<200x128xf32, #tpu.memory_space<vmem>>, vector<1x16xf32>,
        %parallel_loop3A_291 = vector.shape_cast %parallel_loop3A_290 : vector<1x16xf32> to vector<16xf32>
        %parallel_loop3A_292 = arith.index_cast %parallel_loop3A_269 : i32 to index
        %parallel_loop3A_293 = arith.constant 32 : index
        %parallel_loop3A_294 = tpu.vector_load %arg9[%parallel_loop3A_292, %parallel_loop3A_293] {strides = array<i32>} : memref<200x128xf32, #tpu.memory_space<vmem>>, vector<1x16xf32>,
        %parallel_loop3A_295 = vector.shape_cast %parallel_loop3A_294 : vector<1x16xf32> to vector<16xf32>
        %parallel_loop3A_296 = vector.shape_cast %parallel_loop3A_291 : vector<16xf32> to vector<1x16xf32>
        tpu.vector_store %arg9[%parallel_loop3A_292, %parallel_loop3A_293], %parallel_loop3A_296 {strides = array<i32>} : memref<200x128xf32, #tpu.memory_space<vmem>>, vector<1x16xf32>,
        %parallel_loop3A_297 = arith.index_cast %parallel_loop3A_269 : i32 to index
        %parallel_loop3A_298 = arith.constant 48 : index
        %parallel_loop3A_299 = tpu.vector_load %arg7[%parallel_loop3A_297, %parallel_loop3A_298] {strides = array<i32>} : memref<200x128xf32, #tpu.memory_space<vmem>>, vector<1x16xf32>,
        %parallel_loop3A_300 = vector.shape_cast %parallel_loop3A_299 : vector<1x16xf32> to vector<16xf32>
        %parallel_loop3A_301 = arith.index_cast %parallel_loop3A_269 : i32 to index
        %parallel_loop3A_302 = arith.constant 48 : index
        %parallel_loop3A_303 = tpu.vector_load %arg9[%parallel_loop3A_301, %parallel_loop3A_302] {strides = array<i32>} : memref<200x128xf32, #tpu.memory_space<vmem>>, vector<1x16xf32>,
        %parallel_loop3A_304 = vector.shape_cast %parallel_loop3A_303 : vector<1x16xf32> to vector<16xf32>
        %parallel_loop3A_305 = vector.shape_cast %parallel_loop3A_300 : vector<16xf32> to vector<1x16xf32>
        tpu.vector_store %arg9[%parallel_loop3A_301, %parallel_loop3A_302], %parallel_loop3A_305 {strides = array<i32>} : memref<200x128xf32, #tpu.memory_space<vmem>>, vector<1x16xf32>,
        %parallel_loop3A_306 = arith.index_cast %parallel_loop3A_269 : i32 to index
        %parallel_loop3A_307 = arith.constant 64 : index
        %parallel_loop3A_308 = tpu.vector_load %arg7[%parallel_loop3A_306, %parallel_loop3A_307] {strides = array<i32>} : memref<200x128xf32, #tpu.memory_space<vmem>>, vector<1x16xf32>,
        %parallel_loop3A_309 = vector.shape_cast %parallel_loop3A_308 : vector<1x16xf32> to vector<16xf32>
        %parallel_loop3A_310 = arith.index_cast %parallel_loop3A_269 : i32 to index
        %parallel_loop3A_311 = arith.constant 64 : index
        %parallel_loop3A_312 = tpu.vector_load %arg9[%parallel_loop3A_310, %parallel_loop3A_311] {strides = array<i32>} : memref<200x128xf32, #tpu.memory_space<vmem>>, vector<1x16xf32>,
        %parallel_loop3A_313 = vector.shape_cast %parallel_loop3A_312 : vector<1x16xf32> to vector<16xf32>
        %parallel_loop3A_314 = vector.shape_cast %parallel_loop3A_309 : vector<16xf32> to vector<1x16xf32>
        tpu.vector_store %arg9[%parallel_loop3A_310, %parallel_loop3A_311], %parallel_loop3A_314 {strides = array<i32>} : memref<200x128xf32, #tpu.memory_space<vmem>>, vector<1x16xf32>,
        %parallel_loop3A_315 = arith.index_cast %parallel_loop3A_269 : i32 to index
        %parallel_loop3A_316 = arith.constant 80 : index
        %parallel_loop3A_317 = tpu.vector_load %arg7[%parallel_loop3A_315, %parallel_loop3A_316] {strides = array<i32>} : memref<200x128xf32, #tpu.memory_space<vmem>>, vector<1x16xf32>,
        %parallel_loop3A_318 = vector.shape_cast %parallel_loop3A_317 : vector<1x16xf32> to vector<16xf32>
        %parallel_loop3A_319 = arith.index_cast %parallel_loop3A_269 : i32 to index
        %parallel_loop3A_320 = arith.constant 80 : index
        %parallel_loop3A_321 = tpu.vector_load %arg9[%parallel_loop3A_319, %parallel_loop3A_320] {strides = array<i32>} : memref<200x128xf32, #tpu.memory_space<vmem>>, vector<1x16xf32>,
        %parallel_loop3A_322 = vector.shape_cast %parallel_loop3A_321 : vector<1x16xf32> to vector<16xf32>
        %parallel_loop3A_323 = vector.shape_cast %parallel_loop3A_318 : vector<16xf32> to vector<1x16xf32>
        tpu.vector_store %arg9[%parallel_loop3A_319, %parallel_loop3A_320], %parallel_loop3A_323 {strides = array<i32>} : memref<200x128xf32, #tpu.memory_space<vmem>>, vector<1x16xf32>,
        %parallel_loop3A_324 = arith.index_cast %parallel_loop3A_269 : i32 to index
        %parallel_loop3A_325 = arith.constant 96 : index
        %parallel_loop3A_326 = tpu.vector_load %arg7[%parallel_loop3A_324, %parallel_loop3A_325] {strides = array<i32>} : memref<200x128xf32, #tpu.memory_space<vmem>>, vector<1x16xf32>,
        %parallel_loop3A_327 = vector.shape_cast %parallel_loop3A_326 : vector<1x16xf32> to vector<16xf32>
        %parallel_loop3A_328 = arith.index_cast %parallel_loop3A_269 : i32 to index
        %parallel_loop3A_329 = arith.constant 96 : index
        %parallel_loop3A_330 = tpu.vector_load %arg9[%parallel_loop3A_328, %parallel_loop3A_329] {strides = array<i32>} : memref<200x128xf32, #tpu.memory_space<vmem>>, vector<1x16xf32>,
        %parallel_loop3A_331 = vector.shape_cast %parallel_loop3A_330 : vector<1x16xf32> to vector<16xf32>
        %parallel_loop3A_332 = vector.shape_cast %parallel_loop3A_327 : vector<16xf32> to vector<1x16xf32>
        tpu.vector_store %arg9[%parallel_loop3A_328, %parallel_loop3A_329], %parallel_loop3A_332 {strides = array<i32>} : memref<200x128xf32, #tpu.memory_space<vmem>>, vector<1x16xf32>,
        %parallel_loop3A_333 = arith.index_cast %parallel_loop3A_269 : i32 to index
        %parallel_loop3A_334 = arith.constant 112 : index
        %parallel_loop3A_335 = tpu.vector_load %arg7[%parallel_loop3A_333, %parallel_loop3A_334] {strides = array<i32>} : memref<200x128xf32, #tpu.memory_space<vmem>>, vector<1x16xf32>,
        %parallel_loop3A_336 = vector.shape_cast %parallel_loop3A_335 : vector<1x16xf32> to vector<16xf32>
        %parallel_loop3A_337 = arith.index_cast %parallel_loop3A_269 : i32 to index
        %parallel_loop3A_338 = arith.constant 112 : index
        %parallel_loop3A_339 = tpu.vector_load %arg9[%parallel_loop3A_337, %parallel_loop3A_338] {strides = array<i32>} : memref<200x128xf32, #tpu.memory_space<vmem>>, vector<1x16xf32>,
        %parallel_loop3A_340 = vector.shape_cast %parallel_loop3A_339 : vector<1x16xf32> to vector<16xf32>
        %parallel_loop3A_341 = vector.shape_cast %parallel_loop3A_336 : vector<16xf32> to vector<1x16xf32>
        tpu.vector_store %arg9[%parallel_loop3A_337, %parallel_loop3A_338], %parallel_loop3A_341 {strides = array<i32>} : memref<200x128xf32, #tpu.memory_space<vmem>>, vector<1x16xf32>,
      } {sc.loop_unroll_factor = 4 : i64, sc.parallel_access}
      %add3A_206 = arith.constant 1 : i32
      %add3A_207 = arith.addi %add3A_192, %add3A_206 : i32
      %mul3A_208 = arith.constant 200 : i32
      %mul3A_209 = arith.muli %add3A_207, %mul3A_208 : i32
      %multiple_of3A_210 = tpu.assume_multiple %mul3A_209, 8 : i32
      %dma_start3A_211 = tpu.memref_slice %arg6[%multiple_of3A_210] : memref<6400xi32, #tpu.memory_space<vmem>> -> memref<200xi32, #tpu.memory_space<vmem>>
      %dma_start3A_212 = arith.constant 0 : i32
      %dma_start3A_213 = arith.constant 0 : i32
      %dma_start3A_214 = tpu.memref_slice %arg2[%dma_start3A_212, %dma_start3A_213] : memref<100000x128xf32, #tpu.memory_space<hbm>> -> memref<100000x128xf32, #tpu.memory_space<hbm>>
      tpu.enqueue_indirect_dma source(%dma_start3A_214 : memref<100000x128xf32, #tpu.memory_space<hbm>>) target(%arg9 : memref<200x128xf32, #tpu.memory_space<vmem>>) offsets(%dma_start3A_211 : memref<200xi32, #tpu.memory_space<vmem>>) semaphore(%arg12 : memref<!tpu.dma_semaphore, #tpu.memory_space<semaphore_mem>>) {add = true}
      %mul3A_215 = arith.constant 200 : i32
      %mul3A_216 = arith.muli %add3A_192, %mul3A_215 : i32
      %multiple_of3A_217 = tpu.assume_multiple %mul3A_216, 8 : i32
      %dma_wait3A_218 = tpu.memref_slice %arg6[%multiple_of3A_217] : memref<6400xi32, #tpu.memory_space<vmem>> -> memref<200xi32, #tpu.memory_space<vmem>>
      %dma_wait3A_219 = arith.constant 0 : i32
      %dma_wait3A_220 = arith.constant 0 : i32
      %dma_wait3A_221 = tpu.memref_slice %arg2[%dma_wait3A_219, %dma_wait3A_220] : memref<100000x128xf32, #tpu.memory_space<hbm>> -> memref<100000x128xf32, #tpu.memory_space<hbm>>
      tpu.wait_indirect_dma semaphore(%arg11 : memref<!tpu.dma_semaphore, #tpu.memory_space<semaphore_mem>>) src(%dma_wait3A_221 : memref<100000x128xf32, #tpu.memory_space<hbm>>) dst(%arg8 : memref<200x128xf32, #tpu.memory_space<vmem>>)
      %mul3A_222 = arith.constant 200 : i32
      %mul3A_223 = arith.muli %add3A_192, %mul3A_222 : i32
      %multiple_of3A_224 = tpu.assume_multiple %mul3A_223, 8 : i32
      %add3A_225 = arith.addi %mul3A_2, %multiple_of3A_224 : i32
      %dma_start3A_226 = arith.constant 0 : i32
      %dma_start3A_227 = tpu.memref_slice %arg5[%add3A_225, %dma_start3A_226] : memref<204800x128xf32, #tpu.memory_space<hbm>> -> memref<200x128xf32, #tpu.memory_space<hbm>>
      %dma_start3A_228 = arith.constant 0 : i32
      %dma_start3A_229 = tpu.memref_slice %arg5[%add3A_225, %dma_start3A_228] : memref<204800x128xf32, #tpu.memory_space<hbm>> -> memref<200x128xf32, #tpu.memory_space<hbm>>
      tpu.enqueue_dma source(%arg8 : memref<200x128xf32, #tpu.memory_space<vmem>>) target(%dma_start3A_229 : memref<200x128xf32, #tpu.memory_space<hbm>>) target_semaphore(%arg14 : memref<!tpu.dma_semaphore, #tpu.memory_space<semaphore_mem>>)
      %add3A_230 = arith.constant 2 : i32
      %add3A_231 = arith.addi %add3A_152, %add3A_230 : i32
      %sub3A_232 = arith.constant 2 : i32
      %sub3A_233 = arith.subi %add3A_231, %sub3A_232 : i32
      %mul3A_234 = arith.constant 200 : i32
      %mul3A_235 = arith.muli %sub3A_233, %mul3A_234 : i32
      %multiple_of3A_236 = tpu.assume_multiple %mul3A_235, 8 : i32
      %add3A_237 = arith.addi %mul3A_2, %multiple_of3A_236 : i32
      %dma_wait3A_238 = arith.constant 0 : i32
      %dma_wait3A_239 = tpu.memref_slice %arg5[%add3A_237, %dma_wait3A_238] : memref<204800x128xf32, #tpu.memory_space<hbm>> -> memref<200x128xf32, #tpu.memory_space<hbm>>
      %dma_wait3A_240 = arith.constant 0 : i32
      %dma_wait3A_241 = tpu.memref_slice %arg5[%add3A_237, %dma_wait3A_240] : memref<204800x128xf32, #tpu.memory_space<hbm>> -> memref<200x128xf32, #tpu.memory_space<hbm>>
      tpu.wait_dma2 semaphore(%arg16 : memref<!tpu.dma_semaphore, #tpu.memory_space<semaphore_mem>>) src(%arg10 : memref<200x128xf32, #tpu.memory_space<vmem>>) dst(%dma_wait3A_241 : memref<200x128xf32, #tpu.memory_space<hbm>>)
      %parallel_loop3A_242 = arith.constant 0 : i32
      %parallel_loop3A_243 = arith.constant 200 : i32
      %parallel_loop3A_244 = arith.constant 1 : i32
      scf.for %parallel_loop3A_269 = %parallel_loop3A_242 to %parallel_loop3A_243 step %parallel_loop3A_244  : i32 {
        %parallel_loop3A_270 = arith.index_cast %parallel_loop3A_269 : i32 to index
        %parallel_loop3A_271 = arith.constant 0 : index
        %parallel_loop3A_272 = tpu.vector_load %arg7[%parallel_loop3A_270, %parallel_loop3A_271] {strides = array<i32>} : memref<200x128xf32, #tpu.memory_space<vmem>>, vector<1x16xf32>,
        %parallel_loop3A_273 = vector.shape_cast %parallel_loop3A_272 : vector<1x16xf32> to vector<16xf32>
        %parallel_loop3A_274 = arith.index_cast %parallel_loop3A_269 : i32 to index
        %parallel_loop3A_275 = arith.constant 0 : index
        %parallel_loop3A_276 = tpu.vector_load %arg10[%parallel_loop3A_274, %parallel_loop3A_275] {strides = array<i32>} : memref<200x128xf32, #tpu.memory_space<vmem>>, vector<1x16xf32>,
        %parallel_loop3A_277 = vector.shape_cast %parallel_loop3A_276 : vector<1x16xf32> to vector<16xf32>
        %parallel_loop3A_278 = vector.shape_cast %parallel_loop3A_273 : vector<16xf32> to vector<1x16xf32>
        tpu.vector_store %arg10[%parallel_loop3A_274, %parallel_loop3A_275], %parallel_loop3A_278 {strides = array<i32>} : memref<200x128xf32, #tpu.memory_space<vmem>>, vector<1x16xf32>,
        %parallel_loop3A_279 = arith.index_cast %parallel_loop3A_269 : i32 to index
        %parallel_loop3A_280 = arith.constant 16 : index
        %parallel_loop3A_281 = tpu.vector_load %arg7[%parallel_loop3A_279, %parallel_loop3A_280] {strides = array<i32>} : memref<200x128xf32, #tpu.memory_space<vmem>>, vector<1x16xf32>,
        %parallel_loop3A_282 = vector.shape_cast %parallel_loop3A_281 : vector<1x16xf32> to vector<16xf32>
        %parallel_loop3A_283 = arith.index_cast %parallel_loop3A_269 : i32 to index
        %parallel_loop3A_284 = arith.constant 16 : index
        %parallel_loop3A_285 = tpu.vector_load %arg10[%parallel_loop3A_283, %parallel_loop3A_284] {strides = array<i32>} : memref<200x128xf32, #tpu.memory_space<vmem>>, vector<1x16xf32>,
        %parallel_loop3A_286 = vector.shape_cast %parallel_loop3A_285 : vector<1x16xf32> to vector<16xf32>
        %parallel_loop3A_287 = vector.shape_cast %parallel_loop3A_282 : vector<16xf32> to vector<1x16xf32>
        tpu.vector_store %arg10[%parallel_loop3A_283, %parallel_loop3A_284], %parallel_loop3A_287 {strides = array<i32>} : memref<200x128xf32, #tpu.memory_space<vmem>>, vector<1x16xf32>,
        %parallel_loop3A_288 = arith.index_cast %parallel_loop3A_269 : i32 to index
        %parallel_loop3A_289 = arith.constant 32 : index
        %parallel_loop3A_290 = tpu.vector_load %arg7[%parallel_loop3A_288, %parallel_loop3A_289] {strides = array<i32>} : memref<200x128xf32, #tpu.memory_space<vmem>>, vector<1x16xf32>,
        %parallel_loop3A_291 = vector.shape_cast %parallel_loop3A_290 : vector<1x16xf32> to vector<16xf32>
        %parallel_loop3A_292 = arith.index_cast %parallel_loop3A_269 : i32 to index
        %parallel_loop3A_293 = arith.constant 32 : index
        %parallel_loop3A_294 = tpu.vector_load %arg10[%parallel_loop3A_292, %parallel_loop3A_293] {strides = array<i32>} : memref<200x128xf32, #tpu.memory_space<vmem>>, vector<1x16xf32>,
        %parallel_loop3A_295 = vector.shape_cast %parallel_loop3A_294 : vector<1x16xf32> to vector<16xf32>
        %parallel_loop3A_296 = vector.shape_cast %parallel_loop3A_291 : vector<16xf32> to vector<1x16xf32>
        tpu.vector_store %arg10[%parallel_loop3A_292, %parallel_loop3A_293], %parallel_loop3A_296 {strides = array<i32>} : memref<200x128xf32, #tpu.memory_space<vmem>>, vector<1x16xf32>,
        %parallel_loop3A_297 = arith.index_cast %parallel_loop3A_269 : i32 to index
        %parallel_loop3A_298 = arith.constant 48 : index
        %parallel_loop3A_299 = tpu.vector_load %arg7[%parallel_loop3A_297, %parallel_loop3A_298] {strides = array<i32>} : memref<200x128xf32, #tpu.memory_space<vmem>>, vector<1x16xf32>,
        %parallel_loop3A_300 = vector.shape_cast %parallel_loop3A_299 : vector<1x16xf32> to vector<16xf32>
        %parallel_loop3A_301 = arith.index_cast %parallel_loop3A_269 : i32 to index
        %parallel_loop3A_302 = arith.constant 48 : index
        %parallel_loop3A_303 = tpu.vector_load %arg10[%parallel_loop3A_301, %parallel_loop3A_302] {strides = array<i32>} : memref<200x128xf32, #tpu.memory_space<vmem>>, vector<1x16xf32>,
        %parallel_loop3A_304 = vector.shape_cast %parallel_loop3A_303 : vector<1x16xf32> to vector<16xf32>
        %parallel_loop3A_305 = vector.shape_cast %parallel_loop3A_300 : vector<16xf32> to vector<1x16xf32>
        tpu.vector_store %arg10[%parallel_loop3A_301, %parallel_loop3A_302], %parallel_loop3A_305 {strides = array<i32>} : memref<200x128xf32, #tpu.memory_space<vmem>>, vector<1x16xf32>,
        %parallel_loop3A_306 = arith.index_cast %parallel_loop3A_269 : i32 to index
        %parallel_loop3A_307 = arith.constant 64 : index
        %parallel_loop3A_308 = tpu.vector_load %arg7[%parallel_loop3A_306, %parallel_loop3A_307] {strides = array<i32>} : memref<200x128xf32, #tpu.memory_space<vmem>>, vector<1x16xf32>,
        %parallel_loop3A_309 = vector.shape_cast %parallel_loop3A_308 : vector<1x16xf32> to vector<16xf32>
        %parallel_loop3A_310 = arith.index_cast %parallel_loop3A_269 : i32 to index
        %parallel_loop3A_311 = arith.constant 64 : index
        %parallel_loop3A_312 = tpu.vector_load %arg10[%parallel_loop3A_310, %parallel_loop3A_311] {strides = array<i32>} : memref<200x128xf32, #tpu.memory_space<vmem>>, vector<1x16xf32>,
        %parallel_loop3A_313 = vector.shape_cast %parallel_loop3A_312 : vector<1x16xf32> to vector<16xf32>
        %parallel_loop3A_314 = vector.shape_cast %parallel_loop3A_309 : vector<16xf32> to vector<1x16xf32>
        tpu.vector_store %arg10[%parallel_loop3A_310, %parallel_loop3A_311], %parallel_loop3A_314 {strides = array<i32>} : memref<200x128xf32, #tpu.memory_space<vmem>>, vector<1x16xf32>,
        %parallel_loop3A_315 = arith.index_cast %parallel_loop3A_269 : i32 to index
        %parallel_loop3A_316 = arith.constant 80 : index
        %parallel_loop3A_317 = tpu.vector_load %arg7[%parallel_loop3A_315, %parallel_loop3A_316] {strides = array<i32>} : memref<200x128xf32, #tpu.memory_space<vmem>>, vector<1x16xf32>,
        %parallel_loop3A_318 = vector.shape_cast %parallel_loop3A_317 : vector<1x16xf32> to vector<16xf32>
        %parallel_loop3A_319 = arith.index_cast %parallel_loop3A_269 : i32 to index
        %parallel_loop3A_320 = arith.constant 80 : index
        %parallel_loop3A_321 = tpu.vector_load %arg10[%parallel_loop3A_319, %parallel_loop3A_320] {strides = array<i32>} : memref<200x128xf32, #tpu.memory_space<vmem>>, vector<1x16xf32>,
        %parallel_loop3A_322 = vector.shape_cast %parallel_loop3A_321 : vector<1x16xf32> to vector<16xf32>
        %parallel_loop3A_323 = vector.shape_cast %parallel_loop3A_318 : vector<16xf32> to vector<1x16xf32>
        tpu.vector_store %arg10[%parallel_loop3A_319, %parallel_loop3A_320], %parallel_loop3A_323 {strides = array<i32>} : memref<200x128xf32, #tpu.memory_space<vmem>>, vector<1x16xf32>,
        %parallel_loop3A_324 = arith.index_cast %parallel_loop3A_269 : i32 to index
        %parallel_loop3A_325 = arith.constant 96 : index
        %parallel_loop3A_326 = tpu.vector_load %arg7[%parallel_loop3A_324, %parallel_loop3A_325] {strides = array<i32>} : memref<200x128xf32, #tpu.memory_space<vmem>>, vector<1x16xf32>,
        %parallel_loop3A_327 = vector.shape_cast %parallel_loop3A_326 : vector<1x16xf32> to vector<16xf32>
        %parallel_loop3A_328 = arith.index_cast %parallel_loop3A_269 : i32 to index
        %parallel_loop3A_329 = arith.constant 96 : index
        %parallel_loop3A_330 = tpu.vector_load %arg10[%parallel_loop3A_328, %parallel_loop3A_329] {strides = array<i32>} : memref<200x128xf32, #tpu.memory_space<vmem>>, vector<1x16xf32>,
        %parallel_loop3A_331 = vector.shape_cast %parallel_loop3A_330 : vector<1x16xf32> to vector<16xf32>
        %parallel_loop3A_332 = vector.shape_cast %parallel_loop3A_327 : vector<16xf32> to vector<1x16xf32>
        tpu.vector_store %arg10[%parallel_loop3A_328, %parallel_loop3A_329], %parallel_loop3A_332 {strides = array<i32>} : memref<200x128xf32, #tpu.memory_space<vmem>>, vector<1x16xf32>,
        %parallel_loop3A_333 = arith.index_cast %parallel_loop3A_269 : i32 to index
        %parallel_loop3A_334 = arith.constant 112 : index
        %parallel_loop3A_335 = tpu.vector_load %arg7[%parallel_loop3A_333, %parallel_loop3A_334] {strides = array<i32>} : memref<200x128xf32, #tpu.memory_space<vmem>>, vector<1x16xf32>,
        %parallel_loop3A_336 = vector.shape_cast %parallel_loop3A_335 : vector<1x16xf32> to vector<16xf32>
        %parallel_loop3A_337 = arith.index_cast %parallel_loop3A_269 : i32 to index
        %parallel_loop3A_338 = arith.constant 112 : index
        %parallel_loop3A_339 = tpu.vector_load %arg10[%parallel_loop3A_337, %parallel_loop3A_338] {strides = array<i32>} : memref<200x128xf32, #tpu.memory_space<vmem>>, vector<1x16xf32>,
        %parallel_loop3A_340 = vector.shape_cast %parallel_loop3A_339 : vector<1x16xf32> to vector<16xf32>
        %parallel_loop3A_341 = vector.shape_cast %parallel_loop3A_336 : vector<16xf32> to vector<1x16xf32>
        tpu.vector_store %arg10[%parallel_loop3A_337, %parallel_loop3A_338], %parallel_loop3A_341 {strides = array<i32>} : memref<200x128xf32, #tpu.memory_space<vmem>>, vector<1x16xf32>,
      } {sc.loop_unroll_factor = 4 : i64, sc.parallel_access}
      %add3A_245 = arith.constant 1 : i32
      %add3A_246 = arith.addi %add3A_231, %add3A_245 : i32
      %mul3A_247 = arith.constant 200 : i32
      %mul3A_248 = arith.muli %add3A_246, %mul3A_247 : i32
      %multiple_of3A_249 = tpu.assume_multiple %mul3A_248, 8 : i32
      %dma_start3A_250 = tpu.memref_slice %arg6[%multiple_of3A_249] : memref<6400xi32, #tpu.memory_space<vmem>> -> memref<200xi32, #tpu.memory_space<vmem>>
      %dma_start3A_251 = arith.constant 0 : i32
      %dma_start3A_252 = arith.constant 0 : i32
      %dma_start3A_253 = tpu.memref_slice %arg2[%dma_start3A_251, %dma_start3A_252] : memref<100000x128xf32, #tpu.memory_space<hbm>> -> memref<100000x128xf32, #tpu.memory_space<hbm>>
      tpu.enqueue_indirect_dma source(%dma_start3A_253 : memref<100000x128xf32, #tpu.memory_space<hbm>>) target(%arg10 : memref<200x128xf32, #tpu.memory_space<vmem>>) offsets(%dma_start3A_250 : memref<200xi32, #tpu.memory_space<vmem>>) semaphore(%arg13 : memref<!tpu.dma_semaphore, #tpu.memory_space<semaphore_mem>>) {add = true}
      %mul3A_254 = arith.constant 200 : i32
      %mul3A_255 = arith.muli %add3A_231, %mul3A_254 : i32
      %multiple_of3A_256 = tpu.assume_multiple %mul3A_255, 8 : i32
      %dma_wait3A_257 = tpu.memref_slice %arg6[%multiple_of3A_256] : memref<6400xi32, #tpu.memory_space<vmem>> -> memref<200xi32, #tpu.memory_space<vmem>>
      %dma_wait3A_258 = arith.constant 0 : i32
      %dma_wait3A_259 = arith.constant 0 : i32
      %dma_wait3A_260 = tpu.memref_slice %arg2[%dma_wait3A_258, %dma_wait3A_259] : memref<100000x128xf32, #tpu.memory_space<hbm>> -> memref<100000x128xf32, #tpu.memory_space<hbm>>
      tpu.wait_indirect_dma semaphore(%arg12 : memref<!tpu.dma_semaphore, #tpu.memory_space<semaphore_mem>>) src(%dma_wait3A_260 : memref<100000x128xf32, #tpu.memory_space<hbm>>) dst(%arg9 : memref<200x128xf32, #tpu.memory_space<vmem>>)
      %mul3A_261 = arith.constant 200 : i32
      %mul3A_262 = arith.muli %add3A_231, %mul3A_261 : i32
      %multiple_of3A_263 = tpu.assume_multiple %mul3A_262, 8 : i32
      %add3A_264 = arith.addi %mul3A_2, %multiple_of3A_263 : i32
      %dma_start3A_265 = arith.constant 0 : i32
      %dma_start3A_266 = tpu.memref_slice %arg5[%add3A_264, %dma_start3A_265] : memref<204800x128xf32, #tpu.memory_space<hbm>> -> memref<200x128xf32, #tpu.memory_space<hbm>>
      %dma_start3A_267 = arith.constant 0 : i32
      %dma_start3A_268 = tpu.memref_slice %arg5[%add3A_264, %dma_start3A_267] : memref<204800x128xf32, #tpu.memory_space<hbm>> -> memref<200x128xf32, #tpu.memory_space<hbm>>
      tpu.enqueue_dma source(%arg9 : memref<200x128xf32, #tpu.memory_space<vmem>>) target(%dma_start3A_268 : memref<200x128xf32, #tpu.memory_space<hbm>>) target_semaphore(%arg15 : memref<!tpu.dma_semaphore, #tpu.memory_space<semaphore_mem>>)
    }
    %scan3A_55 = arith.constant 9 : i32
    %multiple_of3A_56 = arith.constant 5400 : i32
    %multiple_of3A_57 = tpu.assume_multiple %multiple_of3A_56, 8 : i32
    %add3A_58 = arith.addi %mul3A_2, %multiple_of3A_57 : i32
    %dma_wait3A_59 = arith.constant 0 : i32
    %dma_wait3A_60 = tpu.memref_slice %arg5[%add3A_58, %dma_wait3A_59] : memref<204800x128xf32, #tpu.memory_space<hbm>> -> memref<200x128xf32, #tpu.memory_space<hbm>>
    %dma_wait3A_61 = arith.constant 0 : i32
    %dma_wait3A_62 = tpu.memref_slice %arg5[%add3A_58, %dma_wait3A_61] : memref<204800x128xf32, #tpu.memory_space<hbm>> -> memref<200x128xf32, #tpu.memory_space<hbm>>
    tpu.wait_dma2 semaphore(%arg14 : memref<!tpu.dma_semaphore, #tpu.memory_space<semaphore_mem>>) src(%arg8 : memref<200x128xf32, #tpu.memory_space<vmem>>) dst(%dma_wait3A_62 : memref<200x128xf32, #tpu.memory_space<hbm>>)
    %parallel_loop3A_63 = arith.constant 0 : i32
    %parallel_loop3A_64 = arith.constant 200 : i32
    %parallel_loop3A_65 = arith.constant 1 : i32
    scf.for %parallel_loop3A_148 = %parallel_loop3A_63 to %parallel_loop3A_64 step %parallel_loop3A_65  : i32 {
      %parallel_loop3A_149 = arith.index_cast %parallel_loop3A_148 : i32 to index
      %parallel_loop3A_150 = arith.constant 0 : index
      %parallel_loop3A_151 = tpu.vector_load %arg7[%parallel_loop3A_149, %parallel_loop3A_150] {strides = array<i32>} : memref<200x128xf32, #tpu.memory_space<vmem>>, vector<1x16xf32>,
      %parallel_loop3A_152 = vector.shape_cast %parallel_loop3A_151 : vector<1x16xf32> to vector<16xf32>
      %parallel_loop3A_153 = arith.index_cast %parallel_loop3A_148 : i32 to index
      %parallel_loop3A_154 = arith.constant 0 : index
      %parallel_loop3A_155 = tpu.vector_load %arg8[%parallel_loop3A_153, %parallel_loop3A_154] {strides = array<i32>} : memref<200x128xf32, #tpu.memory_space<vmem>>, vector<1x16xf32>,
      %parallel_loop3A_156 = vector.shape_cast %parallel_loop3A_155 : vector<1x16xf32> to vector<16xf32>
      %parallel_loop3A_157 = vector.shape_cast %parallel_loop3A_152 : vector<16xf32> to vector<1x16xf32>
      tpu.vector_store %arg8[%parallel_loop3A_153, %parallel_loop3A_154], %parallel_loop3A_157 {strides = array<i32>} : memref<200x128xf32, #tpu.memory_space<vmem>>, vector<1x16xf32>,
      %parallel_loop3A_158 = arith.index_cast %parallel_loop3A_148 : i32 to index
      %parallel_loop3A_159 = arith.constant 16 : index
      %parallel_loop3A_160 = tpu.vector_load %arg7[%parallel_loop3A_158, %parallel_loop3A_159] {strides = array<i32>} : memref<200x128xf32, #tpu.memory_space<vmem>>, vector<1x16xf32>,
      %parallel_loop3A_161 = vector.shape_cast %parallel_loop3A_160 : vector<1x16xf32> to vector<16xf32>
      %parallel_loop3A_162 = arith.index_cast %parallel_loop3A_148 : i32 to index
      %parallel_loop3A_163 = arith.constant 16 : index
      %parallel_loop3A_164 = tpu.vector_load %arg8[%parallel_loop3A_162, %parallel_loop3A_163] {strides = array<i32>} : memref<200x128xf32, #tpu.memory_space<vmem>>, vector<1x16xf32>,
      %parallel_loop3A_165 = vector.shape_cast %parallel_loop3A_164 : vector<1x16xf32> to vector<16xf32>
      %parallel_loop3A_166 = vector.shape_cast %parallel_loop3A_161 : vector<16xf32> to vector<1x16xf32>
      tpu.vector_store %arg8[%parallel_loop3A_162, %parallel_loop3A_163], %parallel_loop3A_166 {strides = array<i32>} : memref<200x128xf32, #tpu.memory_space<vmem>>, vector<1x16xf32>,
      %parallel_loop3A_167 = arith.index_cast %parallel_loop3A_148 : i32 to index
      %parallel_loop3A_168 = arith.constant 32 : index
      %parallel_loop3A_169 = tpu.vector_load %arg7[%parallel_loop3A_167, %parallel_loop3A_168] {strides = array<i32>} : memref<200x128xf32, #tpu.memory_space<vmem>>, vector<1x16xf32>,
      %parallel_loop3A_170 = vector.shape_cast %parallel_loop3A_169 : vector<1x16xf32> to vector<16xf32>
      %parallel_loop3A_171 = arith.index_cast %parallel_loop3A_148 : i32 to index
      %parallel_loop3A_172 = arith.constant 32 : index
      %parallel_loop3A_173 = tpu.vector_load %arg8[%parallel_loop3A_171, %parallel_loop3A_172] {strides = array<i32>} : memref<200x128xf32, #tpu.memory_space<vmem>>, vector<1x16xf32>,
      %parallel_loop3A_174 = vector.shape_cast %parallel_loop3A_173 : vector<1x16xf32> to vector<16xf32>
      %parallel_loop3A_175 = vector.shape_cast %parallel_loop3A_170 : vector<16xf32> to vector<1x16xf32>
      tpu.vector_store %arg8[%parallel_loop3A_171, %parallel_loop3A_172], %parallel_loop3A_175 {strides = array<i32>} : memref<200x128xf32, #tpu.memory_space<vmem>>, vector<1x16xf32>,
      %parallel_loop3A_176 = arith.index_cast %parallel_loop3A_148 : i32 to index
      %parallel_loop3A_177 = arith.constant 48 : index
      %parallel_loop3A_178 = tpu.vector_load %arg7[%parallel_loop3A_176, %parallel_loop3A_177] {strides = array<i32>} : memref<200x128xf32, #tpu.memory_space<vmem>>, vector<1x16xf32>,
      %parallel_loop3A_179 = vector.shape_cast %parallel_loop3A_178 : vector<1x16xf32> to vector<16xf32>
      %parallel_loop3A_180 = arith.index_cast %parallel_loop3A_148 : i32 to index
      %parallel_loop3A_181 = arith.constant 48 : index
      %parallel_loop3A_182 = tpu.vector_load %arg8[%parallel_loop3A_180, %parallel_loop3A_181] {strides = array<i32>} : memref<200x128xf32, #tpu.memory_space<vmem>>, vector<1x16xf32>,
      %parallel_loop3A_183 = vector.shape_cast %parallel_loop3A_182 : vector<1x16xf32> to vector<16xf32>
      %parallel_loop3A_184 = vector.shape_cast %parallel_loop3A_179 : vector<16xf32> to vector<1x16xf32>
      tpu.vector_store %arg8[%parallel_loop3A_180, %parallel_loop3A_181], %parallel_loop3A_184 {strides = array<i32>} : memref<200x128xf32, #tpu.memory_space<vmem>>, vector<1x16xf32>,
      %parallel_loop3A_185 = arith.index_cast %parallel_loop3A_148 : i32 to index
      %parallel_loop3A_186 = arith.constant 64 : index
      %parallel_loop3A_187 = tpu.vector_load %arg7[%parallel_loop3A_185, %parallel_loop3A_186] {strides = array<i32>} : memref<200x128xf32, #tpu.memory_space<vmem>>, vector<1x16xf32>,
      %parallel_loop3A_188 = vector.shape_cast %parallel_loop3A_187 : vector<1x16xf32> to vector<16xf32>
      %parallel_loop3A_189 = arith.index_cast %parallel_loop3A_148 : i32 to index
      %parallel_loop3A_190 = arith.constant 64 : index
      %parallel_loop3A_191 = tpu.vector_load %arg8[%parallel_loop3A_189, %parallel_loop3A_190] {strides = array<i32>} : memref<200x128xf32, #tpu.memory_space<vmem>>, vector<1x16xf32>,
      %parallel_loop3A_192 = vector.shape_cast %parallel_loop3A_191 : vector<1x16xf32> to vector<16xf32>
      %parallel_loop3A_193 = vector.shape_cast %parallel_loop3A_188 : vector<16xf32> to vector<1x16xf32>
      tpu.vector_store %arg8[%parallel_loop3A_189, %parallel_loop3A_190], %parallel_loop3A_193 {strides = array<i32>} : memref<200x128xf32, #tpu.memory_space<vmem>>, vector<1x16xf32>,
      %parallel_loop3A_194 = arith.index_cast %parallel_loop3A_148 : i32 to index
      %parallel_loop3A_195 = arith.constant 80 : index
      %parallel_loop3A_196 = tpu.vector_load %arg7[%parallel_loop3A_194, %parallel_loop3A_195] {strides = array<i32>} : memref<200x128xf32, #tpu.memory_space<vmem>>, vector<1x16xf32>,
      %parallel_loop3A_197 = vector.shape_cast %parallel_loop3A_196 : vector<1x16xf32> to vector<16xf32>
      %parallel_loop3A_198 = arith.index_cast %parallel_loop3A_148 : i32 to index
      %parallel_loop3A_199 = arith.constant 80 : index
      %parallel_loop3A_200 = tpu.vector_load %arg8[%parallel_loop3A_198, %parallel_loop3A_199] {strides = array<i32>} : memref<200x128xf32, #tpu.memory_space<vmem>>, vector<1x16xf32>,
      %parallel_loop3A_201 = vector.shape_cast %parallel_loop3A_200 : vector<1x16xf32> to vector<16xf32>
      %parallel_loop3A_202 = vector.shape_cast %parallel_loop3A_197 : vector<16xf32> to vector<1x16xf32>
      tpu.vector_store %arg8[%parallel_loop3A_198, %parallel_loop3A_199], %parallel_loop3A_202 {strides = array<i32>} : memref<200x128xf32, #tpu.memory_space<vmem>>, vector<1x16xf32>,
      %parallel_loop3A_203 = arith.index_cast %parallel_loop3A_148 : i32 to index
      %parallel_loop3A_204 = arith.constant 96 : index
      %parallel_loop3A_205 = tpu.vector_load %arg7[%parallel_loop3A_203, %parallel_loop3A_204] {strides = array<i32>} : memref<200x128xf32, #tpu.memory_space<vmem>>, vector<1x16xf32>,
      %parallel_loop3A_206 = vector.shape_cast %parallel_loop3A_205 : vector<1x16xf32> to vector<16xf32>
      %parallel_loop3A_207 = arith.index_cast %parallel_loop3A_148 : i32 to index
      %parallel_loop3A_208 = arith.constant 96 : index
      %parallel_loop3A_209 = tpu.vector_load %arg8[%parallel_loop3A_207, %parallel_loop3A_208] {strides = array<i32>} : memref<200x128xf32, #tpu.memory_space<vmem>>, vector<1x16xf32>,
      %parallel_loop3A_210 = vector.shape_cast %parallel_loop3A_209 : vector<1x16xf32> to vector<16xf32>
      %parallel_loop3A_211 = vector.shape_cast %parallel_loop3A_206 : vector<16xf32> to vector<1x16xf32>
      tpu.vector_store %arg8[%parallel_loop3A_207, %parallel_loop3A_208], %parallel_loop3A_211 {strides = array<i32>} : memref<200x128xf32, #tpu.memory_space<vmem>>, vector<1x16xf32>,
      %parallel_loop3A_212 = arith.index_cast %parallel_loop3A_148 : i32 to index
      %parallel_loop3A_213 = arith.constant 112 : index
      %parallel_loop3A_214 = tpu.vector_load %arg7[%parallel_loop3A_212, %parallel_loop3A_213] {strides = array<i32>} : memref<200x128xf32, #tpu.memory_space<vmem>>, vector<1x16xf32>,
      %parallel_loop3A_215 = vector.shape_cast %parallel_loop3A_214 : vector<1x16xf32> to vector<16xf32>
      %parallel_loop3A_216 = arith.index_cast %parallel_loop3A_148 : i32 to index
      %parallel_loop3A_217 = arith.constant 112 : index
      %parallel_loop3A_218 = tpu.vector_load %arg8[%parallel_loop3A_216, %parallel_loop3A_217] {strides = array<i32>} : memref<200x128xf32, #tpu.memory_space<vmem>>, vector<1x16xf32>,
      %parallel_loop3A_219 = vector.shape_cast %parallel_loop3A_218 : vector<1x16xf32> to vector<16xf32>
      %parallel_loop3A_220 = vector.shape_cast %parallel_loop3A_215 : vector<16xf32> to vector<1x16xf32>
      tpu.vector_store %arg8[%parallel_loop3A_216, %parallel_loop3A_217], %parallel_loop3A_220 {strides = array<i32>} : memref<200x128xf32, #tpu.memory_space<vmem>>, vector<1x16xf32>,
    } {sc.loop_unroll_factor = 4 : i64, sc.parallel_access}
    %multiple_of3A_66 = arith.constant 6000 : i32
    %multiple_of3A_67 = tpu.assume_multiple %multiple_of3A_66, 8 : i32
    %dma_start3A_68 = tpu.memref_slice %arg6[%multiple_of3A_67] : memref<6400xi32, #tpu.memory_space<vmem>> -> memref<200xi32, #tpu.memory_space<vmem>>
    %dma_start3A_69 = arith.constant 0 : i32
    %dma_start3A_70 = arith.constant 0 : i32
    %dma_start3A_71 = tpu.memref_slice %arg2[%dma_start3A_69, %dma_start3A_70] : memref<100000x128xf32, #tpu.memory_space<hbm>> -> memref<100000x128xf32, #tpu.memory_space<hbm>>
    tpu.enqueue_indirect_dma source(%dma_start3A_71 : memref<100000x128xf32, #tpu.memory_space<hbm>>) target(%arg8 : memref<200x128xf32, #tpu.memory_space<vmem>>) offsets(%dma_start3A_68 : memref<200xi32, #tpu.memory_space<vmem>>) semaphore(%arg11 : memref<!tpu.dma_semaphore, #tpu.memory_space<semaphore_mem>>) {add = true}
    %multiple_of3A_72 = arith.constant 5800 : i32
    %multiple_of3A_73 = tpu.assume_multiple %multiple_of3A_72, 8 : i32
    %dma_wait3A_74 = tpu.memref_slice %arg6[%multiple_of3A_73] : memref<6400xi32, #tpu.memory_space<vmem>> -> memref<200xi32, #tpu.memory_space<vmem>>
    %dma_wait3A_75 = arith.constant 0 : i32
    %dma_wait3A_76 = arith.constant 0 : i32
    %dma_wait3A_77 = tpu.memref_slice %arg2[%dma_wait3A_75, %dma_wait3A_76] : memref<100000x128xf32, #tpu.memory_space<hbm>> -> memref<100000x128xf32, #tpu.memory_space<hbm>>
    tpu.wait_indirect_dma semaphore(%arg13 : memref<!tpu.dma_semaphore, #tpu.memory_space<semaphore_mem>>) src(%dma_wait3A_77 : memref<100000x128xf32, #tpu.memory_space<hbm>>) dst(%arg10 : memref<200x128xf32, #tpu.memory_space<vmem>>)
    %multiple_of3A_78 = arith.constant 5800 : i32
    %multiple_of3A_79 = tpu.assume_multiple %multiple_of3A_78, 8 : i32
    %add3A_80 = arith.addi %mul3A_2, %multiple_of3A_79 : i32
    %dma_start3A_81 = arith.constant 0 : i32
    %dma_start3A_82 = tpu.memref_slice %arg5[%add3A_80, %dma_start3A_81] : memref<204800x128xf32, #tpu.memory_space<hbm>> -> memref<200x128xf32, #tpu.memory_space<hbm>>
    %dma_start3A_83 = arith.constant 0 : i32
    %dma_start3A_84 = tpu.memref_slice %arg5[%add3A_80, %dma_start3A_83] : memref<204800x128xf32, #tpu.memory_space<hbm>> -> memref<200x128xf32, #tpu.memory_space<hbm>>
    tpu.enqueue_dma source(%arg10 : memref<200x128xf32, #tpu.memory_space<vmem>>) target(%dma_start3A_84 : memref<200x128xf32, #tpu.memory_space<hbm>>) target_semaphore(%arg16 : memref<!tpu.dma_semaphore, #tpu.memory_space<semaphore_mem>>)
    %multiple_of3A_85 = arith.constant 5600 : i32
    %multiple_of3A_86 = tpu.assume_multiple %multiple_of3A_85, 8 : i32
    %add3A_87 = arith.addi %mul3A_2, %multiple_of3A_86 : i32
    %dma_wait3A_88 = arith.constant 0 : i32
    %dma_wait3A_89 = tpu.memref_slice %arg5[%add3A_87, %dma_wait3A_88] : memref<204800x128xf32, #tpu.memory_space<hbm>> -> memref<200x128xf32, #tpu.memory_space<hbm>>
    %dma_wait3A_90 = arith.constant 0 : i32
    %dma_wait3A_91 = tpu.memref_slice %arg5[%add3A_87, %dma_wait3A_90] : memref<204800x128xf32, #tpu.memory_space<hbm>> -> memref<200x128xf32, #tpu.memory_space<hbm>>
    tpu.wait_dma2 semaphore(%arg15 : memref<!tpu.dma_semaphore, #tpu.memory_space<semaphore_mem>>) src(%arg9 : memref<200x128xf32, #tpu.memory_space<vmem>>) dst(%dma_wait3A_91 : memref<200x128xf32, #tpu.memory_space<hbm>>)
    %parallel_loop3A_92 = arith.constant 0 : i32
    %parallel_loop3A_93 = arith.constant 200 : i32
    %parallel_loop3A_94 = arith.constant 1 : i32
    scf.for %parallel_loop3A_148 = %parallel_loop3A_92 to %parallel_loop3A_93 step %parallel_loop3A_94  : i32 {
      %parallel_loop3A_149 = arith.index_cast %parallel_loop3A_148 : i32 to index
      %parallel_loop3A_150 = arith.constant 0 : index
      %parallel_loop3A_151 = tpu.vector_load %arg7[%parallel_loop3A_149, %parallel_loop3A_150] {strides = array<i32>} : memref<200x128xf32, #tpu.memory_space<vmem>>, vector<1x16xf32>,
      %parallel_loop3A_152 = vector.shape_cast %parallel_loop3A_151 : vector<1x16xf32> to vector<16xf32>
      %parallel_loop3A_153 = arith.index_cast %parallel_loop3A_148 : i32 to index
      %parallel_loop3A_154 = arith.constant 0 : index
      %parallel_loop3A_155 = tpu.vector_load %arg9[%parallel_loop3A_153, %parallel_loop3A_154] {strides = array<i32>} : memref<200x128xf32, #tpu.memory_space<vmem>>, vector<1x16xf32>,
      %parallel_loop3A_156 = vector.shape_cast %parallel_loop3A_155 : vector<1x16xf32> to vector<16xf32>
      %parallel_loop3A_157 = vector.shape_cast %parallel_loop3A_152 : vector<16xf32> to vector<1x16xf32>
      tpu.vector_store %arg9[%parallel_loop3A_153, %parallel_loop3A_154], %parallel_loop3A_157 {strides = array<i32>} : memref<200x128xf32, #tpu.memory_space<vmem>>, vector<1x16xf32>,
      %parallel_loop3A_158 = arith.index_cast %parallel_loop3A_148 : i32 to index
      %parallel_loop3A_159 = arith.constant 16 : index
      %parallel_loop3A_160 = tpu.vector_load %arg7[%parallel_loop3A_158, %parallel_loop3A_159] {strides = array<i32>} : memref<200x128xf32, #tpu.memory_space<vmem>>, vector<1x16xf32>,
      %parallel_loop3A_161 = vector.shape_cast %parallel_loop3A_160 : vector<1x16xf32> to vector<16xf32>
      %parallel_loop3A_162 = arith.index_cast %parallel_loop3A_148 : i32 to index
      %parallel_loop3A_163 = arith.constant 16 : index
      %parallel_loop3A_164 = tpu.vector_load %arg9[%parallel_loop3A_162, %parallel_loop3A_163] {strides = array<i32>} : memref<200x128xf32, #tpu.memory_space<vmem>>, vector<1x16xf32>,
      %parallel_loop3A_165 = vector.shape_cast %parallel_loop3A_164 : vector<1x16xf32> to vector<16xf32>
      %parallel_loop3A_166 = vector.shape_cast %parallel_loop3A_161 : vector<16xf32> to vector<1x16xf32>
      tpu.vector_store %arg9[%parallel_loop3A_162, %parallel_loop3A_163], %parallel_loop3A_166 {strides = array<i32>} : memref<200x128xf32, #tpu.memory_space<vmem>>, vector<1x16xf32>,
      %parallel_loop3A_167 = arith.index_cast %parallel_loop3A_148 : i32 to index
      %parallel_loop3A_168 = arith.constant 32 : index
      %parallel_loop3A_169 = tpu.vector_load %arg7[%parallel_loop3A_167, %parallel_loop3A_168] {strides = array<i32>} : memref<200x128xf32, #tpu.memory_space<vmem>>, vector<1x16xf32>,
      %parallel_loop3A_170 = vector.shape_cast %parallel_loop3A_169 : vector<1x16xf32> to vector<16xf32>
      %parallel_loop3A_171 = arith.index_cast %parallel_loop3A_148 : i32 to index
      %parallel_loop3A_172 = arith.constant 32 : index
      %parallel_loop3A_173 = tpu.vector_load %arg9[%parallel_loop3A_171, %parallel_loop3A_172] {strides = array<i32>} : memref<200x128xf32, #tpu.memory_space<vmem>>, vector<1x16xf32>,
      %parallel_loop3A_174 = vector.shape_cast %parallel_loop3A_173 : vector<1x16xf32> to vector<16xf32>
      %parallel_loop3A_175 = vector.shape_cast %parallel_loop3A_170 : vector<16xf32> to vector<1x16xf32>
      tpu.vector_store %arg9[%parallel_loop3A_171, %parallel_loop3A_172], %parallel_loop3A_175 {strides = array<i32>} : memref<200x128xf32, #tpu.memory_space<vmem>>, vector<1x16xf32>,
      %parallel_loop3A_176 = arith.index_cast %parallel_loop3A_148 : i32 to index
      %parallel_loop3A_177 = arith.constant 48 : index
      %parallel_loop3A_178 = tpu.vector_load %arg7[%parallel_loop3A_176, %parallel_loop3A_177] {strides = array<i32>} : memref<200x128xf32, #tpu.memory_space<vmem>>, vector<1x16xf32>,
      %parallel_loop3A_179 = vector.shape_cast %parallel_loop3A_178 : vector<1x16xf32> to vector<16xf32>
      %parallel_loop3A_180 = arith.index_cast %parallel_loop3A_148 : i32 to index
      %parallel_loop3A_181 = arith.constant 48 : index
      %parallel_loop3A_182 = tpu.vector_load %arg9[%parallel_loop3A_180, %parallel_loop3A_181] {strides = array<i32>} : memref<200x128xf32, #tpu.memory_space<vmem>>, vector<1x16xf32>,
      %parallel_loop3A_183 = vector.shape_cast %parallel_loop3A_182 : vector<1x16xf32> to vector<16xf32>
      %parallel_loop3A_184 = vector.shape_cast %parallel_loop3A_179 : vector<16xf32> to vector<1x16xf32>
      tpu.vector_store %arg9[%parallel_loop3A_180, %parallel_loop3A_181], %parallel_loop3A_184 {strides = array<i32>} : memref<200x128xf32, #tpu.memory_space<vmem>>, vector<1x16xf32>,
      %parallel_loop3A_185 = arith.index_cast %parallel_loop3A_148 : i32 to index
      %parallel_loop3A_186 = arith.constant 64 : index
      %parallel_loop3A_187 = tpu.vector_load %arg7[%parallel_loop3A_185, %parallel_loop3A_186] {strides = array<i32>} : memref<200x128xf32, #tpu.memory_space<vmem>>, vector<1x16xf32>,
      %parallel_loop3A_188 = vector.shape_cast %parallel_loop3A_187 : vector<1x16xf32> to vector<16xf32>
      %parallel_loop3A_189 = arith.index_cast %parallel_loop3A_148 : i32 to index
      %parallel_loop3A_190 = arith.constant 64 : index
      %parallel_loop3A_191 = tpu.vector_load %arg9[%parallel_loop3A_189, %parallel_loop3A_190] {strides = array<i32>} : memref<200x128xf32, #tpu.memory_space<vmem>>, vector<1x16xf32>,
      %parallel_loop3A_192 = vector.shape_cast %parallel_loop3A_191 : vector<1x16xf32> to vector<16xf32>
      %parallel_loop3A_193 = vector.shape_cast %parallel_loop3A_188 : vector<16xf32> to vector<1x16xf32>
      tpu.vector_store %arg9[%parallel_loop3A_189, %parallel_loop3A_190], %parallel_loop3A_193 {strides = array<i32>} : memref<200x128xf32, #tpu.memory_space<vmem>>, vector<1x16xf32>,
      %parallel_loop3A_194 = arith.index_cast %parallel_loop3A_148 : i32 to index
      %parallel_loop3A_195 = arith.constant 80 : index
      %parallel_loop3A_196 = tpu.vector_load %arg7[%parallel_loop3A_194, %parallel_loop3A_195] {strides = array<i32>} : memref<200x128xf32, #tpu.memory_space<vmem>>, vector<1x16xf32>,
      %parallel_loop3A_197 = vector.shape_cast %parallel_loop3A_196 : vector<1x16xf32> to vector<16xf32>
      %parallel_loop3A_198 = arith.index_cast %parallel_loop3A_148 : i32 to index
      %parallel_loop3A_199 = arith.constant 80 : index
      %parallel_loop3A_200 = tpu.vector_load %arg9[%parallel_loop3A_198, %parallel_loop3A_199] {strides = array<i32>} : memref<200x128xf32, #tpu.memory_space<vmem>>, vector<1x16xf32>,
      %parallel_loop3A_201 = vector.shape_cast %parallel_loop3A_200 : vector<1x16xf32> to vector<16xf32>
      %parallel_loop3A_202 = vector.shape_cast %parallel_loop3A_197 : vector<16xf32> to vector<1x16xf32>
      tpu.vector_store %arg9[%parallel_loop3A_198, %parallel_loop3A_199], %parallel_loop3A_202 {strides = array<i32>} : memref<200x128xf32, #tpu.memory_space<vmem>>, vector<1x16xf32>,
      %parallel_loop3A_203 = arith.index_cast %parallel_loop3A_148 : i32 to index
      %parallel_loop3A_204 = arith.constant 96 : index
      %parallel_loop3A_205 = tpu.vector_load %arg7[%parallel_loop3A_203, %parallel_loop3A_204] {strides = array<i32>} : memref<200x128xf32, #tpu.memory_space<vmem>>, vector<1x16xf32>,
      %parallel_loop3A_206 = vector.shape_cast %parallel_loop3A_205 : vector<1x16xf32> to vector<16xf32>
      %parallel_loop3A_207 = arith.index_cast %parallel_loop3A_148 : i32 to index
      %parallel_loop3A_208 = arith.constant 96 : index
      %parallel_loop3A_209 = tpu.vector_load %arg9[%parallel_loop3A_207, %parallel_loop3A_208] {strides = array<i32>} : memref<200x128xf32, #tpu.memory_space<vmem>>, vector<1x16xf32>,
      %parallel_loop3A_210 = vector.shape_cast %parallel_loop3A_209 : vector<1x16xf32> to vector<16xf32>
      %parallel_loop3A_211 = vector.shape_cast %parallel_loop3A_206 : vector<16xf32> to vector<1x16xf32>
      tpu.vector_store %arg9[%parallel_loop3A_207, %parallel_loop3A_208], %parallel_loop3A_211 {strides = array<i32>} : memref<200x128xf32, #tpu.memory_space<vmem>>, vector<1x16xf32>,
      %parallel_loop3A_212 = arith.index_cast %parallel_loop3A_148 : i32 to index
      %parallel_loop3A_213 = arith.constant 112 : index
      %parallel_loop3A_214 = tpu.vector_load %arg7[%parallel_loop3A_212, %parallel_loop3A_213] {strides = array<i32>} : memref<200x128xf32, #tpu.memory_space<vmem>>, vector<1x16xf32>,
      %parallel_loop3A_215 = vector.shape_cast %parallel_loop3A_214 : vector<1x16xf32> to vector<16xf32>
      %parallel_loop3A_216 = arith.index_cast %parallel_loop3A_148 : i32 to index
      %parallel_loop3A_217 = arith.constant 112 : index
      %parallel_loop3A_218 = tpu.vector_load %arg9[%parallel_loop3A_216, %parallel_loop3A_217] {strides = array<i32>} : memref<200x128xf32, #tpu.memory_space<vmem>>, vector<1x16xf32>,
      %parallel_loop3A_219 = vector.shape_cast %parallel_loop3A_218 : vector<1x16xf32> to vector<16xf32>
      %parallel_loop3A_220 = vector.shape_cast %parallel_loop3A_215 : vector<16xf32> to vector<1x16xf32>
      tpu.vector_store %arg9[%parallel_loop3A_216, %parallel_loop3A_217], %parallel_loop3A_220 {strides = array<i32>} : memref<200x128xf32, #tpu.memory_space<vmem>>, vector<1x16xf32>,
    } {sc.loop_unroll_factor = 4 : i64, sc.parallel_access}
    %multiple_of3A_95 = arith.constant 6200 : i32
    %multiple_of3A_96 = tpu.assume_multiple %multiple_of3A_95, 8 : i32
    %dma_start3A_97 = tpu.memref_slice %arg6[%multiple_of3A_96] : memref<6400xi32, #tpu.memory_space<vmem>> -> memref<200xi32, #tpu.memory_space<vmem>>
    %dma_start3A_98 = arith.constant 0 : i32
    %dma_start3A_99 = arith.constant 0 : i32
    %dma_start3A_100 = tpu.memref_slice %arg2[%dma_start3A_98, %dma_start3A_99] : memref<100000x128xf32, #tpu.memory_space<hbm>> -> memref<100000x128xf32, #tpu.memory_space<hbm>>
    tpu.enqueue_indirect_dma source(%dma_start3A_100 : memref<100000x128xf32, #tpu.memory_space<hbm>>) target(%arg9 : memref<200x128xf32, #tpu.memory_space<vmem>>) offsets(%dma_start3A_97 : memref<200xi32, #tpu.memory_space<vmem>>) semaphore(%arg12 : memref<!tpu.dma_semaphore, #tpu.memory_space<semaphore_mem>>) {add = true}
    %multiple_of3A_101 = arith.constant 6000 : i32
    %multiple_of3A_102 = tpu.assume_multiple %multiple_of3A_101, 8 : i32
    %dma_wait3A_103 = tpu.memref_slice %arg6[%multiple_of3A_102] : memref<6400xi32, #tpu.memory_space<vmem>> -> memref<200xi32, #tpu.memory_space<vmem>>
    %dma_wait3A_104 = arith.constant 0 : i32
    %dma_wait3A_105 = arith.constant 0 : i32
    %dma_wait3A_106 = tpu.memref_slice %arg2[%dma_wait3A_104, %dma_wait3A_105] : memref<100000x128xf32, #tpu.memory_space<hbm>> -> memref<100000x128xf32, #tpu.memory_space<hbm>>
    tpu.wait_indirect_dma semaphore(%arg11 : memref<!tpu.dma_semaphore, #tpu.memory_space<semaphore_mem>>) src(%dma_wait3A_106 : memref<100000x128xf32, #tpu.memory_space<hbm>>) dst(%arg8 : memref<200x128xf32, #tpu.memory_space<vmem>>)
    %multiple_of3A_107 = arith.constant 6000 : i32
    %multiple_of3A_108 = tpu.assume_multiple %multiple_of3A_107, 8 : i32
    %add3A_109 = arith.addi %mul3A_2, %multiple_of3A_108 : i32
    %dma_start3A_110 = arith.constant 0 : i32
    %dma_start3A_111 = tpu.memref_slice %arg5[%add3A_109, %dma_start3A_110] : memref<204800x128xf32, #tpu.memory_space<hbm>> -> memref<200x128xf32, #tpu.memory_space<hbm>>
    %dma_start3A_112 = arith.constant 0 : i32
    %dma_start3A_113 = tpu.memref_slice %arg5[%add3A_109, %dma_start3A_112] : memref<204800x128xf32, #tpu.memory_space<hbm>> -> memref<200x128xf32, #tpu.memory_space<hbm>>
    tpu.enqueue_dma source(%arg8 : memref<200x128xf32, #tpu.memory_space<vmem>>) target(%dma_start3A_113 : memref<200x128xf32, #tpu.memory_space<hbm>>) target_semaphore(%arg14 : memref<!tpu.dma_semaphore, #tpu.memory_space<semaphore_mem>>)
    %multiple_of3A_114 = arith.constant 6200 : i32
    %multiple_of3A_115 = tpu.assume_multiple %multiple_of3A_114, 8 : i32
    %dma_wait3A_116 = tpu.memref_slice %arg6[%multiple_of3A_115] : memref<6400xi32, #tpu.memory_space<vmem>> -> memref<200xi32, #tpu.memory_space<vmem>>
    %dma_wait3A_117 = arith.constant 0 : i32
    %dma_wait3A_118 = arith.constant 0 : i32
    %dma_wait3A_119 = tpu.memref_slice %arg2[%dma_wait3A_117, %dma_wait3A_118] : memref<100000x128xf32, #tpu.memory_space<hbm>> -> memref<100000x128xf32, #tpu.memory_space<hbm>>
    tpu.wait_indirect_dma semaphore(%arg12 : memref<!tpu.dma_semaphore, #tpu.memory_space<semaphore_mem>>) src(%dma_wait3A_119 : memref<100000x128xf32, #tpu.memory_space<hbm>>) dst(%arg9 : memref<200x128xf32, #tpu.memory_space<vmem>>)
    %multiple_of3A_120 = arith.constant 6200 : i32
    %multiple_of3A_121 = tpu.assume_multiple %multiple_of3A_120, 8 : i32
    %add3A_122 = arith.addi %mul3A_2, %multiple_of3A_121 : i32
    %dma_start3A_123 = arith.constant 0 : i32
    %dma_start3A_124 = tpu.memref_slice %arg5[%add3A_122, %dma_start3A_123] : memref<204800x128xf32, #tpu.memory_space<hbm>> -> memref<200x128xf32, #tpu.memory_space<hbm>>
    %dma_start3A_125 = arith.constant 0 : i32
    %dma_start3A_126 = tpu.memref_slice %arg5[%add3A_122, %dma_start3A_125] : memref<204800x128xf32, #tpu.memory_space<hbm>> -> memref<200x128xf32, #tpu.memory_space<hbm>>
    tpu.enqueue_dma source(%arg9 : memref<200x128xf32, #tpu.memory_space<vmem>>) target(%dma_start3A_126 : memref<200x128xf32, #tpu.memory_space<hbm>>) target_semaphore(%arg15 : memref<!tpu.dma_semaphore, #tpu.memory_space<semaphore_mem>>)
    %multiple_of3A_127 = arith.constant 5800 : i32
    %multiple_of3A_128 = tpu.assume_multiple %multiple_of3A_127, 8 : i32
    %add3A_129 = arith.addi %mul3A_2, %multiple_of3A_128 : i32
    %dma_wait3A_130 = arith.constant 0 : i32
    %dma_wait3A_131 = tpu.memref_slice %arg5[%add3A_129, %dma_wait3A_130] : memref<204800x128xf32, #tpu.memory_space<hbm>> -> memref<200x128xf32, #tpu.memory_space<hbm>>
    %dma_wait3A_132 = arith.constant 0 : i32
    %dma_wait3A_133 = tpu.memref_slice %arg5[%add3A_129, %dma_wait3A_132] : memref<204800x128xf32, #tpu.memory_space<hbm>> -> memref<200x128xf32, #tpu.memory_space<hbm>>
    tpu.wait_dma2 semaphore(%arg16 : memref<!tpu.dma_semaphore, #tpu.memory_space<semaphore_mem>>) src(%arg10 : memref<200x128xf32, #tpu.memory_space<vmem>>) dst(%dma_wait3A_133 : memref<200x128xf32, #tpu.memory_space<hbm>>)
    %multiple_of3A_134 = arith.constant 6000 : i32
    %multiple_of3A_135 = tpu.assume_multiple %multiple_of3A_134, 8 : i32
    %add3A_136 = arith.addi %mul3A_2, %multiple_of3A_135 : i32
    %dma_wait3A_137 = arith.constant 0 : i32
    %dma_wait3A_138 = tpu.memref_slice %arg5[%add3A_136, %dma_wait3A_137] : memref<204800x128xf32, #tpu.memory_space<hbm>> -> memref<200x128xf32, #tpu.memory_space<hbm>>
    %dma_wait3A_139 = arith.constant 0 : i32
    %dma_wait3A_140 = tpu.memref_slice %arg5[%add3A_136, %dma_wait3A_139] : memref<204800x128xf32, #tpu.memory_space<hbm>> -> memref<200x128xf32, #tpu.memory_space<hbm>>
    tpu.wait_dma2 semaphore(%arg14 : memref<!tpu.dma_semaphore, #tpu.memory_space<semaphore_mem>>) src(%arg8 : memref<200x128xf32, #tpu.memory_space<vmem>>) dst(%dma_wait3A_140 : memref<200x128xf32, #tpu.memory_space<hbm>>)
    %multiple_of3A_141 = arith.constant 6200 : i32
    %multiple_of3A_142 = tpu.assume_multiple %multiple_of3A_141, 8 : i32
    %add3A_143 = arith.addi %mul3A_2, %multiple_of3A_142 : i32
    %dma_wait3A_144 = arith.constant 0 : i32
    %dma_wait3A_145 = tpu.memref_slice %arg5[%add3A_143, %dma_wait3A_144] : memref<204800x128xf32, #tpu.memory_space<hbm>> -> memref<200x128xf32, #tpu.memory_space<hbm>>
    %dma_wait3A_146 = arith.constant 0 : i32
    %dma_wait3A_147 = tpu.memref_slice %arg5[%add3A_143, %dma_wait3A_146] : memref<204800x128xf32, #tpu.memory_space<hbm>> -> memref<200x128xf32, #tpu.memory_space<hbm>>
    tpu.wait_dma2 semaphore(%arg15 : memref<!tpu.dma_semaphore, #tpu.memory_space<semaphore_mem>>) src(%arg9 : memref<200x128xf32, #tpu.memory_space<vmem>>) dst(%dma_wait3A_147 : memref<200x128xf32, #tpu.memory_space<hbm>>)
    return
  }
}

</mosaic_0001>

<sc_bundles>
// kernel: kernel.3.cloned.1.call-start
scs
__scs_entry_jumppad:
0x0: {  	(pc) =	sbr.rel $0x88, $3  }
0x1: {  	(tag) =	ssettag $0x0;
	lr =	simm.s32 $0x1  }
0x2: {  	[smem:$0x3F9E] =	sst lr;
	_ =	strace $0xD0000000  }
0x3: {  	_ = 	snop  }
0x4: {  	_ = 	snop  }
0x5: {  	_ = 	snop  }
0x6: {  	_ = 	snop  }
0x7: {  	_ = 	snop  }
__scs_overlays_trampoline_lowered:
0x8: {  	[smem:$0x3FAD] =	sst s0  }
0x9: {  	[smem:$0x3FAE] =	sst s1  }
0xa: {  	[smem:$0x3FAF] =	sst s2  }
0xb: {  	[smem:$0x3FB0] =	sst s3  }
0xc: {  	[smem:$0x3FB1] =	sst s4  }
0xd: {  	[smem:$0x3FB2] =	sst s5  }
0xe: {  	[smem:$0x3FB3] =	sst s6  }
0xf: {  	[smem:$0x3FB4] =	sst s7  }
0x10: {  	[smem:$0x3FB5] =	sst s8  }
0x11: {  	[smem:$0x3FB6] =	sst s9;
	s0 =	simm.s32 @!p0 $0x0  }
0x12: {  	s1 =	sld [smem:$0x3F9C];
	s0 =	simm.s32 @p0 $0x1  }
0x13: {  	[smem:$0x3FB7] =	sst s0;
	s0 =	simm.s32 @!p1 $0x0  }
0x14: {  	s2 =	sld [smem:$0x3F9B];
	s0 =	simm.s32 @p1 $0x1  }
0x15: {  	[smem:$0x3FB8] =	sst s0;
	s0 =	simm.s32 @!p2 $0x0  }
0x16: {  	s3 =	sld [smem:$0x3FDB];
	s0 =	simm.s32 @p2 $0x1  }
0x17: {  	s4 =	simm.s32 $0x1BF5;
	[smem:$0x3FBA] =	sst s0  }
0x18: {  	s0 =	sld [smem:$0x3F9D];
	_ =	swait.ge [sflag:s4], $0x0  }
0x19: {  	s7 =	sld [smem:$0x3F9E]  }
0x1a: {  	s8 =	sadd.s32 $0xFFFFE003, lr  }
0x1b: {  	s9 =	sadd.s32 $0xFFFFFEF7, lr;
	s5 =	simm.s32 $0xFFFFFFFF;
	p2 =	slt.u32 s8, $0xFFFFF086  }
0x1c: {  	p1 =	slt.u32 s9, $0xF7A;
	s5 =	simm.s32 @!p2 $0x0  }
0x1d: {  	s5 =	simm.s32 @p1 $0x1;
	p0 =	seq.s32 s7, s2  }
0x1e: {  	s7 =	smul.u32 @!p0 $0xF7A, s2;
	p2 =	seq.s32 @!p0 s5, $0x0  }
0x1f: {  	s9 =	smul.u32 $0xF7A, s1;
	s8 =	simm.s32 @!p0 $0x1BF5;
	p2 =	por !p2, p0  }
0x20: {  	[sflag:s8] =	ssyncset.s32 @!p0 $0xFFFFF086;
	s6 =	sadd.s32 @!p0 s3, s7;
	s7 =	simm.s32 @!p0 $0x108  }
0x21: {  	s3 =	sadd.s32 s3, s9;
	s6 =	sadd.s32 @!p0 $0x88, s6;
	s7 =	simm.s32 @p2 $0x1082  }
0x22: {  	[simem:s7], [sflag:s8] =	dma.local @!p0 [hbm:s6], $0xF7A  }
0x23: {  	s9 =	sor.u32 $0xD0000000, s2;
	s6 =	simm.s32 $0x108;
	_ =	swait.ge @!p0 [sflag:s8], $0x0  }
0x24: {  	s3 =	sadd.s32 $0x88, s3;
	s6 =	simm.s32 @!p1 $0x1082;
	[sflag:s4] =	ssyncset.s32 $0xFFFFF086  }
0x25: {  	[simem:s6], [sflag:s4] =	dma.local [hbm:s3], $0xF7A  }
0x26: {  	[smem:$0x3F9E] =	sst s1;
	(tag) =	ssettag s2;
	_ =	strace s9  }
0x27: {  	s1 =	sld [smem:$0x3FAE]  }
0x28: {  	s2 =	sld [smem:$0x3FAF]  }
0x29: {  	s4 =	sld [smem:$0x3FB1]  }
0x2a: {  	p0 =	seq.s32 s5, $0x0;
	s5 =	sld [smem:$0x3FB2]  }
0x2b: {  	s6 =	sld [smem:$0x3FB3]  }
0x2c: {  	s7 =	sld [smem:$0x3FB4]  }
0x2d: {  	s3 =	simm.s32 $0x108;
	s8 =	sld [smem:$0x3FB5]  }
0x2e: {  	s3 =	simm.s32 @!p0 $0x1082;
	s9 =	sld [smem:$0x3FB6]  }
0x2f: {  	lr =	sadd.s32 s0, s3;
	s0 =	sld [smem:$0x3FAD]  }
0x30: {  	s3 =	sld [smem:$0x3FB0]  }
0x31: {  	[smem:$0x3FB9] =	sst s10  }
0x32: {  	s10 =	sld [smem:$0x3FB7];
	_ =	sdelay $0x3  }
0x33: {  	p0 =	seq.s32 s10, $0x1;
	s10 =	sld [smem:$0x3FB9];
	_ =	sdelay $0x3  }
0x34: {  	[smem:$0x3FB9] =	sst s10  }
0x35: {  	s10 =	sld [smem:$0x3FB8];
	_ =	sdelay $0x3  }
0x36: {  	p1 =	seq.s32 s10, $0x1;
	s10 =	sld [smem:$0x3FB9];
	_ =	sdelay $0x3  }
0x37: {  	[smem:$0x3FB9] =	sst s10  }
0x38: {  	s10 =	sld [smem:$0x3FBA]  }
0x39: {  	_ = 	snop;
	(pc) =	sbr.ind lr, $3  }
0x3a: {  	_ = 	snop  }
0x3b: {  	_ = 	snop  }
0x3c: {  	p2 =	seq.s32 s10, $0x1;
	s10 =	sld [smem:$0x3FB9]  }
0x3d: {  	_ =	shalt  }
0x3e: {  	_ =	shalt  }
0x3f: {  	_ =	shalt  }
0x40: {  	_ =	shalt  }
0x41: {  	_ =	shalt  }
0x42: {  	_ =	shalt  }
0x43: {  	_ =	shalt  }
0x44: {  	_ =	shalt  }
0x45: {  	_ =	shalt  }
0x46: {  	_ =	shalt  }
0x47: {  	_ =	shalt  }
0x48: {  	_ =	shalt  }
0x49: {  	_ =	shalt  }
0x4a: {  	_ =	shalt  }
0x4b: {  	_ =	shalt  }
0x4c: {  	_ =	shalt  }
0x4d: {  	_ =	shalt  }
0x4e: {  	_ =	shalt  }
0x4f: {  	_ =	shalt  }
0x50: {  	_ =	shalt  }
0x51: {  	_ =	shalt  }
0x52: {  	_ =	shalt  }
0x53: {  	_ =	shalt  }
0x54: {  	_ =	shalt  }
0x55: {  	_ =	shalt  }
0x56: {  	_ =	shalt  }
0x57: {  	_ =	shalt  }
0x58: {  	_ =	shalt  }
0x59: {  	_ =	shalt  }
0x5a: {  	_ =	shalt  }
0x5b: {  	_ =	shalt  }
0x5c: {  	_ =	shalt  }
0x5d: {  	_ =	shalt  }
0x5e: {  	_ =	shalt  }
0x5f: {  	_ =	shalt  }
0x60: {  	_ =	shalt  }
0x61: {  	_ =	shalt  }
0x62: {  	_ =	shalt  }
0x63: {  	_ =	shalt  }
0x64: {  	_ =	shalt  }
0x65: {  	_ =	shalt  }
0x66: {  	_ =	shalt  }
0x67: {  	_ =	shalt  }
0x68: {  	_ =	shalt  }
0x69: {  	_ =	shalt  }
0x6a: {  	_ =	shalt  }
0x6b: {  	_ =	shalt  }
0x6c: {  	_ =	shalt  }
0x6d: {  	_ =	shalt  }
0x6e: {  	_ =	shalt  }
0x6f: {  	_ =	shalt  }
0x70: {  	_ =	shalt  }
0x71: {  	_ =	shalt  }
0x72: {  	_ =	shalt  }
0x73: {  	_ =	shalt  }
0x74: {  	_ =	shalt  }
0x75: {  	_ =	shalt  }
0x76: {  	_ =	shalt  }
0x77: {  	_ =	shalt  }
0x78: {  	_ =	shalt  }
0x79: {  	_ =	shalt  }
0x7a: {  	_ =	shalt  }
0x7b: {  	_ =	shalt  }
0x7c: {  	_ =	shalt  }
0x7d: {  	_ =	shalt  }
0x7e: {  	_ =	shalt  }
0x7f: {  	_ =	shalt  }
0x80: {  	_ =	shalt  }
0x81: {  	_ =	shalt  }
0x82: {  	_ =	shalt  }
0x83: {  	_ =	shalt  }
0x84: {  	_ =	shalt  }
0x85: {  	_ =	shalt  }
0x86: {  	_ =	shalt  }
0x87: {  	_ =	shalt  }
.Lfunc_end0:
.L_simem_size_0:
called_computation_lowered:
.L_overlay_start_0:
0x88: {  	s2 =	sld [smem:$0x3FD9]  }
0x89: {  	s3 =	sld [smem:$0x3FFE];
	_ =	sdelay $0x1  }
0x8a: {  	s1 =	srdreg.scid  }
0x8b: {  	s0 =	sand.u32 $0x1, s1  }
0x8c: {  	s17 =	sshll.u32 s0, $0xA;
	s2 =	sadd.s32 s3, s2  }
0x8d: {  	s2 =	sadd.s32 s2, s17  }
0x8e: {  	[smem:$0x3FC5] =	sst s2  }
0x8f: {  	_ = 	snop  }
0x90: {  	s2 =	sld [smem:$0x3FC8]  }
0x91: {  	s18 =	sld [smem:$0x3FD0];
	(tm) =	ssettm $0x1  }
0x92: {  	s4 =	sld [smem:$0x3FFB];
	_ =	sdelay $0x3  }
0x93: {  	_ =	strace s4  }
0x94: {  	s4 =	sld [smem:$0x3FFC];
	_ =	sdelay $0x3  }
0x95: {  	_ =	strace s4  }
0x96: {  	s4 =	sld [smem:$0x3FFD];
	_ =	sdelay $0x3  }
0x97: {  	_ =	strace s4  }
0x98: {  	_ =	strace $0x8FFFFFFF  }
0x99: {  	s19 =	sld [smem:$0x3FDB];
	_ =	sdelay $0x1  }
0x9a: {  	s5 =	simm.s32 $_scs_section_size  }
0x9b: {  	s6 =	simm.s32 $_size__tile_overlayer_lowered;
	s7 =	simm.s32 $_tile_overlayer_lowered  }
0x9c: {  	s22 =	simm.s32 $0x1BFF;
	s21 =	sshll.u32 s7, $0x1;
	s4 =	sadd.s32 s5, s19  }
0x9d: {  	s8 =	simm.s32 $0x0;
	s20 =	sshll.u32 s6, $0x1;
	s6 =	sadd.s32 s21, s4  }
0x9e: {  	[timem:s8], [sflag:s22] =	dma.local [hbm:s6], s20  }
0x9f: {  	_ =	swait.ge [sflag:s22], s20  }
0xa0: {  	s5 =	ssub.s32 $0x0, s20;
	[sflag:s22] =	ssyncset.done $0x0  }
0xa1: {  	[sflag:s22] =	ssyncadd.s32 s5;
	_ =	sdelay $0x1  }
0xa2: {  	s23 =	simm.s32 $0x1B8B  }
0xa3: {  	_ =	swait.ge [sflag:s23], $0x1  }
0xa4: {  	[sflag:s23] =	ssyncset.done $0x0  }
0xa5: {  	s25 =	simm.s32 $0x1B8E;
	s24 =	sld [smem:$0x3FFE];
	[sflag:s23] =	ssyncadd.s32 $0xFFFFFFFF  }
0xa6: {  	s26 =	simm.s32 $execute0_lowered;
	[smem:$0x3FD2] =	sst s25  }
0xa7: {  	s6 =	sshll.u32 s26, $0x1;
	_ =	strace $0x80000046;
	[dreg:$0x1] =	wrdreg $0xFFFFFFFF  }
0xa8: {  	s28 =	simm.s32 $_size_execute0_lowered;
	s4 =	sadd.s32 s4, s6;
	[dreg:$0x0] =	wrdreg $0x0  }
0xa9: {  	s6 =	sshll.u32 s28, $0x1;
	[dreg:$0x2] =	wrdreg s4  }
0xaa: {  	[dreg:$0x3] =	wrdreg s6  }
0xab: {  	[dreg:$0x4] =	wrdreg $0xC0  }
0xac: {  	_ =	task [dreg:s8], $0x5FFFF  }
0xad: {  	[dreg:$0x1] =	wrdreg $0xFFFFFFFF  }
0xae: {  	[dreg:$0x0] =	wrdreg $0x60  }
0xaf: {  	[dreg:$0x2] =	wrdreg s2  }
0xb0: {  	[dreg:$0x3] =	wrdreg s24  }
0xb1: {  	[dreg:$0x4] =	wrdreg s18  }
0xb2: {  	[dreg:$0x5] =	wrdreg $0x9  }
0xb3: {  	_ =	task.clear_ibuf [dreg:s8], $0x6FFFF;
	_ =	strace $0x90000046  }
0xb4: {  	s29 =	simm.s32 $0x9;
	_ =	strace $0x80000048  }
0xb5: {  	_ =	swait.ge [sflag:s29], $0x1  }
0xb6: {  	[sflag:s29] =	ssyncadd.s32 $0xFFFFFFFF  }
0xb7: {  	_ =	strace $0x90000048  }
0xb8: {  	_ =	sfence  }
0xb9: {  	s30 =	sld [smem:$0x0];
	_ =	sdelay $0x2  }
0xba: {  	s31 =	sshll.u32 s1, $0xD;
	s1 =	sshrl.u32 s1, $0x2  }
0xbb: {  	s3 =	sand.u32 $0x4000, s31;
	s1 =	sadd.s32 s1, s30  }
0xbc: {  	s0 =	sor.u32 s3, s0;
	s1 =	sshll.u32 s1, $0x11  }
0xbd: {  	s0 =	sor.u32 s1, s0  }
0xbe: {  	s0 =	sadd.s32 $0x8F2B, s0  }
0xbf: {  	[sflag:s0] =	ssyncadd.remote.s32 $0x1  }
0xc0: {  	_ =	sfence.sel $0xFFFF  }
0xc1: {  	[dreg:$0x0] =	wrdreg $0xFFFFFFFF;
	(pc) =	sbr.abs _section_cstart, $3  }
0xc2: {  	[dreg:$0x1] =	wrdreg $0xFFFFFFFF  }
0xc3: {  	_ =	task.clear_ibuf [dreg:s8], $0x2FFFF;
	_ =	strace $0x9FFFFFFF  }
0xc4: {  	(tm) =	ssettm $0x7FFFFFFF  }
0xc5: {  	_ =	shalt  }
tec
execute0_lowered:
.L_overlay_start_1:
0x0: {  	(tag) =	ssettag $0x1  }
0x1: {  	s1 =	rddreg [dreg:$0x0]  }
0x2: {  	s0 =	rddreg [dreg:$0x1];
	s2 =	srdreg.scid  }
0x3: {  	s4 =	stileid.u32;
	s3 =	rddreg [dreg:$0x2]  }
0x4: {  	s15 =	simm.s32 $0x7;
	s17 =	simm.s32 $0xC8;
	s18 =	simm.s32 $0x7D00  }
0x5: {  	s19 =	simm.s32 $0xE100;
	s21 =	simm.s32 $0x14500;
	s22 =	simm.s32 $0x1  }
0x6: {  	s23 =	simm.s32 $0x2;
	s2 =	sand.u32 $0x1, s2;
	s5 =	sshll.u32 s4, $0x1  }
0x7: {  	s24 =	simm.s32 $0x4;
	s25 =	simm.s32 $0x3;
	s6 =	sor.u32 s2, s5  }
0x8: {  	s28 =	simm.s32 $0x6;
	s4 =	simm.s32 $0x0;
	s5 =	smul.u32 $0x1900, s6  }
0x9: {  	s31 =	simm.s32 $0x0;
	[smem:$0x7FF] =	sst s4;
	s7 =	smul.u32 $0x19000, s6  }
0xa: {  	s2 =	ssub.s32 $0x2, s2;
	_ =	strace $0x80000047;
	s6 =	smul.u32 $0xC8000, s6  }
0xb: {  	s26 =	sshrl.u32 s2, $0x1;
	s8 =	sshrl.u32 s5, $0x3;
	s7 =	sadd.s32 s3, s7  }
0xc: {  	s29 =	sshrl.u32 s6, $0x3;
	s8 =	sadd.s32 s8, s0;
	s0 =	sadd.s32 $0x400, s0  }
0xd: {  	s10 =	sadd.s32 $0x190, s5;
	s9 =	sadd.s32 $0xC80, s7;
	[dreg:$0x4] =	wrdreg s0  }
0xe: {  	s0 =	ssub.s32 s2, s26;
	s30 =	sadd.s32 $0x1200, s8;
	s2 =	sadd.s32 s3, s29  }
0xf: {  	s26 =	simm.s32 $0x5;
	[dreg:$0x5] =	wrdreg s30;
	s11 =	sadd.s32 $0x16A80, s2  }
0x10: {  	s12 =	sadd.s32 $0x17700, s2;
	s13 =	sadd.s32 $0x18380, s2;
	s14 =	smax.u32 s0, $0x1  }
.LBB2_1:
0x11: {  	s0 =	rddreg [dreg:$0x5]  }
0x12: {  	[tilespmem:s4], [sflag:$0x7] =	stream.linear.gather [hbm4b:s0+s4], $0x1900, $0x38;
	[tilespmem:$0x1A900] =	vst v63  }
0x13: {  	_ =	swait.ge [sflag:s15], $0x1900  }
0x14: {  	[sflag:s15] =	ssyncset.done $0x0  }
0x15: {  	s2 =	simm.s32 $0x1900;
	s30 =	rddreg [dreg:$0x4];
	[sflag:s15] =	ssyncadd.s32 $0xFFFFE700  }
0x16: {  	[tilespmem:s2], [sflag:$0x7] =	stream.linear.gather [hbm4b:s30+s4], $0x6400, $0x38;
	[tilespmem:$0x1A900] =	vst v63  }
0x17: {  	_ =	swait.ge [sflag:s15], $0x6400  }
0x18: {  	[sflag:s15] =	ssyncset.done $0x0  }
0x19: {  	s6 =	simm.s32 $0x1A00;
	[sflag:s15] =	ssyncadd.s32 $0xFFFF9C00  }
0x1a: {  	v0 =	vld [tilespmem:s6+$0x80]  }
0x1b: {  	v2 =	vld [tilespmem:s6+$0x0]  }
0x1c: {  	v1 =	vld [tilespmem:s6+$0xFFFFFF80]  }
0x1d: {  	v3 =	vld [tilespmem:s6+$0xFFFFFF00]  }
0x1e: {  	s0 =	simm.s32 $0x7E00  }
0x1f: {  	[tilespmem:s0+$0x80] =	vst v0  }
0x20: {  	[tilespmem:s0+$0x0] =	vst v2;
	v0 =	vld [tilespmem:s6+$0x90]  }
0x21: {  	[tilespmem:s0+$0xFFFFFF80] =	vst v1;
	v2 =	vld [tilespmem:s6+$0x10]  }
0x22: {  	[tilespmem:s0+$0xFFFFFF00] =	vst v3;
	v1 =	vld [tilespmem:s6+$0xFFFFFF90]  }
0x23: {  	v3 =	vld [tilespmem:s6+$0xFFFFFF10];
	_ =	sdelay $0x1  }
0x24: {  	[tilespmem:s0+$0x90] =	vst v0  }
0x25: {  	[tilespmem:s0+$0x10] =	vst v2;
	v0 =	vld [tilespmem:s6+$0xA0]  }
0x26: {  	[tilespmem:s0+$0xFFFFFF90] =	vst v1;
	v2 =	vld [tilespmem:s6+$0x20]  }
0x27: {  	[tilespmem:s0+$0xFFFFFF10] =	vst v3;
	v1 =	vld [tilespmem:s6+$0xFFFFFFA0]  }
0x28: {  	v3 =	vld [tilespmem:s6+$0xFFFFFF20];
	_ =	sdelay $0x1  }
0x29: {  	[tilespmem:s0+$0xA0] =	vst v0  }
0x2a: {  	[tilespmem:s0+$0x20] =	vst v2;
	v0 =	vld [tilespmem:s6+$0xB0]  }
0x2b: {  	[tilespmem:s0+$0xFFFFFFA0] =	vst v1;
	v2 =	vld [tilespmem:s6+$0x30]  }
0x2c: {  	[tilespmem:s0+$0xFFFFFF20] =	vst v3;
	v1 =	vld [tilespmem:s6+$0xFFFFFFB0]  }
0x2d: {  	v3 =	vld [tilespmem:s6+$0xFFFFFF30];
	_ =	sdelay $0x1  }
0x2e: {  	[tilespmem:s0+$0xB0] =	vst v0  }
0x2f: {  	[tilespmem:s0+$0x30] =	vst v2;
	v0 =	vld [tilespmem:s6+$0xC0]  }
0x30: {  	[tilespmem:s0+$0xFFFFFFB0] =	vst v1;
	v2 =	vld [tilespmem:s6+$0x40]  }
0x31: {  	[tilespmem:s0+$0xFFFFFF30] =	vst v3;
	v1 =	vld [tilespmem:s6+$0xFFFFFFC0]  }
0x32: {  	v3 =	vld [tilespmem:s6+$0xFFFFFF40]  }
0x33: {  	s2 =	simm.s32 $0x1C00  }
0x34: {  	v4 =	vld [tilespmem:s2+$0x80];
	[tilespmem:s0+$0xC0] =	vst v0  }
0x35: {  	[tilespmem:s0+$0x40] =	vst v2;
	v2 =	vld [tilespmem:s2+$0xFFFFFF80]  }
0x36: {  	[tilespmem:s0+$0xFFFFFFC0] =	vst v1;
	v0 =	vld [tilespmem:s6+$0xD0]  }
0x37: {  	[tilespmem:s0+$0xFFFFFF40] =	vst v3;
	v3 =	vld [tilespmem:s2+$0x0]  }
0x38: {  	s16 =	simm.s32 $0x8000;
	v1 =	vld [tilespmem:s6+$0xFFFFFFD0]  }
0x39: {  	v5 =	vld [tilespmem:s2+$0xFFFFFF00];
	[tilespmem:s16+$0x80] =	vst v4  }
0x3a: {  	[tilespmem:s16+$0xFFFFFF80] =	vst v2;
	v2 =	vld [tilespmem:s2+$0x90]  }
0x3b: {  	[tilespmem:s0+$0xD0] =	vst v0;
	v4 =	vld [tilespmem:s2+$0xFFFFFF90]  }
0x3c: {  	[tilespmem:s16+$0x0] =	vst v3;
	v0 =	vld [tilespmem:s6+$0xE0]  }
0x3d: {  	[tilespmem:s0+$0xFFFFFFD0] =	vst v1;
	v1 =	vld [tilespmem:s6+$0xFFFFFF50]  }
0x3e: {  	[tilespmem:s16+$0xFFFFFF00] =	vst v5;
	v3 =	vld [tilespmem:s2+$0x10]  }
0x3f: {  	v5 =	vld [tilespmem:s2+$0xFFFFFF10];
	[tilespmem:s16+$0x90] =	vst v2  }
0x40: {  	[tilespmem:s16+$0xFFFFFF90] =	vst v4;
	v2 =	vld [tilespmem:s2+$0xA0]  }
0x41: {  	[tilespmem:s0+$0xE0] =	vst v0;
	v4 =	vld [tilespmem:s2+$0xFFFFFFA0]  }
0x42: {  	[tilespmem:s0+$0xFFFFFF50] =	vst v1;
	v0 =	vld [tilespmem:s6+$0xF0]  }
0x43: {  	v1 =	vld [tilespmem:s6+$0x50];
	[tilespmem:s16+$0x10] =	vst v3  }
0x44: {  	[tilespmem:s16+$0xFFFFFF10] =	vst v5;
	v3 =	vld [tilespmem:s2+$0x20]  }
0x45: {  	v5 =	vld [tilespmem:s2+$0xFFFFFF20];
	[tilespmem:s16+$0xA0] =	vst v2  }
0x46: {  	[tilespmem:s16+$0xFFFFFFA0] =	vst v4;
	v2 =	vld [tilespmem:s2+$0xB0]  }
0x47: {  	[tilespmem:s0+$0xF0] =	vst v0;
	v0 =	vld [tilespmem:s6+$0xFFFFFF60]  }
0x48: {  	[tilespmem:s0+$0x50] =	vst v1;
	v4 =	vld [tilespmem:s2+$0xFFFFFFB0]  }
0x49: {  	v1 =	vld [tilespmem:s6+$0xFFFFFFE0];
	[tilespmem:s16+$0x20] =	vst v3  }
0x4a: {  	[tilespmem:s16+$0xFFFFFF20] =	vst v5;
	v3 =	vld [tilespmem:s2+$0x30]  }
0x4b: {  	v5 =	vld [tilespmem:s2+$0xFFFFFF30];
	[tilespmem:s16+$0xB0] =	vst v2  }
0x4c: {  	[tilespmem:s0+$0xFFFFFF60] =	vst v0;
	v0 =	vld [tilespmem:s6+$0x60]  }
0x4d: {  	[tilespmem:s16+$0xFFFFFFB0] =	vst v4;
	v4 =	vld [tilespmem:s2+$0xC0]  }
0x4e: {  	[tilespmem:s0+$0xFFFFFFE0] =	vst v1;
	v1 =	vld [tilespmem:s6+$0xFFFFFF70]  }
0x4f: {  	[tilespmem:s16+$0x30] =	vst v3;
	v6 =	vld [tilespmem:s2+$0xFFFFFFC0]  }
0x50: {  	[tilespmem:s16+$0xFFFFFF30] =	vst v5;
	v5 =	vld [tilespmem:s2+$0x40]  }
0x51: {  	v2 =	vld [tilespmem:s2+$0xFFFFFF40];
	[tilespmem:s0+$0x60] =	vst v0  }
0x52: {  	v0 =	vld [tilespmem:s6+$0xFFFFFFF0];
	[tilespmem:s16+$0xC0] =	vst v4  }
0x53: {  	[tilespmem:s0+$0xFFFFFF70] =	vst v1;
	v1 =	vld [tilespmem:s6+$0x70]  }
0x54: {  	[tilespmem:s16+$0xFFFFFFC0] =	vst v6;
	v4 =	vld [tilespmem:s2+$0xD0]  }
0x55: {  	s20 =	simm.s32 $0x4;
	[tilespmem:s16+$0x40] =	vst v5;
	s6 =	simm.s32 $0x1E00;
	v3 =	vld [tilespmem:s2+$0xFFFFFFD0]  }
.LBB2_2:
0x56: {  	v5 =	vld [tilespmem:s6+$0x80];
	s20 =	sadd.s32 $0x4, s20;
	[tilespmem:s16+$0xFFFFFF40] =	vst v2  }
0x57: {  	v2 =	vld [tilespmem:s6+$0xFFFFFF80];
	p0 =	slt.u32 s20, $0xC4;
	[tilespmem:s0+$0xFFFFFFF0] =	vst v0  }
0x58: {  	v0 =	vld [tilespmem:s6+$0x0];
	[tilespmem:s0+$0x70] =	vst v1;
	s0 =	smov.u32 s16  }
0x59: {  	v1 =	vld [tilespmem:s6+$0xFFFFFF00];
	[tilespmem:s16+$0xD0] =	vst v4  }
0x5a: {  	s16 =	sadd.s32 $0x200, s16;
	[tilespmem:s0+$0xFFFFFFD0] =	vst v3;
	v3 =	vld [tilespmem:s2+$0xE0]  }
0x5b: {  	[tilespmem:s16+$0x80] =	vst v5;
	v4 =	vld [tilespmem:s2+$0xFFFFFF50]  }
0x5c: {  	[tilespmem:s16+$0xFFFFFF80] =	vst v2;
	v2 =	vld [tilespmem:s6+$0x90]  }
0x5d: {  	v5 =	vld [tilespmem:s6+$0xFFFFFF90];
	[tilespmem:s16+$0x0] =	vst v0  }
0x5e: {  	[tilespmem:s16+$0xFFFFFF00] =	vst v1;
	v0 =	vld [tilespmem:s6+$0x10]  }
0x5f: {  	v1 =	vld [tilespmem:s6+$0xFFFFFF10];
	[tilespmem:s0+$0xE0] =	vst v3  }
0x60: {  	[tilespmem:s0+$0xFFFFFF50] =	vst v4;
	v3 =	vld [tilespmem:s2+$0xF0]  }
0x61: {  	[tilespmem:s16+$0x90] =	vst v2;
	v2 =	vld [tilespmem:s2+$0x50]  }
0x62: {  	[tilespmem:s16+$0xFFFFFF90] =	vst v5;
	v4 =	vld [tilespmem:s6+$0xA0]  }
0x63: {  	v5 =	vld [tilespmem:s6+$0xFFFFFFA0];
	[tilespmem:s16+$0x10] =	vst v0  }
0x64: {  	[tilespmem:s16+$0xFFFFFF10] =	vst v1;
	v0 =	vld [tilespmem:s6+$0x20]  }
0x65: {  	v1 =	vld [tilespmem:s6+$0xFFFFFF20];
	[tilespmem:s0+$0xF0] =	vst v3  }
0x66: {  	v3 =	vld [tilespmem:s2+$0xFFFFFF60];
	[tilespmem:s0+$0x50] =	vst v2  }
0x67: {  	[tilespmem:s16+$0xA0] =	vst v4;
	v2 =	vld [tilespmem:s2+$0xFFFFFFE0]  }
0x68: {  	[tilespmem:s16+$0xFFFFFFA0] =	vst v5;
	v4 =	vld [tilespmem:s6+$0xB0]  }
0x69: {  	v5 =	vld [tilespmem:s6+$0xFFFFFFB0];
	[tilespmem:s16+$0x20] =	vst v0  }
0x6a: {  	[tilespmem:s16+$0xFFFFFF20] =	vst v1;
	v0 =	vld [tilespmem:s6+$0x30]  }
0x6b: {  	v1 =	vld [tilespmem:s6+$0xFFFFFF30];
	[tilespmem:s0+$0xFFFFFF60] =	vst v3  }
0x6c: {  	[tilespmem:s0+$0xFFFFFFE0] =	vst v2;
	v3 =	vld [tilespmem:s2+$0x60]  }
0x6d: {  	[tilespmem:s16+$0xB0] =	vst v4;
	v4 =	vld [tilespmem:s2+$0xFFFFFF70]  }
0x6e: {  	[tilespmem:s16+$0xFFFFFFB0] =	vst v5;
	v5 =	vld [tilespmem:s6+$0xC0]  }
0x6f: {  	v6 =	vld [tilespmem:s6+$0xFFFFFFC0];
	[tilespmem:s16+$0x30] =	vst v0  }
0x70: {  	[tilespmem:s16+$0xFFFFFF30] =	vst v1;
	v7 =	vld [tilespmem:s6+$0x40]  }
.Ltmp0:
0x71: {  	v2 =	vld [tilespmem:s6+$0xFFFFFF40];
	[tilespmem:s0+$0x60] =	vst v3;
	(pc) =	sbr.rel @p0 .LBB2_2-.Ltmp0, $4  }
0x72: {  	[tilespmem:s0+$0xFFFFFF70] =	vst v4;
	v0 =	vld [tilespmem:s2+$0xFFFFFFF0]  }
0x73: {  	[tilespmem:s16+$0xC0] =	vst v5;
	v1 =	vld [tilespmem:s2+$0x70];
	s2 =	smov.u32 s6  }
0x74: {  	[tilespmem:s16+$0xFFFFFFC0] =	vst v6;
	v4 =	vld [tilespmem:s6+$0xD0]  }
0x75: {  	s6 =	sadd.s32 $0x200, s6;
	v3 =	vld [tilespmem:s2+$0xFFFFFFD0];
	[tilespmem:s16+$0x40] =	vst v7  }
0x76: {  	[tilespmem:s16+$0xFFFFFF40] =	vst v2;
	v5 =	vld [tilespmem:s2+$0x50]  }
0x77: {  	v2 =	vld [tilespmem:s2+$0xFFFFFF50];
	_ =	sdelay $0x1  }
0x78: {  	[tilespmem:s16+$0xD0] =	vst v4  }
0x79: {  	v4 =	vld [tilespmem:s2+$0xE0];
	[tilespmem:s16+$0xFFFFFFD0] =	vst v3  }
0x7a: {  	[tilespmem:s16+$0x50] =	vst v5;
	v3 =	vld [tilespmem:s2+$0xFFFFFFE0]  }
0x7b: {  	[tilespmem:s16+$0xFFFFFF50] =	vst v2;
	v5 =	vld [tilespmem:s2+$0x60]  }
0x7c: {  	v2 =	vld [tilespmem:s2+$0xFFFFFF60]  }
0x7d: {  	[tilespmem:s0+$0xFFFFFFF0] =	vst v0  }
0x7e: {  	[tilespmem:s16+$0xE0] =	vst v4  }
0x7f: {  	v4 =	vld [tilespmem:s2+$0xF0];
	[tilespmem:s16+$0xFFFFFFE0] =	vst v3  }
0x80: {  	[tilespmem:s16+$0x60] =	vst v5;
	v3 =	vld [tilespmem:s2+$0xFFFFFFF0]  }
0x81: {  	[tilespmem:s16+$0xFFFFFF60] =	vst v2;
	v0 =	vld [tilespmem:s2+$0x70]  }
0x82: {  	v2 =	vld [tilespmem:s2+$0xFFFFFF70]  }
0x83: {  	[tilespmem:s0+$0x70] =	vst v1  }
0x84: {  	[tilespmem:s16+$0xF0] =	vst v4  }
0x85: {  	[tilespmem:s16+$0xFFFFFFF0] =	vst v3  }
0x86: {  	[tilespmem:s16+$0x70] =	vst v0  }
0x87: {  	s6 =	simm.s32 $0x1A00;
	[tilespmem:s16+$0xFFFFFF70] =	vst v2  }
0x88: {  	[tilespmem:s18], [sflag:$0x1] =	stream.indirect.gather.add.f32 [hbm:s1], $0x80, s4, s17, $0xb8;
	[tilespmem:$0x1A900] =	vst v63  }
0x89: {  	v0 =	vld [tilespmem:s6+$0x80]  }
0x8a: {  	v2 =	vld [tilespmem:s6+$0x0]  }
0x8b: {  	v1 =	vld [tilespmem:s6+$0xFFFFFF80]  }
0x8c: {  	v3 =	vld [tilespmem:s6+$0xFFFFFF00]  }
0x8d: {  	s0 =	simm.s32 $0xE200  }
0x8e: {  	[tilespmem:s0+$0x80] =	vst v0  }
0x8f: {  	[tilespmem:s0+$0x0] =	vst v2;
	v0 =	vld [tilespmem:s6+$0x90]  }
0x90: {  	[tilespmem:s0+$0xFFFFFF80] =	vst v1;
	v2 =	vld [tilespmem:s6+$0x10]  }
0x91: {  	[tilespmem:s0+$0xFFFFFF00] =	vst v3;
	v1 =	vld [tilespmem:s6+$0xFFFFFF90]  }
0x92: {  	v3 =	vld [tilespmem:s6+$0xFFFFFF10];
	_ =	sdelay $0x1  }
0x93: {  	[tilespmem:s0+$0x90] =	vst v0  }
0x94: {  	[tilespmem:s0+$0x10] =	vst v2;
	v0 =	vld [tilespmem:s6+$0xA0]  }
0x95: {  	[tilespmem:s0+$0xFFFFFF90] =	vst v1;
	v2 =	vld [tilespmem:s6+$0x20]  }
0x96: {  	[tilespmem:s0+$0xFFFFFF10] =	vst v3;
	v1 =	vld [tilespmem:s6+$0xFFFFFFA0]  }
0x97: {  	v3 =	vld [tilespmem:s6+$0xFFFFFF20];
	_ =	sdelay $0x1  }
0x98: {  	[tilespmem:s0+$0xA0] =	vst v0  }
0x99: {  	[tilespmem:s0+$0x20] =	vst v2;
	v0 =	vld [tilespmem:s6+$0xB0]  }
0x9a: {  	[tilespmem:s0+$0xFFFFFFA0] =	vst v1;
	v2 =	vld [tilespmem:s6+$0x30]  }
0x9b: {  	[tilespmem:s0+$0xFFFFFF20] =	vst v3;
	v1 =	vld [tilespmem:s6+$0xFFFFFFB0]  }
0x9c: {  	v3 =	vld [tilespmem:s6+$0xFFFFFF30];
	_ =	sdelay $0x1  }
0x9d: {  	[tilespmem:s0+$0xB0] =	vst v0  }
0x9e: {  	[tilespmem:s0+$0x30] =	vst v2;
	v0 =	vld [tilespmem:s6+$0xC0]  }
0x9f: {  	[tilespmem:s0+$0xFFFFFFB0] =	vst v1;
	v2 =	vld [tilespmem:s6+$0x40]  }
0xa0: {  	[tilespmem:s0+$0xFFFFFF30] =	vst v3;
	v1 =	vld [tilespmem:s6+$0xFFFFFFC0]  }
0xa1: {  	v3 =	vld [tilespmem:s6+$0xFFFFFF40]  }
0xa2: {  	s2 =	simm.s32 $0x1C00  }
0xa3: {  	v4 =	vld [tilespmem:s2+$0x80];
	[tilespmem:s0+$0xC0] =	vst v0  }
0xa4: {  	[tilespmem:s0+$0x40] =	vst v2;
	v2 =	vld [tilespmem:s2+$0xFFFFFF80]  }
0xa5: {  	[tilespmem:s0+$0xFFFFFFC0] =	vst v1;
	v0 =	vld [tilespmem:s6+$0xD0]  }
0xa6: {  	[tilespmem:s0+$0xFFFFFF40] =	vst v3;
	v3 =	vld [tilespmem:s2+$0x0]  }
0xa7: {  	s16 =	simm.s32 $0xE400;
	v1 =	vld [tilespmem:s6+$0xFFFFFFD0]  }
0xa8: {  	v5 =	vld [tilespmem:s2+$0xFFFFFF00];
	[tilespmem:s16+$0x80] =	vst v4  }
0xa9: {  	[tilespmem:s16+$0xFFFFFF80] =	vst v2;
	v2 =	vld [tilespmem:s2+$0x90]  }
0xaa: {  	[tilespmem:s0+$0xD0] =	vst v0;
	v4 =	vld [tilespmem:s2+$0xFFFFFF90]  }
0xab: {  	[tilespmem:s16+$0x0] =	vst v3;
	v0 =	vld [tilespmem:s6+$0xE0]  }
0xac: {  	[tilespmem:s0+$0xFFFFFFD0] =	vst v1;
	v1 =	vld [tilespmem:s6+$0xFFFFFF50]  }
0xad: {  	[tilespmem:s16+$0xFFFFFF00] =	vst v5;
	v3 =	vld [tilespmem:s2+$0x10]  }
0xae: {  	v5 =	vld [tilespmem:s2+$0xFFFFFF10];
	[tilespmem:s16+$0x90] =	vst v2  }
0xaf: {  	[tilespmem:s16+$0xFFFFFF90] =	vst v4;
	v2 =	vld [tilespmem:s2+$0xA0]  }
0xb0: {  	[tilespmem:s0+$0xE0] =	vst v0;
	v4 =	vld [tilespmem:s2+$0xFFFFFFA0]  }
0xb1: {  	[tilespmem:s0+$0xFFFFFF50] =	vst v1;
	v0 =	vld [tilespmem:s6+$0xF0]  }
0xb2: {  	v1 =	vld [tilespmem:s6+$0x50];
	[tilespmem:s16+$0x10] =	vst v3  }
0xb3: {  	[tilespmem:s16+$0xFFFFFF10] =	vst v5;
	v3 =	vld [tilespmem:s2+$0x20]  }
0xb4: {  	v5 =	vld [tilespmem:s2+$0xFFFFFF20];
	[tilespmem:s16+$0xA0] =	vst v2  }
0xb5: {  	[tilespmem:s16+$0xFFFFFFA0] =	vst v4;
	v2 =	vld [tilespmem:s2+$0xB0]  }
0xb6: {  	[tilespmem:s0+$0xF0] =	vst v0;
	v0 =	vld [tilespmem:s6+$0xFFFFFF60]  }
0xb7: {  	[tilespmem:s0+$0x50] =	vst v1;
	v4 =	vld [tilespmem:s2+$0xFFFFFFB0]  }
0xb8: {  	v1 =	vld [tilespmem:s6+$0xFFFFFFE0];
	[tilespmem:s16+$0x20] =	vst v3  }
0xb9: {  	[tilespmem:s16+$0xFFFFFF20] =	vst v5;
	v3 =	vld [tilespmem:s2+$0x30]  }
0xba: {  	v5 =	vld [tilespmem:s2+$0xFFFFFF30];
	[tilespmem:s16+$0xB0] =	vst v2  }
0xbb: {  	[tilespmem:s0+$0xFFFFFF60] =	vst v0;
	v0 =	vld [tilespmem:s6+$0x60]  }
0xbc: {  	[tilespmem:s16+$0xFFFFFFB0] =	vst v4;
	v4 =	vld [tilespmem:s2+$0xC0]  }
0xbd: {  	[tilespmem:s0+$0xFFFFFFE0] =	vst v1;
	v1 =	vld [tilespmem:s6+$0xFFFFFF70]  }
0xbe: {  	[tilespmem:s16+$0x30] =	vst v3;
	v6 =	vld [tilespmem:s2+$0xFFFFFFC0]  }
0xbf: {  	[tilespmem:s16+$0xFFFFFF30] =	vst v5;
	v5 =	vld [tilespmem:s2+$0x40]  }
0xc0: {  	v2 =	vld [tilespmem:s2+$0xFFFFFF40];
	[tilespmem:s0+$0x60] =	vst v0  }
0xc1: {  	v0 =	vld [tilespmem:s6+$0xFFFFFFF0];
	[tilespmem:s16+$0xC0] =	vst v4  }
0xc2: {  	[tilespmem:s0+$0xFFFFFF70] =	vst v1;
	v1 =	vld [tilespmem:s6+$0x70]  }
0xc3: {  	[tilespmem:s16+$0xFFFFFFC0] =	vst v6;
	v4 =	vld [tilespmem:s2+$0xD0]  }
0xc4: {  	s20 =	simm.s32 $0x4;
	[tilespmem:s16+$0x40] =	vst v5;
	s6 =	simm.s32 $0x1E00;
	v3 =	vld [tilespmem:s2+$0xFFFFFFD0]  }
.LBB2_4:
0xc5: {  	v5 =	vld [tilespmem:s6+$0x80];
	s20 =	sadd.s32 $0x4, s20;
	[tilespmem:s16+$0xFFFFFF40] =	vst v2  }
0xc6: {  	v2 =	vld [tilespmem:s6+$0xFFFFFF80];
	p0 =	slt.u32 s20, $0xC4;
	[tilespmem:s0+$0xFFFFFFF0] =	vst v0  }
0xc7: {  	v0 =	vld [tilespmem:s6+$0x0];
	[tilespmem:s0+$0x70] =	vst v1;
	s0 =	smov.u32 s16  }
0xc8: {  	v1 =	vld [tilespmem:s6+$0xFFFFFF00];
	[tilespmem:s16+$0xD0] =	vst v4  }
0xc9: {  	s16 =	sadd.s32 $0x200, s16;
	[tilespmem:s0+$0xFFFFFFD0] =	vst v3;
	v3 =	vld [tilespmem:s2+$0xE0]  }
0xca: {  	[tilespmem:s16+$0x80] =	vst v5;
	v4 =	vld [tilespmem:s2+$0xFFFFFF50]  }
0xcb: {  	[tilespmem:s16+$0xFFFFFF80] =	vst v2;
	v2 =	vld [tilespmem:s6+$0x90]  }
0xcc: {  	v5 =	vld [tilespmem:s6+$0xFFFFFF90];
	[tilespmem:s16+$0x0] =	vst v0  }
0xcd: {  	[tilespmem:s16+$0xFFFFFF00] =	vst v1;
	v0 =	vld [tilespmem:s6+$0x10]  }
0xce: {  	v1 =	vld [tilespmem:s6+$0xFFFFFF10];
	[tilespmem:s0+$0xE0] =	vst v3  }
0xcf: {  	[tilespmem:s0+$0xFFFFFF50] =	vst v4;
	v3 =	vld [tilespmem:s2+$0xF0]  }
0xd0: {  	[tilespmem:s16+$0x90] =	vst v2;
	v2 =	vld [tilespmem:s2+$0x50]  }
0xd1: {  	[tilespmem:s16+$0xFFFFFF90] =	vst v5;
	v4 =	vld [tilespmem:s6+$0xA0]  }
0xd2: {  	v5 =	vld [tilespmem:s6+$0xFFFFFFA0];
	[tilespmem:s16+$0x10] =	vst v0  }
0xd3: {  	[tilespmem:s16+$0xFFFFFF10] =	vst v1;
	v0 =	vld [tilespmem:s6+$0x20]  }
0xd4: {  	v1 =	vld [tilespmem:s6+$0xFFFFFF20];
	[tilespmem:s0+$0xF0] =	vst v3  }
0xd5: {  	v3 =	vld [tilespmem:s2+$0xFFFFFF60];
	[tilespmem:s0+$0x50] =	vst v2  }
0xd6: {  	[tilespmem:s16+$0xA0] =	vst v4;
	v2 =	vld [tilespmem:s2+$0xFFFFFFE0]  }
0xd7: {  	[tilespmem:s16+$0xFFFFFFA0] =	vst v5;
	v4 =	vld [tilespmem:s6+$0xB0]  }
0xd8: {  	v5 =	vld [tilespmem:s6+$0xFFFFFFB0];
	[tilespmem:s16+$0x20] =	vst v0  }
0xd9: {  	[tilespmem:s16+$0xFFFFFF20] =	vst v1;
	v0 =	vld [tilespmem:s6+$0x30]  }
0xda: {  	v1 =	vld [tilespmem:s6+$0xFFFFFF30];
	[tilespmem:s0+$0xFFFFFF60] =	vst v3  }
0xdb: {  	[tilespmem:s0+$0xFFFFFFE0] =	vst v2;
	v3 =	vld [tilespmem:s2+$0x60]  }
0xdc: {  	[tilespmem:s16+$0xB0] =	vst v4;
	v4 =	vld [tilespmem:s2+$0xFFFFFF70]  }
0xdd: {  	[tilespmem:s16+$0xFFFFFFB0] =	vst v5;
	v5 =	vld [tilespmem:s6+$0xC0]  }
0xde: {  	v6 =	vld [tilespmem:s6+$0xFFFFFFC0];
	[tilespmem:s16+$0x30] =	vst v0  }
0xdf: {  	[tilespmem:s16+$0xFFFFFF30] =	vst v1;
	v7 =	vld [tilespmem:s6+$0x40]  }
.Ltmp1:
0xe0: {  	v2 =	vld [tilespmem:s6+$0xFFFFFF40];
	[tilespmem:s0+$0x60] =	vst v3;
	(pc) =	sbr.rel @p0 .LBB2_4-.Ltmp1, $4  }
0xe1: {  	[tilespmem:s0+$0xFFFFFF70] =	vst v4;
	v0 =	vld [tilespmem:s2+$0xFFFFFFF0]  }
0xe2: {  	[tilespmem:s16+$0xC0] =	vst v5;
	v1 =	vld [tilespmem:s2+$0x70];
	s2 =	smov.u32 s6  }
0xe3: {  	[tilespmem:s16+$0xFFFFFFC0] =	vst v6;
	v4 =	vld [tilespmem:s6+$0xD0]  }
0xe4: {  	s6 =	sadd.s32 $0x200, s6;
	v3 =	vld [tilespmem:s2+$0xFFFFFFD0];
	[tilespmem:s16+$0x40] =	vst v7  }
0xe5: {  	[tilespmem:s16+$0xFFFFFF40] =	vst v2;
	v5 =	vld [tilespmem:s2+$0x50]  }
0xe6: {  	v2 =	vld [tilespmem:s2+$0xFFFFFF50];
	_ =	sdelay $0x1  }
0xe7: {  	[tilespmem:s16+$0xD0] =	vst v4  }
0xe8: {  	v4 =	vld [tilespmem:s2+$0xE0];
	[tilespmem:s16+$0xFFFFFFD0] =	vst v3  }
0xe9: {  	[tilespmem:s16+$0x50] =	vst v5;
	v3 =	vld [tilespmem:s2+$0xFFFFFFE0]  }
0xea: {  	[tilespmem:s16+$0xFFFFFF50] =	vst v2;
	v5 =	vld [tilespmem:s2+$0x60]  }
0xeb: {  	v2 =	vld [tilespmem:s2+$0xFFFFFF60]  }
0xec: {  	[tilespmem:s0+$0xFFFFFFF0] =	vst v0  }
0xed: {  	[tilespmem:s16+$0xE0] =	vst v4  }
0xee: {  	v4 =	vld [tilespmem:s2+$0xF0];
	[tilespmem:s16+$0xFFFFFFE0] =	vst v3  }
0xef: {  	[tilespmem:s16+$0x60] =	vst v5;
	v3 =	vld [tilespmem:s2+$0xFFFFFFF0]  }
0xf0: {  	[tilespmem:s16+$0xFFFFFF60] =	vst v2;
	v0 =	vld [tilespmem:s2+$0x70]  }
0xf1: {  	v2 =	vld [tilespmem:s2+$0xFFFFFF70]  }
0xf2: {  	[tilespmem:s0+$0x70] =	vst v1  }
0xf3: {  	[tilespmem:s16+$0xF0] =	vst v4  }
0xf4: {  	[tilespmem:s16+$0xFFFFFFF0] =	vst v3  }
0xf5: {  	[tilespmem:s16+$0x70] =	vst v0  }
0xf6: {  	s6 =	simm.s32 $0x1A00;
	[tilespmem:s16+$0xFFFFFF70] =	vst v2  }
0xf7: {  	[tilespmem:s19], [sflag:$0x2] =	stream.indirect.gather.add.f32 [hbm:s1], $0x80, s17, s17, $0xb8;
	[tilespmem:$0x1A900] =	vst v63  }
0xf8: {  	v0 =	vld [tilespmem:s6+$0x80]  }
0xf9: {  	v2 =	vld [tilespmem:s6+$0x0]  }
0xfa: {  	v1 =	vld [tilespmem:s6+$0xFFFFFF80]  }
0xfb: {  	v3 =	vld [tilespmem:s6+$0xFFFFFF00]  }
0xfc: {  	s0 =	simm.s32 $0x14600  }
0xfd: {  	[tilespmem:s0+$0x80] =	vst v0  }
0xfe: {  	[tilespmem:s0+$0x0] =	vst v2;
	v0 =	vld [tilespmem:s6+$0x90]  }
0xff: {  	[tilespmem:s0+$0xFFFFFF80] =	vst v1;
	v2 =	vld [tilespmem:s6+$0x10]  }
0x100: {  	[tilespmem:s0+$0xFFFFFF00] =	vst v3;
	v1 =	vld [tilespmem:s6+$0xFFFFFF90]  }
0x101: {  	v3 =	vld [tilespmem:s6+$0xFFFFFF10];
	_ =	sdelay $0x1  }
0x102: {  	[tilespmem:s0+$0x90] =	vst v0  }
0x103: {  	[tilespmem:s0+$0x10] =	vst v2;
	v0 =	vld [tilespmem:s6+$0xA0]  }
0x104: {  	[tilespmem:s0+$0xFFFFFF90] =	vst v1;
	v2 =	vld [tilespmem:s6+$0x20]  }
0x105: {  	[tilespmem:s0+$0xFFFFFF10] =	vst v3;
	v1 =	vld [tilespmem:s6+$0xFFFFFFA0]  }
0x106: {  	v3 =	vld [tilespmem:s6+$0xFFFFFF20];
	_ =	sdelay $0x1  }
0x107: {  	[tilespmem:s0+$0xA0] =	vst v0  }
0x108: {  	[tilespmem:s0+$0x20] =	vst v2;
	v0 =	vld [tilespmem:s6+$0xB0]  }
0x109: {  	[tilespmem:s0+$0xFFFFFFA0] =	vst v1;
	v2 =	vld [tilespmem:s6+$0x30]  }
0x10a: {  	[tilespmem:s0+$0xFFFFFF20] =	vst v3;
	v1 =	vld [tilespmem:s6+$0xFFFFFFB0]  }
0x10b: {  	v3 =	vld [tilespmem:s6+$0xFFFFFF30];
	_ =	sdelay $0x1  }
0x10c: {  	[tilespmem:s0+$0xB0] =	vst v0  }
0x10d: {  	[tilespmem:s0+$0x30] =	vst v2;
	v0 =	vld [tilespmem:s6+$0xC0]  }
0x10e: {  	[tilespmem:s0+$0xFFFFFFB0] =	vst v1;
	v2 =	vld [tilespmem:s6+$0x40]  }
0x10f: {  	[tilespmem:s0+$0xFFFFFF30] =	vst v3;
	v1 =	vld [tilespmem:s6+$0xFFFFFFC0]  }
0x110: {  	v3 =	vld [tilespmem:s6+$0xFFFFFF40]  }
0x111: {  	s2 =	simm.s32 $0x1C00  }
0x112: {  	v4 =	vld [tilespmem:s2+$0x80];
	[tilespmem:s0+$0xC0] =	vst v0  }
0x113: {  	[tilespmem:s0+$0x40] =	vst v2;
	v2 =	vld [tilespmem:s2+$0xFFFFFF80]  }
0x114: {  	[tilespmem:s0+$0xFFFFFFC0] =	vst v1;
	v0 =	vld [tilespmem:s6+$0xD0]  }
0x115: {  	[tilespmem:s0+$0xFFFFFF40] =	vst v3;
	v3 =	vld [tilespmem:s2+$0x0]  }
0x116: {  	s16 =	simm.s32 $0x14800;
	v1 =	vld [tilespmem:s6+$0xFFFFFFD0]  }
0x117: {  	v5 =	vld [tilespmem:s2+$0xFFFFFF00];
	[tilespmem:s16+$0x80] =	vst v4  }
0x118: {  	[tilespmem:s16+$0xFFFFFF80] =	vst v2;
	v2 =	vld [tilespmem:s2+$0x90]  }
0x119: {  	[tilespmem:s0+$0xD0] =	vst v0;
	v4 =	vld [tilespmem:s2+$0xFFFFFF90]  }
0x11a: {  	[tilespmem:s16+$0x0] =	vst v3;
	v0 =	vld [tilespmem:s6+$0xE0]  }
0x11b: {  	[tilespmem:s0+$0xFFFFFFD0] =	vst v1;
	v1 =	vld [tilespmem:s6+$0xFFFFFF50]  }
0x11c: {  	[tilespmem:s16+$0xFFFFFF00] =	vst v5;
	v3 =	vld [tilespmem:s2+$0x10]  }
0x11d: {  	v5 =	vld [tilespmem:s2+$0xFFFFFF10];
	[tilespmem:s16+$0x90] =	vst v2  }
0x11e: {  	[tilespmem:s16+$0xFFFFFF90] =	vst v4;
	v2 =	vld [tilespmem:s2+$0xA0]  }
0x11f: {  	[tilespmem:s0+$0xE0] =	vst v0;
	v4 =	vld [tilespmem:s2+$0xFFFFFFA0]  }
0x120: {  	[tilespmem:s0+$0xFFFFFF50] =	vst v1;
	v0 =	vld [tilespmem:s6+$0xF0]  }
0x121: {  	v1 =	vld [tilespmem:s6+$0x50];
	[tilespmem:s16+$0x10] =	vst v3  }
0x122: {  	[tilespmem:s16+$0xFFFFFF10] =	vst v5;
	v3 =	vld [tilespmem:s2+$0x20]  }
0x123: {  	v5 =	vld [tilespmem:s2+$0xFFFFFF20];
	[tilespmem:s16+$0xA0] =	vst v2  }
0x124: {  	[tilespmem:s16+$0xFFFFFFA0] =	vst v4;
	v2 =	vld [tilespmem:s2+$0xB0]  }
0x125: {  	[tilespmem:s0+$0xF0] =	vst v0;
	v0 =	vld [tilespmem:s6+$0xFFFFFF60]  }
0x126: {  	[tilespmem:s0+$0x50] =	vst v1;
	v4 =	vld [tilespmem:s2+$0xFFFFFFB0]  }
0x127: {  	v1 =	vld [tilespmem:s6+$0xFFFFFFE0];
	[tilespmem:s16+$0x20] =	vst v3  }
0x128: {  	[tilespmem:s16+$0xFFFFFF20] =	vst v5;
	v3 =	vld [tilespmem:s2+$0x30]  }
0x129: {  	v5 =	vld [tilespmem:s2+$0xFFFFFF30];
	[tilespmem:s16+$0xB0] =	vst v2  }
0x12a: {  	[tilespmem:s0+$0xFFFFFF60] =	vst v0;
	v0 =	vld [tilespmem:s6+$0x60]  }
0x12b: {  	[tilespmem:s16+$0xFFFFFFB0] =	vst v4;
	v4 =	vld [tilespmem:s2+$0xC0]  }
0x12c: {  	[tilespmem:s0+$0xFFFFFFE0] =	vst v1;
	v1 =	vld [tilespmem:s6+$0xFFFFFF70]  }
0x12d: {  	[tilespmem:s16+$0x30] =	vst v3;
	v6 =	vld [tilespmem:s2+$0xFFFFFFC0]  }
0x12e: {  	[tilespmem:s16+$0xFFFFFF30] =	vst v5;
	v5 =	vld [tilespmem:s2+$0x40]  }
0x12f: {  	v2 =	vld [tilespmem:s2+$0xFFFFFF40];
	[tilespmem:s0+$0x60] =	vst v0  }
0x130: {  	v0 =	vld [tilespmem:s6+$0xFFFFFFF0];
	[tilespmem:s16+$0xC0] =	vst v4  }
0x131: {  	[tilespmem:s0+$0xFFFFFF70] =	vst v1;
	v1 =	vld [tilespmem:s6+$0x70]  }
0x132: {  	[tilespmem:s16+$0xFFFFFFC0] =	vst v6;
	v4 =	vld [tilespmem:s2+$0xD0]  }
0x133: {  	s20 =	simm.s32 $0x4;
	[tilespmem:s16+$0x40] =	vst v5;
	s6 =	simm.s32 $0x1E00;
	v3 =	vld [tilespmem:s2+$0xFFFFFFD0]  }
.LBB2_6:
0x134: {  	v5 =	vld [tilespmem:s6+$0x80];
	s20 =	sadd.s32 $0x4, s20;
	[tilespmem:s16+$0xFFFFFF40] =	vst v2  }
0x135: {  	v2 =	vld [tilespmem:s6+$0xFFFFFF80];
	p0 =	slt.u32 s20, $0xC4;
	[tilespmem:s0+$0xFFFFFFF0] =	vst v0  }
0x136: {  	v0 =	vld [tilespmem:s6+$0x0];
	[tilespmem:s0+$0x70] =	vst v1;
	s0 =	smov.u32 s16  }
0x137: {  	v1 =	vld [tilespmem:s6+$0xFFFFFF00];
	[tilespmem:s16+$0xD0] =	vst v4  }
0x138: {  	s16 =	sadd.s32 $0x200, s16;
	[tilespmem:s0+$0xFFFFFFD0] =	vst v3;
	v3 =	vld [tilespmem:s2+$0xE0]  }
0x139: {  	[tilespmem:s16+$0x80] =	vst v5;
	v4 =	vld [tilespmem:s2+$0xFFFFFF50]  }
0x13a: {  	[tilespmem:s16+$0xFFFFFF80] =	vst v2;
	v2 =	vld [tilespmem:s6+$0x90]  }
0x13b: {  	v5 =	vld [tilespmem:s6+$0xFFFFFF90];
	[tilespmem:s16+$0x0] =	vst v0  }
0x13c: {  	[tilespmem:s16+$0xFFFFFF00] =	vst v1;
	v0 =	vld [tilespmem:s6+$0x10]  }
0x13d: {  	v1 =	vld [tilespmem:s6+$0xFFFFFF10];
	[tilespmem:s0+$0xE0] =	vst v3  }
0x13e: {  	[tilespmem:s0+$0xFFFFFF50] =	vst v4;
	v3 =	vld [tilespmem:s2+$0xF0]  }
0x13f: {  	[tilespmem:s16+$0x90] =	vst v2;
	v2 =	vld [tilespmem:s2+$0x50]  }
0x140: {  	[tilespmem:s16+$0xFFFFFF90] =	vst v5;
	v4 =	vld [tilespmem:s6+$0xA0]  }
0x141: {  	v5 =	vld [tilespmem:s6+$0xFFFFFFA0];
	[tilespmem:s16+$0x10] =	vst v0  }
0x142: {  	[tilespmem:s16+$0xFFFFFF10] =	vst v1;
	v0 =	vld [tilespmem:s6+$0x20]  }
0x143: {  	v1 =	vld [tilespmem:s6+$0xFFFFFF20];
	[tilespmem:s0+$0xF0] =	vst v3  }
0x144: {  	v3 =	vld [tilespmem:s2+$0xFFFFFF60];
	[tilespmem:s0+$0x50] =	vst v2  }
0x145: {  	[tilespmem:s16+$0xA0] =	vst v4;
	v2 =	vld [tilespmem:s2+$0xFFFFFFE0]  }
0x146: {  	[tilespmem:s16+$0xFFFFFFA0] =	vst v5;
	v4 =	vld [tilespmem:s6+$0xB0]  }
0x147: {  	v5 =	vld [tilespmem:s6+$0xFFFFFFB0];
	[tilespmem:s16+$0x20] =	vst v0  }
0x148: {  	[tilespmem:s16+$0xFFFFFF20] =	vst v1;
	v0 =	vld [tilespmem:s6+$0x30]  }
0x149: {  	v1 =	vld [tilespmem:s6+$0xFFFFFF30];
	[tilespmem:s0+$0xFFFFFF60] =	vst v3  }
0x14a: {  	[tilespmem:s0+$0xFFFFFFE0] =	vst v2;
	v3 =	vld [tilespmem:s2+$0x60]  }
0x14b: {  	[tilespmem:s16+$0xB0] =	vst v4;
	v4 =	vld [tilespmem:s2+$0xFFFFFF70]  }
0x14c: {  	[tilespmem:s16+$0xFFFFFFB0] =	vst v5;
	v5 =	vld [tilespmem:s6+$0xC0]  }
0x14d: {  	v6 =	vld [tilespmem:s6+$0xFFFFFFC0];
	[tilespmem:s16+$0x30] =	vst v0  }
0x14e: {  	[tilespmem:s16+$0xFFFFFF30] =	vst v1;
	v7 =	vld [tilespmem:s6+$0x40]  }
.Ltmp2:
0x14f: {  	v2 =	vld [tilespmem:s6+$0xFFFFFF40];
	[tilespmem:s0+$0x60] =	vst v3;
	(pc) =	sbr.rel @p0 .LBB2_6-.Ltmp2, $4  }
0x150: {  	[tilespmem:s0+$0xFFFFFF70] =	vst v4;
	v0 =	vld [tilespmem:s2+$0xFFFFFFF0]  }
0x151: {  	[tilespmem:s16+$0xC0] =	vst v5;
	v1 =	vld [tilespmem:s2+$0x70];
	s2 =	smov.u32 s6  }
0x152: {  	[tilespmem:s16+$0xFFFFFFC0] =	vst v6;
	v4 =	vld [tilespmem:s6+$0xD0]  }
0x153: {  	s6 =	sadd.s32 $0x200, s6;
	v3 =	vld [tilespmem:s2+$0xFFFFFFD0];
	[tilespmem:s16+$0x40] =	vst v7  }
0x154: {  	[tilespmem:s16+$0xFFFFFF40] =	vst v2;
	v5 =	vld [tilespmem:s2+$0x50]  }
0x155: {  	v2 =	vld [tilespmem:s2+$0xFFFFFF50];
	_ =	sdelay $0x1  }
0x156: {  	[tilespmem:s16+$0xD0] =	vst v4  }
0x157: {  	v4 =	vld [tilespmem:s2+$0xE0];
	[tilespmem:s16+$0xFFFFFFD0] =	vst v3  }
0x158: {  	[tilespmem:s16+$0x50] =	vst v5;
	v3 =	vld [tilespmem:s2+$0xFFFFFFE0]  }
0x159: {  	[tilespmem:s16+$0xFFFFFF50] =	vst v2;
	v5 =	vld [tilespmem:s2+$0x60]  }
0x15a: {  	v2 =	vld [tilespmem:s2+$0xFFFFFF60];
	_ =	sdelay $0x1  }
0x15b: {  	[tilespmem:s16+$0xE0] =	vst v4  }
0x15c: {  	v60 =	vld [tilespmem:s2+$0xF0];
	[tilespmem:s16+$0xFFFFFFE0] =	vst v3  }
0x15d: {  	[tilespmem:s16+$0x60] =	vst v5;
	v62 =	vld [tilespmem:s2+$0xFFFFFFF0]  }
0x15e: {  	[tilespmem:s16+$0xFFFFFF60] =	vst v2;
	v63 =	vld [tilespmem:s2+$0x70]  }
0x15f: {  	[tilespmem:s0+$0xFFFFFFF0] =	vst v0;
	v61 =	vld [tilespmem:s2+$0xFFFFFF70]  }
0x160: {  	[tilespmem:s0+$0x70] =	vst v1  }
0x161: {  	[tilespmem:s16+$0xF0] =	vst v60  }
0x162: {  	[tilespmem:s16+$0xFFFFFFF0] =	vst v62  }
0x163: {  	[tilespmem:s16+$0x70] =	vst v63  }
0x164: {  	s30 =	simm.s32 $0x190;
	[tilespmem:s16+$0xFFFFFF70] =	vst v61  }
0x165: {  	[tilespmem:s21], [sflag:$0x3] =	stream.indirect.gather.add.f32 [hbm:s1], $0x80, s30, s17, $0xb8;
	[tilespmem:$0x1A900] =	vst v63  }
0x166: {  	_ =	swait.ge [sflag:s22], $0x6400  }
0x167: {  	[sflag:s22] =	ssyncset.done $0x0  }
0x168: {  	s2 =	simm.s32 $0x0;
	[sflag:s22] =	ssyncadd.s32 $0xFFFF9C00  }
0x169: {  	[hbm4b:s7+s2] =	stream.linear.scatter [tilespmem:s18], [sflag:$0x4], $0x6400, $0x38;
	[tilespmem:$0x1A900] =	vst v63  }
0x16a: {  	_ =	swait.ge [sflag:s23], $0x6400  }
0x16b: {  	[sflag:s23] =	ssyncset.done $0x0  }
0x16c: {  	[sflag:s23] =	ssyncadd.s32 $0xFFFF9C00  }
0x16d: {  	[hbm4b:s9+s2] =	stream.linear.scatter [tilespmem:s19], [sflag:$0x5], $0x6400, $0x38;
	[tilespmem:$0x1A900] =	vst v63  }
.LBB2_8:
0x16e: {  	_ =	swait.ge [sflag:s24], $0x6400  }
0x16f: {  	[sflag:s24] =	ssyncset.done $0x0  }
0x170: {  	s6 =	simm.s32 $0x1A00;
	[sflag:s24] =	ssyncadd.s32 $0xFFFF9C00  }
0x171: {  	v0 =	vld [tilespmem:s6+$0x80]  }
0x172: {  	v2 =	vld [tilespmem:s6+$0x0]  }
0x173: {  	v1 =	vld [tilespmem:s6+$0xFFFFFF80]  }
0x174: {  	v3 =	vld [tilespmem:s6+$0xFFFFFF00]  }
0x175: {  	s0 =	simm.s32 $0x7E00  }
0x176: {  	[tilespmem:s0+$0x80] =	vst v0  }
0x177: {  	[tilespmem:s0+$0x0] =	vst v2;
	v0 =	vld [tilespmem:s6+$0x90]  }
0x178: {  	[tilespmem:s0+$0xFFFFFF80] =	vst v1;
	v2 =	vld [tilespmem:s6+$0x10]  }
0x179: {  	[tilespmem:s0+$0xFFFFFF00] =	vst v3;
	v1 =	vld [tilespmem:s6+$0xFFFFFF90]  }
0x17a: {  	v3 =	vld [tilespmem:s6+$0xFFFFFF10];
	_ =	sdelay $0x1  }
0x17b: {  	[tilespmem:s0+$0x90] =	vst v0  }
0x17c: {  	[tilespmem:s0+$0x10] =	vst v2;
	v0 =	vld [tilespmem:s6+$0xA0]  }
0x17d: {  	[tilespmem:s0+$0xFFFFFF90] =	vst v1;
	v2 =	vld [tilespmem:s6+$0x20]  }
0x17e: {  	[tilespmem:s0+$0xFFFFFF10] =	vst v3;
	v1 =	vld [tilespmem:s6+$0xFFFFFFA0]  }
0x17f: {  	v3 =	vld [tilespmem:s6+$0xFFFFFF20];
	_ =	sdelay $0x1  }
0x180: {  	[tilespmem:s0+$0xA0] =	vst v0  }
0x181: {  	[tilespmem:s0+$0x20] =	vst v2;
	v0 =	vld [tilespmem:s6+$0xB0]  }
0x182: {  	[tilespmem:s0+$0xFFFFFFA0] =	vst v1;
	v2 =	vld [tilespmem:s6+$0x30]  }
0x183: {  	[tilespmem:s0+$0xFFFFFF20] =	vst v3;
	v1 =	vld [tilespmem:s6+$0xFFFFFFB0]  }
0x184: {  	v3 =	vld [tilespmem:s6+$0xFFFFFF30];
	_ =	sdelay $0x1  }
0x185: {  	[tilespmem:s0+$0xB0] =	vst v0  }
0x186: {  	[tilespmem:s0+$0x30] =	vst v2;
	v0 =	vld [tilespmem:s6+$0xC0]  }
0x187: {  	[tilespmem:s0+$0xFFFFFFB0] =	vst v1;
	v2 =	vld [tilespmem:s6+$0x40]  }
0x188: {  	[tilespmem:s0+$0xFFFFFF30] =	vst v3;
	v1 =	vld [tilespmem:s6+$0xFFFFFFC0]  }
0x189: {  	v3 =	vld [tilespmem:s6+$0xFFFFFF40]  }
0x18a: {  	s16 =	simm.s32 $0x1C00  }
0x18b: {  	v4 =	vld [tilespmem:s16+$0x80];
	[tilespmem:s0+$0xC0] =	vst v0  }
0x18c: {  	[tilespmem:s0+$0x40] =	vst v2;
	v2 =	vld [tilespmem:s16+$0xFFFFFF80]  }
0x18d: {  	[tilespmem:s0+$0xFFFFFFC0] =	vst v1;
	v0 =	vld [tilespmem:s6+$0xD0]  }
0x18e: {  	[tilespmem:s0+$0xFFFFFF40] =	vst v3;
	v3 =	vld [tilespmem:s16+$0x0]  }
0x18f: {  	s20 =	simm.s32 $0x8000;
	v1 =	vld [tilespmem:s6+$0xFFFFFFD0]  }
0x190: {  	v5 =	vld [tilespmem:s16+$0xFFFFFF00];
	[tilespmem:s20+$0x80] =	vst v4  }
0x191: {  	[tilespmem:s20+$0xFFFFFF80] =	vst v2;
	v2 =	vld [tilespmem:s16+$0x90]  }
0x192: {  	[tilespmem:s0+$0xD0] =	vst v0;
	v4 =	vld [tilespmem:s16+$0xFFFFFF90]  }
0x193: {  	[tilespmem:s20+$0x0] =	vst v3;
	v0 =	vld [tilespmem:s6+$0xE0]  }
0x194: {  	[tilespmem:s0+$0xFFFFFFD0] =	vst v1;
	v1 =	vld [tilespmem:s6+$0xFFFFFF50]  }
0x195: {  	[tilespmem:s20+$0xFFFFFF00] =	vst v5;
	v3 =	vld [tilespmem:s16+$0x10]  }
0x196: {  	v5 =	vld [tilespmem:s16+$0xFFFFFF10];
	[tilespmem:s20+$0x90] =	vst v2  }
0x197: {  	[tilespmem:s20+$0xFFFFFF90] =	vst v4;
	v2 =	vld [tilespmem:s16+$0xA0]  }
0x198: {  	[tilespmem:s0+$0xE0] =	vst v0;
	v4 =	vld [tilespmem:s16+$0xFFFFFFA0]  }
0x199: {  	[tilespmem:s0+$0xFFFFFF50] =	vst v1;
	v0 =	vld [tilespmem:s6+$0xF0]  }
0x19a: {  	v1 =	vld [tilespmem:s6+$0x50];
	[tilespmem:s20+$0x10] =	vst v3  }
0x19b: {  	[tilespmem:s20+$0xFFFFFF10] =	vst v5;
	v3 =	vld [tilespmem:s16+$0x20]  }
0x19c: {  	v5 =	vld [tilespmem:s16+$0xFFFFFF20];
	[tilespmem:s20+$0xA0] =	vst v2  }
0x19d: {  	[tilespmem:s20+$0xFFFFFFA0] =	vst v4;
	v2 =	vld [tilespmem:s16+$0xB0]  }
0x19e: {  	[tilespmem:s0+$0xF0] =	vst v0;
	v0 =	vld [tilespmem:s6+$0xFFFFFF60]  }
0x19f: {  	[tilespmem:s0+$0x50] =	vst v1;
	v4 =	vld [tilespmem:s16+$0xFFFFFFB0]  }
0x1a0: {  	v1 =	vld [tilespmem:s6+$0xFFFFFFE0];
	[tilespmem:s20+$0x20] =	vst v3  }
0x1a1: {  	[tilespmem:s20+$0xFFFFFF20] =	vst v5;
	v3 =	vld [tilespmem:s16+$0x30]  }
0x1a2: {  	v5 =	vld [tilespmem:s16+$0xFFFFFF30];
	[tilespmem:s20+$0xB0] =	vst v2  }
0x1a3: {  	[tilespmem:s0+$0xFFFFFF60] =	vst v0;
	v0 =	vld [tilespmem:s6+$0x60]  }
0x1a4: {  	[tilespmem:s20+$0xFFFFFFB0] =	vst v4;
	v4 =	vld [tilespmem:s16+$0xC0]  }
0x1a5: {  	[tilespmem:s0+$0xFFFFFFE0] =	vst v1;
	v1 =	vld [tilespmem:s6+$0xFFFFFF70]  }
0x1a6: {  	[tilespmem:s20+$0x30] =	vst v3;
	v6 =	vld [tilespmem:s16+$0xFFFFFFC0]  }
0x1a7: {  	[tilespmem:s20+$0xFFFFFF30] =	vst v5;
	v5 =	vld [tilespmem:s16+$0x40]  }
0x1a8: {  	v2 =	vld [tilespmem:s16+$0xFFFFFF40];
	[tilespmem:s0+$0x60] =	vst v0  }
0x1a9: {  	v0 =	vld [tilespmem:s6+$0xFFFFFFF0];
	[tilespmem:s20+$0xC0] =	vst v4  }
0x1aa: {  	[tilespmem:s0+$0xFFFFFF70] =	vst v1;
	v1 =	vld [tilespmem:s6+$0x70]  }
0x1ab: {  	[tilespmem:s20+$0xFFFFFFC0] =	vst v6;
	v4 =	vld [tilespmem:s16+$0xD0]  }
0x1ac: {  	s29 =	simm.s32 $0x4;
	[tilespmem:s20+$0x40] =	vst v5;
	s6 =	simm.s32 $0x1E00;
	v3 =	vld [tilespmem:s16+$0xFFFFFFD0]  }
.LBB2_9:
0x1ad: {  	v5 =	vld [tilespmem:s6+$0x80];
	s29 =	sadd.s32 $0x4, s29;
	[tilespmem:s20+$0xFFFFFF40] =	vst v2  }
0x1ae: {  	v2 =	vld [tilespmem:s6+$0xFFFFFF80];
	p0 =	slt.u32 s29, $0xC4;
	[tilespmem:s0+$0xFFFFFFF0] =	vst v0  }
0x1af: {  	v0 =	vld [tilespmem:s6+$0x0];
	[tilespmem:s0+$0x70] =	vst v1;
	s0 =	smov.u32 s20  }
0x1b0: {  	v1 =	vld [tilespmem:s6+$0xFFFFFF00];
	[tilespmem:s20+$0xD0] =	vst v4  }
0x1b1: {  	s20 =	sadd.s32 $0x200, s20;
	[tilespmem:s0+$0xFFFFFFD0] =	vst v3;
	v3 =	vld [tilespmem:s16+$0xE0]  }
0x1b2: {  	[tilespmem:s20+$0x80] =	vst v5;
	v4 =	vld [tilespmem:s16+$0xFFFFFF50]  }
0x1b3: {  	[tilespmem:s20+$0xFFFFFF80] =	vst v2;
	v2 =	vld [tilespmem:s6+$0x90]  }
0x1b4: {  	v5 =	vld [tilespmem:s6+$0xFFFFFF90];
	[tilespmem:s20+$0x0] =	vst v0  }
0x1b5: {  	[tilespmem:s20+$0xFFFFFF00] =	vst v1;
	v0 =	vld [tilespmem:s6+$0x10]  }
0x1b6: {  	v1 =	vld [tilespmem:s6+$0xFFFFFF10];
	[tilespmem:s0+$0xE0] =	vst v3  }
0x1b7: {  	[tilespmem:s0+$0xFFFFFF50] =	vst v4;
	v3 =	vld [tilespmem:s16+$0xF0]  }
0x1b8: {  	[tilespmem:s20+$0x90] =	vst v2;
	v2 =	vld [tilespmem:s16+$0x50]  }
0x1b9: {  	[tilespmem:s20+$0xFFFFFF90] =	vst v5;
	v4 =	vld [tilespmem:s6+$0xA0]  }
0x1ba: {  	v5 =	vld [tilespmem:s6+$0xFFFFFFA0];
	[tilespmem:s20+$0x10] =	vst v0  }
0x1bb: {  	[tilespmem:s20+$0xFFFFFF10] =	vst v1;
	v0 =	vld [tilespmem:s6+$0x20]  }
0x1bc: {  	v1 =	vld [tilespmem:s6+$0xFFFFFF20];
	[tilespmem:s0+$0xF0] =	vst v3  }
0x1bd: {  	v3 =	vld [tilespmem:s16+$0xFFFFFF60];
	[tilespmem:s0+$0x50] =	vst v2  }
0x1be: {  	[tilespmem:s20+$0xA0] =	vst v4;
	v2 =	vld [tilespmem:s16+$0xFFFFFFE0]  }
0x1bf: {  	[tilespmem:s20+$0xFFFFFFA0] =	vst v5;
	v4 =	vld [tilespmem:s6+$0xB0]  }
0x1c0: {  	v5 =	vld [tilespmem:s6+$0xFFFFFFB0];
	[tilespmem:s20+$0x20] =	vst v0  }
0x1c1: {  	[tilespmem:s20+$0xFFFFFF20] =	vst v1;
	v0 =	vld [tilespmem:s6+$0x30]  }
0x1c2: {  	v1 =	vld [tilespmem:s6+$0xFFFFFF30];
	[tilespmem:s0+$0xFFFFFF60] =	vst v3  }
0x1c3: {  	[tilespmem:s0+$0xFFFFFFE0] =	vst v2;
	v3 =	vld [tilespmem:s16+$0x60]  }
0x1c4: {  	[tilespmem:s20+$0xB0] =	vst v4;
	v4 =	vld [tilespmem:s16+$0xFFFFFF70]  }
0x1c5: {  	[tilespmem:s20+$0xFFFFFFB0] =	vst v5;
	v5 =	vld [tilespmem:s6+$0xC0]  }
0x1c6: {  	v6 =	vld [tilespmem:s6+$0xFFFFFFC0];
	[tilespmem:s20+$0x30] =	vst v0  }
0x1c7: {  	[tilespmem:s20+$0xFFFFFF30] =	vst v1;
	v7 =	vld [tilespmem:s6+$0x40]  }
.Ltmp3:
0x1c8: {  	v2 =	vld [tilespmem:s6+$0xFFFFFF40];
	[tilespmem:s0+$0x60] =	vst v3;
	(pc) =	sbr.rel @p0 .LBB2_9-.Ltmp3, $4  }
0x1c9: {  	[tilespmem:s0+$0xFFFFFF70] =	vst v4;
	v0 =	vld [tilespmem:s16+$0xFFFFFFF0]  }
0x1ca: {  	[tilespmem:s20+$0xC0] =	vst v5;
	v1 =	vld [tilespmem:s16+$0x70];
	s16 =	smov.u32 s6  }
0x1cb: {  	[tilespmem:s20+$0xFFFFFFC0] =	vst v6;
	v4 =	vld [tilespmem:s6+$0xD0]  }
0x1cc: {  	s6 =	sadd.s32 $0x200, s6;
	v3 =	vld [tilespmem:s16+$0xFFFFFFD0];
	[tilespmem:s20+$0x40] =	vst v7  }
0x1cd: {  	[tilespmem:s20+$0xFFFFFF40] =	vst v2;
	v5 =	vld [tilespmem:s16+$0x50]  }
0x1ce: {  	v2 =	vld [tilespmem:s16+$0xFFFFFF50];
	_ =	sdelay $0x1  }
0x1cf: {  	[tilespmem:s20+$0xD0] =	vst v4  }
0x1d0: {  	v4 =	vld [tilespmem:s16+$0xE0];
	[tilespmem:s20+$0xFFFFFFD0] =	vst v3  }
0x1d1: {  	[tilespmem:s20+$0x50] =	vst v5;
	v3 =	vld [tilespmem:s16+$0xFFFFFFE0]  }
0x1d2: {  	[tilespmem:s20+$0xFFFFFF50] =	vst v2;
	v5 =	vld [tilespmem:s16+$0x60]  }
0x1d3: {  	v2 =	vld [tilespmem:s16+$0xFFFFFF60]  }
0x1d4: {  	[tilespmem:s0+$0xFFFFFFF0] =	vst v0  }
0x1d5: {  	[tilespmem:s20+$0xE0] =	vst v4  }
0x1d6: {  	v4 =	vld [tilespmem:s16+$0xF0];
	[tilespmem:s20+$0xFFFFFFE0] =	vst v3  }
0x1d7: {  	[tilespmem:s20+$0x60] =	vst v5;
	v3 =	vld [tilespmem:s16+$0xFFFFFFF0]  }
0x1d8: {  	[tilespmem:s20+$0xFFFFFF60] =	vst v2;
	v0 =	vld [tilespmem:s16+$0x70]  }
0x1d9: {  	v2 =	vld [tilespmem:s16+$0xFFFFFF70]  }
0x1da: {  	[tilespmem:s0+$0x70] =	vst v1  }
0x1db: {  	[tilespmem:s20+$0xF0] =	vst v4  }
0x1dc: {  	s0 =	smul.u32 $0x258, s2;
	[tilespmem:s20+$0xFFFFFFF0] =	vst v3  }
0x1dd: {  	[tilespmem:s20+$0x70] =	vst v0  }
0x1de: {  	s16 =	sadd.s32 $0x258, s0;
	[tilespmem:s20+$0xFFFFFF70] =	vst v2  }
0x1df: {  	[tilespmem:s18], [sflag:$0x1] =	stream.indirect.gather.add.f32 [hbm:s1], $0x80, s16, s17, $0xb8;
	[tilespmem:$0x1A900] =	vst v63  }
0x1e0: {  	s6 =	sadd.s32 s0, s10;
	_ =	swait.ge [sflag:s25], $0x6400  }
0x1e1: {  	s6 =	sshll.u32 s6, $0x4;
	[sflag:s25] =	ssyncset.done $0x0  }
0x1e2: {  	s6 =	sadd.s32 s3, s6;
	[sflag:s25] =	ssyncadd.s32 $0xFFFF9C00  }
0x1e3: {  	[hbm4b:s6+s4] =	stream.linear.scatter [tilespmem:s21], [sflag:$0x6], $0x6400, $0x38;
	[tilespmem:$0x1A900] =	vst v63  }
0x1e4: {  	_ =	swait.ge [sflag:s26], $0x6400  }
0x1e5: {  	[sflag:s26] =	ssyncset.done $0x0  }
0x1e6: {  	s8 =	simm.s32 $0x1A00;
	[sflag:s26] =	ssyncadd.s32 $0xFFFF9C00  }
0x1e7: {  	v0 =	vld [tilespmem:s8+$0x80]  }
0x1e8: {  	v2 =	vld [tilespmem:s8+$0x0]  }
0x1e9: {  	v1 =	vld [tilespmem:s8+$0xFFFFFF80]  }
0x1ea: {  	v3 =	vld [tilespmem:s8+$0xFFFFFF00]  }
0x1eb: {  	s20 =	simm.s32 $0xE200  }
0x1ec: {  	[tilespmem:s20+$0x80] =	vst v0  }
0x1ed: {  	[tilespmem:s20+$0x0] =	vst v2;
	v0 =	vld [tilespmem:s8+$0x90]  }
0x1ee: {  	[tilespmem:s20+$0xFFFFFF80] =	vst v1;
	v2 =	vld [tilespmem:s8+$0x10]  }
0x1ef: {  	[tilespmem:s20+$0xFFFFFF00] =	vst v3;
	v1 =	vld [tilespmem:s8+$0xFFFFFF90]  }
0x1f0: {  	v3 =	vld [tilespmem:s8+$0xFFFFFF10];
	_ =	sdelay $0x1  }
0x1f1: {  	[tilespmem:s20+$0x90] =	vst v0  }
0x1f2: {  	[tilespmem:s20+$0x10] =	vst v2;
	v0 =	vld [tilespmem:s8+$0xA0]  }
0x1f3: {  	[tilespmem:s20+$0xFFFFFF90] =	vst v1;
	v2 =	vld [tilespmem:s8+$0x20]  }
0x1f4: {  	[tilespmem:s20+$0xFFFFFF10] =	vst v3;
	v1 =	vld [tilespmem:s8+$0xFFFFFFA0]  }
0x1f5: {  	v3 =	vld [tilespmem:s8+$0xFFFFFF20];
	_ =	sdelay $0x1  }
0x1f6: {  	[tilespmem:s20+$0xA0] =	vst v0  }
0x1f7: {  	[tilespmem:s20+$0x20] =	vst v2;
	v0 =	vld [tilespmem:s8+$0xB0]  }
0x1f8: {  	[tilespmem:s20+$0xFFFFFFA0] =	vst v1;
	v2 =	vld [tilespmem:s8+$0x30]  }
0x1f9: {  	[tilespmem:s20+$0xFFFFFF20] =	vst v3;
	v1 =	vld [tilespmem:s8+$0xFFFFFFB0]  }
0x1fa: {  	v3 =	vld [tilespmem:s8+$0xFFFFFF30];
	_ =	sdelay $0x1  }
0x1fb: {  	[tilespmem:s20+$0xB0] =	vst v0  }
0x1fc: {  	[tilespmem:s20+$0x30] =	vst v2;
	v0 =	vld [tilespmem:s8+$0xC0]  }
0x1fd: {  	[tilespmem:s20+$0xFFFFFFB0] =	vst v1;
	v2 =	vld [tilespmem:s8+$0x40]  }
0x1fe: {  	[tilespmem:s20+$0xFFFFFF30] =	vst v3;
	v1 =	vld [tilespmem:s8+$0xFFFFFFC0]  }
0x1ff: {  	v3 =	vld [tilespmem:s8+$0xFFFFFF40]  }
0x200: {  	s29 =	simm.s32 $0x1C00  }
0x201: {  	v4 =	vld [tilespmem:s29+$0x80];
	[tilespmem:s20+$0xC0] =	vst v0  }
0x202: {  	[tilespmem:s20+$0x40] =	vst v2;
	v2 =	vld [tilespmem:s29+$0xFFFFFF80]  }
0x203: {  	[tilespmem:s20+$0xFFFFFFC0] =	vst v1;
	v0 =	vld [tilespmem:s8+$0xD0]  }
0x204: {  	[tilespmem:s20+$0xFFFFFF40] =	vst v3;
	v3 =	vld [tilespmem:s29+$0x0]  }
0x205: {  	s30 =	simm.s32 $0xE400;
	v1 =	vld [tilespmem:s8+$0xFFFFFFD0]  }
0x206: {  	v5 =	vld [tilespmem:s29+$0xFFFFFF00];
	[tilespmem:s30+$0x80] =	vst v4  }
0x207: {  	[tilespmem:s30+$0xFFFFFF80] =	vst v2;
	v2 =	vld [tilespmem:s29+$0x90]  }
0x208: {  	[tilespmem:s20+$0xD0] =	vst v0;
	v4 =	vld [tilespmem:s29+$0xFFFFFF90]  }
0x209: {  	[tilespmem:s30+$0x0] =	vst v3;
	v0 =	vld [tilespmem:s8+$0xE0]  }
0x20a: {  	[tilespmem:s20+$0xFFFFFFD0] =	vst v1;
	v1 =	vld [tilespmem:s8+$0xFFFFFF50]  }
0x20b: {  	[tilespmem:s30+$0xFFFFFF00] =	vst v5;
	v3 =	vld [tilespmem:s29+$0x10]  }
0x20c: {  	v5 =	vld [tilespmem:s29+$0xFFFFFF10];
	[tilespmem:s30+$0x90] =	vst v2  }
0x20d: {  	[tilespmem:s30+$0xFFFFFF90] =	vst v4;
	v2 =	vld [tilespmem:s29+$0xA0]  }
0x20e: {  	[tilespmem:s20+$0xE0] =	vst v0;
	v4 =	vld [tilespmem:s29+$0xFFFFFFA0]  }
0x20f: {  	[tilespmem:s20+$0xFFFFFF50] =	vst v1;
	v0 =	vld [tilespmem:s8+$0xF0]  }
0x210: {  	v1 =	vld [tilespmem:s8+$0x50];
	[tilespmem:s30+$0x10] =	vst v3  }
0x211: {  	[tilespmem:s30+$0xFFFFFF10] =	vst v5;
	v3 =	vld [tilespmem:s29+$0x20]  }
0x212: {  	v5 =	vld [tilespmem:s29+$0xFFFFFF20];
	[tilespmem:s30+$0xA0] =	vst v2  }
0x213: {  	[tilespmem:s30+$0xFFFFFFA0] =	vst v4;
	v2 =	vld [tilespmem:s29+$0xB0]  }
0x214: {  	[tilespmem:s20+$0xF0] =	vst v0;
	v0 =	vld [tilespmem:s8+$0xFFFFFF60]  }
0x215: {  	[tilespmem:s20+$0x50] =	vst v1;
	v4 =	vld [tilespmem:s29+$0xFFFFFFB0]  }
0x216: {  	v1 =	vld [tilespmem:s8+$0xFFFFFFE0];
	[tilespmem:s30+$0x20] =	vst v3  }
0x217: {  	[tilespmem:s30+$0xFFFFFF20] =	vst v5;
	v3 =	vld [tilespmem:s29+$0x30]  }
0x218: {  	v5 =	vld [tilespmem:s29+$0xFFFFFF30];
	[tilespmem:s30+$0xB0] =	vst v2  }
0x219: {  	[tilespmem:s20+$0xFFFFFF60] =	vst v0;
	v0 =	vld [tilespmem:s8+$0x60]  }
0x21a: {  	[tilespmem:s30+$0xFFFFFFB0] =	vst v4;
	v4 =	vld [tilespmem:s29+$0xC0]  }
0x21b: {  	[tilespmem:s20+$0xFFFFFFE0] =	vst v1;
	v1 =	vld [tilespmem:s8+$0xFFFFFF70]  }
0x21c: {  	[tilespmem:s30+$0x30] =	vst v3;
	v6 =	vld [tilespmem:s29+$0xFFFFFFC0]  }
0x21d: {  	[tilespmem:s30+$0xFFFFFF30] =	vst v5;
	v5 =	vld [tilespmem:s29+$0x40]  }
0x21e: {  	v2 =	vld [tilespmem:s29+$0xFFFFFF40];
	[tilespmem:s20+$0x60] =	vst v0  }
0x21f: {  	v0 =	vld [tilespmem:s8+$0xFFFFFFF0];
	[tilespmem:s30+$0xC0] =	vst v4  }
0x220: {  	[tilespmem:s20+$0xFFFFFF70] =	vst v1;
	v1 =	vld [tilespmem:s8+$0x70]  }
0x221: {  	[tilespmem:s30+$0xFFFFFFC0] =	vst v6;
	v4 =	vld [tilespmem:s29+$0xD0]  }
0x222: {  	s6 =	simm.s32 $0x4;
	[tilespmem:s30+$0x40] =	vst v5;
	s8 =	simm.s32 $0x1E00;
	v3 =	vld [tilespmem:s29+$0xFFFFFFD0]  }
.LBB2_11:
0x223: {  	v5 =	vld [tilespmem:s8+$0x80];
	s6 =	sadd.s32 $0x4, s6;
	[tilespmem:s30+$0xFFFFFF40] =	vst v2  }
0x224: {  	v2 =	vld [tilespmem:s8+$0xFFFFFF80];
	p0 =	slt.u32 s6, $0xC4;
	[tilespmem:s20+$0xFFFFFFF0] =	vst v0  }
0x225: {  	v0 =	vld [tilespmem:s8+$0x0];
	[tilespmem:s20+$0x70] =	vst v1;
	s20 =	smov.u32 s30  }
0x226: {  	v1 =	vld [tilespmem:s8+$0xFFFFFF00];
	[tilespmem:s30+$0xD0] =	vst v4  }
0x227: {  	s30 =	sadd.s32 $0x200, s30;
	[tilespmem:s20+$0xFFFFFFD0] =	vst v3;
	v3 =	vld [tilespmem:s29+$0xE0]  }
0x228: {  	[tilespmem:s30+$0x80] =	vst v5;
	v4 =	vld [tilespmem:s29+$0xFFFFFF50]  }
0x229: {  	[tilespmem:s30+$0xFFFFFF80] =	vst v2;
	v2 =	vld [tilespmem:s8+$0x90]  }
0x22a: {  	v5 =	vld [tilespmem:s8+$0xFFFFFF90];
	[tilespmem:s30+$0x0] =	vst v0  }
0x22b: {  	[tilespmem:s30+$0xFFFFFF00] =	vst v1;
	v0 =	vld [tilespmem:s8+$0x10]  }
0x22c: {  	v1 =	vld [tilespmem:s8+$0xFFFFFF10];
	[tilespmem:s20+$0xE0] =	vst v3  }
0x22d: {  	[tilespmem:s20+$0xFFFFFF50] =	vst v4;
	v3 =	vld [tilespmem:s29+$0xF0]  }
0x22e: {  	[tilespmem:s30+$0x90] =	vst v2;
	v2 =	vld [tilespmem:s29+$0x50]  }
0x22f: {  	[tilespmem:s30+$0xFFFFFF90] =	vst v5;
	v4 =	vld [tilespmem:s8+$0xA0]  }
0x230: {  	v5 =	vld [tilespmem:s8+$0xFFFFFFA0];
	[tilespmem:s30+$0x10] =	vst v0  }
0x231: {  	[tilespmem:s30+$0xFFFFFF10] =	vst v1;
	v0 =	vld [tilespmem:s8+$0x20]  }
0x232: {  	v1 =	vld [tilespmem:s8+$0xFFFFFF20];
	[tilespmem:s20+$0xF0] =	vst v3  }
0x233: {  	v3 =	vld [tilespmem:s29+$0xFFFFFF60];
	[tilespmem:s20+$0x50] =	vst v2  }
0x234: {  	[tilespmem:s30+$0xA0] =	vst v4;
	v2 =	vld [tilespmem:s29+$0xFFFFFFE0]  }
0x235: {  	[tilespmem:s30+$0xFFFFFFA0] =	vst v5;
	v4 =	vld [tilespmem:s8+$0xB0]  }
0x236: {  	v5 =	vld [tilespmem:s8+$0xFFFFFFB0];
	[tilespmem:s30+$0x20] =	vst v0  }
0x237: {  	[tilespmem:s30+$0xFFFFFF20] =	vst v1;
	v0 =	vld [tilespmem:s8+$0x30]  }
0x238: {  	v1 =	vld [tilespmem:s8+$0xFFFFFF30];
	[tilespmem:s20+$0xFFFFFF60] =	vst v3  }
0x239: {  	[tilespmem:s20+$0xFFFFFFE0] =	vst v2;
	v3 =	vld [tilespmem:s29+$0x60]  }
0x23a: {  	[tilespmem:s30+$0xB0] =	vst v4;
	v4 =	vld [tilespmem:s29+$0xFFFFFF70]  }
0x23b: {  	[tilespmem:s30+$0xFFFFFFB0] =	vst v5;
	v5 =	vld [tilespmem:s8+$0xC0]  }
0x23c: {  	v6 =	vld [tilespmem:s8+$0xFFFFFFC0];
	[tilespmem:s30+$0x30] =	vst v0  }
0x23d: {  	[tilespmem:s30+$0xFFFFFF30] =	vst v1;
	v7 =	vld [tilespmem:s8+$0x40]  }
.Ltmp4:
0x23e: {  	v2 =	vld [tilespmem:s8+$0xFFFFFF40];
	[tilespmem:s20+$0x60] =	vst v3;
	(pc) =	sbr.rel @p0 .LBB2_11-.Ltmp4, $4  }
0x23f: {  	[tilespmem:s20+$0xFFFFFF70] =	vst v4;
	v0 =	vld [tilespmem:s29+$0xFFFFFFF0]  }
0x240: {  	[tilespmem:s30+$0xC0] =	vst v5;
	v1 =	vld [tilespmem:s29+$0x70];
	s29 =	smov.u32 s8  }
0x241: {  	[tilespmem:s30+$0xFFFFFFC0] =	vst v6;
	v4 =	vld [tilespmem:s8+$0xD0]  }
0x242: {  	s8 =	sadd.s32 $0x200, s8;
	v3 =	vld [tilespmem:s29+$0xFFFFFFD0];
	[tilespmem:s30+$0x40] =	vst v7  }
0x243: {  	[tilespmem:s30+$0xFFFFFF40] =	vst v2;
	v5 =	vld [tilespmem:s29+$0x50]  }
0x244: {  	v2 =	vld [tilespmem:s29+$0xFFFFFF50];
	_ =	sdelay $0x1  }
0x245: {  	[tilespmem:s30+$0xD0] =	vst v4  }
0x246: {  	v4 =	vld [tilespmem:s29+$0xE0];
	[tilespmem:s30+$0xFFFFFFD0] =	vst v3  }
0x247: {  	[tilespmem:s30+$0x50] =	vst v5;
	v3 =	vld [tilespmem:s29+$0xFFFFFFE0]  }
0x248: {  	[tilespmem:s30+$0xFFFFFF50] =	vst v2;
	v5 =	vld [tilespmem:s29+$0x60]  }
0x249: {  	v2 =	vld [tilespmem:s29+$0xFFFFFF60]  }
0x24a: {  	[tilespmem:s20+$0xFFFFFFF0] =	vst v0  }
0x24b: {  	[tilespmem:s30+$0xE0] =	vst v4  }
0x24c: {  	v4 =	vld [tilespmem:s29+$0xF0];
	[tilespmem:s30+$0xFFFFFFE0] =	vst v3  }
0x24d: {  	[tilespmem:s30+$0x60] =	vst v5;
	v3 =	vld [tilespmem:s29+$0xFFFFFFF0]  }
0x24e: {  	[tilespmem:s30+$0xFFFFFF60] =	vst v2;
	v0 =	vld [tilespmem:s29+$0x70]  }
0x24f: {  	v2 =	vld [tilespmem:s29+$0xFFFFFF70]  }
0x250: {  	[tilespmem:s20+$0x70] =	vst v1  }
0x251: {  	[tilespmem:s30+$0xF0] =	vst v4  }
0x252: {  	[tilespmem:s30+$0xFFFFFFF0] =	vst v3  }
0x253: {  	[tilespmem:s30+$0x70] =	vst v0  }
0x254: {  	s0 =	sadd.s32 $0x320, s0;
	[tilespmem:s30+$0xFFFFFF70] =	vst v2  }
0x255: {  	[tilespmem:s19], [sflag:$0x2] =	stream.indirect.gather.add.f32 [hbm:s1], $0x80, s0, s17, $0xb8;
	[tilespmem:$0x1A900] =	vst v63  }
0x256: {  	s6 =	sadd.s32 s5, s16;
	_ =	swait.ge [sflag:s22], $0x6400  }
0x257: {  	s6 =	sshll.u32 s6, $0x4;
	[sflag:s22] =	ssyncset.done $0x0  }
0x258: {  	s6 =	sadd.s32 s3, s6;
	[sflag:s22] =	ssyncadd.s32 $0xFFFF9C00  }
0x259: {  	[hbm4b:s6+s4] =	stream.linear.scatter [tilespmem:s18], [sflag:$0x4], $0x6400, $0x38;
	[tilespmem:$0x1A900] =	vst v63  }
0x25a: {  	_ =	swait.ge [sflag:s28], $0x6400  }
0x25b: {  	[sflag:s28] =	ssyncset.done $0x0  }
0x25c: {  	s30 =	simm.s32 $0x1A00;
	[sflag:s28] =	ssyncadd.s32 $0xFFFF9C00  }
0x25d: {  	v0 =	vld [tilespmem:s30+$0x80]  }
0x25e: {  	v2 =	vld [tilespmem:s30+$0x0]  }
0x25f: {  	v1 =	vld [tilespmem:s30+$0xFFFFFF80]  }
0x260: {  	v3 =	vld [tilespmem:s30+$0xFFFFFF00]  }
0x261: {  	s16 =	simm.s32 $0x14600  }
0x262: {  	[tilespmem:s16+$0x80] =	vst v0  }
0x263: {  	[tilespmem:s16+$0x0] =	vst v2;
	v0 =	vld [tilespmem:s30+$0x90]  }
0x264: {  	[tilespmem:s16+$0xFFFFFF80] =	vst v1;
	v2 =	vld [tilespmem:s30+$0x10]  }
0x265: {  	[tilespmem:s16+$0xFFFFFF00] =	vst v3;
	v1 =	vld [tilespmem:s30+$0xFFFFFF90]  }
0x266: {  	v3 =	vld [tilespmem:s30+$0xFFFFFF10];
	_ =	sdelay $0x1  }
0x267: {  	[tilespmem:s16+$0x90] =	vst v0  }
0x268: {  	[tilespmem:s16+$0x10] =	vst v2;
	v0 =	vld [tilespmem:s30+$0xA0]  }
0x269: {  	[tilespmem:s16+$0xFFFFFF90] =	vst v1;
	v2 =	vld [tilespmem:s30+$0x20]  }
0x26a: {  	[tilespmem:s16+$0xFFFFFF10] =	vst v3;
	v1 =	vld [tilespmem:s30+$0xFFFFFFA0]  }
0x26b: {  	v3 =	vld [tilespmem:s30+$0xFFFFFF20];
	_ =	sdelay $0x1  }
0x26c: {  	[tilespmem:s16+$0xA0] =	vst v0  }
0x26d: {  	[tilespmem:s16+$0x20] =	vst v2;
	v0 =	vld [tilespmem:s30+$0xB0]  }
0x26e: {  	[tilespmem:s16+$0xFFFFFFA0] =	vst v1;
	v2 =	vld [tilespmem:s30+$0x30]  }
0x26f: {  	[tilespmem:s16+$0xFFFFFF20] =	vst v3;
	v1 =	vld [tilespmem:s30+$0xFFFFFFB0]  }
0x270: {  	v3 =	vld [tilespmem:s30+$0xFFFFFF30];
	_ =	sdelay $0x1  }
0x271: {  	[tilespmem:s16+$0xB0] =	vst v0  }
0x272: {  	[tilespmem:s16+$0x30] =	vst v2;
	v0 =	vld [tilespmem:s30+$0xC0]  }
0x273: {  	[tilespmem:s16+$0xFFFFFFB0] =	vst v1;
	v2 =	vld [tilespmem:s30+$0x40]  }
0x274: {  	[tilespmem:s16+$0xFFFFFF30] =	vst v3;
	v1 =	vld [tilespmem:s30+$0xFFFFFFC0]  }
0x275: {  	v3 =	vld [tilespmem:s30+$0xFFFFFF40]  }
0x276: {  	s20 =	simm.s32 $0x1C00  }
0x277: {  	v4 =	vld [tilespmem:s20+$0x80];
	[tilespmem:s16+$0xC0] =	vst v0  }
0x278: {  	[tilespmem:s16+$0x40] =	vst v2;
	v2 =	vld [tilespmem:s20+$0xFFFFFF80]  }
0x279: {  	[tilespmem:s16+$0xFFFFFFC0] =	vst v1;
	v0 =	vld [tilespmem:s30+$0xD0]  }
0x27a: {  	[tilespmem:s16+$0xFFFFFF40] =	vst v3;
	v3 =	vld [tilespmem:s20+$0x0]  }
0x27b: {  	s29 =	simm.s32 $0x14800;
	v1 =	vld [tilespmem:s30+$0xFFFFFFD0]  }
0x27c: {  	v5 =	vld [tilespmem:s20+$0xFFFFFF00];
	[tilespmem:s29+$0x80] =	vst v4  }
0x27d: {  	[tilespmem:s29+$0xFFFFFF80] =	vst v2;
	v2 =	vld [tilespmem:s20+$0x90]  }
0x27e: {  	[tilespmem:s16+$0xD0] =	vst v0;
	v4 =	vld [tilespmem:s20+$0xFFFFFF90]  }
0x27f: {  	[tilespmem:s29+$0x0] =	vst v3;
	v0 =	vld [tilespmem:s30+$0xE0]  }
0x280: {  	[tilespmem:s16+$0xFFFFFFD0] =	vst v1;
	v1 =	vld [tilespmem:s30+$0xFFFFFF50]  }
0x281: {  	[tilespmem:s29+$0xFFFFFF00] =	vst v5;
	v3 =	vld [tilespmem:s20+$0x10]  }
0x282: {  	v5 =	vld [tilespmem:s20+$0xFFFFFF10];
	[tilespmem:s29+$0x90] =	vst v2  }
0x283: {  	[tilespmem:s29+$0xFFFFFF90] =	vst v4;
	v2 =	vld [tilespmem:s20+$0xA0]  }
0x284: {  	[tilespmem:s16+$0xE0] =	vst v0;
	v4 =	vld [tilespmem:s20+$0xFFFFFFA0]  }
0x285: {  	[tilespmem:s16+$0xFFFFFF50] =	vst v1;
	v0 =	vld [tilespmem:s30+$0xF0]  }
0x286: {  	v1 =	vld [tilespmem:s30+$0x50];
	[tilespmem:s29+$0x10] =	vst v3  }
0x287: {  	[tilespmem:s29+$0xFFFFFF10] =	vst v5;
	v3 =	vld [tilespmem:s20+$0x20]  }
0x288: {  	v5 =	vld [tilespmem:s20+$0xFFFFFF20];
	[tilespmem:s29+$0xA0] =	vst v2  }
0x289: {  	[tilespmem:s29+$0xFFFFFFA0] =	vst v4;
	v2 =	vld [tilespmem:s20+$0xB0]  }
0x28a: {  	[tilespmem:s16+$0xF0] =	vst v0;
	v0 =	vld [tilespmem:s30+$0xFFFFFF60]  }
0x28b: {  	[tilespmem:s16+$0x50] =	vst v1;
	v4 =	vld [tilespmem:s20+$0xFFFFFFB0]  }
0x28c: {  	v1 =	vld [tilespmem:s30+$0xFFFFFFE0];
	[tilespmem:s29+$0x20] =	vst v3  }
0x28d: {  	[tilespmem:s29+$0xFFFFFF20] =	vst v5;
	v3 =	vld [tilespmem:s20+$0x30]  }
0x28e: {  	v5 =	vld [tilespmem:s20+$0xFFFFFF30];
	[tilespmem:s29+$0xB0] =	vst v2  }
0x28f: {  	[tilespmem:s16+$0xFFFFFF60] =	vst v0;
	v0 =	vld [tilespmem:s30+$0x60]  }
0x290: {  	[tilespmem:s29+$0xFFFFFFB0] =	vst v4;
	v4 =	vld [tilespmem:s20+$0xC0]  }
0x291: {  	[tilespmem:s16+$0xFFFFFFE0] =	vst v1;
	v1 =	vld [tilespmem:s30+$0xFFFFFF70]  }
0x292: {  	[tilespmem:s29+$0x30] =	vst v3;
	v6 =	vld [tilespmem:s20+$0xFFFFFFC0]  }
0x293: {  	[tilespmem:s29+$0xFFFFFF30] =	vst v5;
	v5 =	vld [tilespmem:s20+$0x40]  }
0x294: {  	v2 =	vld [tilespmem:s20+$0xFFFFFF40];
	[tilespmem:s16+$0x60] =	vst v0  }
0x295: {  	v0 =	vld [tilespmem:s30+$0xFFFFFFF0];
	[tilespmem:s29+$0xC0] =	vst v4  }
0x296: {  	[tilespmem:s16+$0xFFFFFF70] =	vst v1;
	v1 =	vld [tilespmem:s30+$0x70]  }
0x297: {  	[tilespmem:s29+$0xFFFFFFC0] =	vst v6;
	v4 =	vld [tilespmem:s20+$0xD0]  }
0x298: {  	s8 =	simm.s32 $0x1E00;
	s6 =	simm.s32 $0x4;
	[tilespmem:s29+$0x40] =	vst v5;
	v3 =	vld [tilespmem:s20+$0xFFFFFFD0]  }
.LBB2_13:
0x299: {  	v5 =	vld [tilespmem:s8+$0x80];
	s6 =	sadd.s32 $0x4, s6;
	[tilespmem:s29+$0xFFFFFF40] =	vst v2  }
0x29a: {  	v2 =	vld [tilespmem:s8+$0xFFFFFF80];
	p0 =	slt.u32 s6, $0xC4;
	[tilespmem:s16+$0xFFFFFFF0] =	vst v0  }
0x29b: {  	v0 =	vld [tilespmem:s8+$0x0];
	[tilespmem:s16+$0x70] =	vst v1;
	s16 =	smov.u32 s29  }
0x29c: {  	v1 =	vld [tilespmem:s8+$0xFFFFFF00];
	[tilespmem:s29+$0xD0] =	vst v4  }
0x29d: {  	s29 =	sadd.s32 $0x200, s29;
	[tilespmem:s16+$0xFFFFFFD0] =	vst v3;
	v3 =	vld [tilespmem:s20+$0xE0]  }
0x29e: {  	[tilespmem:s29+$0x80] =	vst v5;
	v4 =	vld [tilespmem:s20+$0xFFFFFF50]  }
0x29f: {  	[tilespmem:s29+$0xFFFFFF80] =	vst v2;
	v2 =	vld [tilespmem:s8+$0x90]  }
0x2a0: {  	v5 =	vld [tilespmem:s8+$0xFFFFFF90];
	[tilespmem:s29+$0x0] =	vst v0  }
0x2a1: {  	[tilespmem:s29+$0xFFFFFF00] =	vst v1;
	v0 =	vld [tilespmem:s8+$0x10]  }
0x2a2: {  	v1 =	vld [tilespmem:s8+$0xFFFFFF10];
	[tilespmem:s16+$0xE0] =	vst v3  }
0x2a3: {  	[tilespmem:s16+$0xFFFFFF50] =	vst v4;
	v3 =	vld [tilespmem:s20+$0xF0]  }
0x2a4: {  	[tilespmem:s29+$0x90] =	vst v2;
	v2 =	vld [tilespmem:s20+$0x50]  }
0x2a5: {  	[tilespmem:s29+$0xFFFFFF90] =	vst v5;
	v4 =	vld [tilespmem:s8+$0xA0]  }
0x2a6: {  	v5 =	vld [tilespmem:s8+$0xFFFFFFA0];
	[tilespmem:s29+$0x10] =	vst v0  }
0x2a7: {  	[tilespmem:s29+$0xFFFFFF10] =	vst v1;
	v0 =	vld [tilespmem:s8+$0x20]  }
0x2a8: {  	v1 =	vld [tilespmem:s8+$0xFFFFFF20];
	[tilespmem:s16+$0xF0] =	vst v3  }
0x2a9: {  	v3 =	vld [tilespmem:s20+$0xFFFFFF60];
	[tilespmem:s16+$0x50] =	vst v2  }
0x2aa: {  	[tilespmem:s29+$0xA0] =	vst v4;
	v2 =	vld [tilespmem:s20+$0xFFFFFFE0]  }
0x2ab: {  	[tilespmem:s29+$0xFFFFFFA0] =	vst v5;
	v4 =	vld [tilespmem:s8+$0xB0]  }
0x2ac: {  	v5 =	vld [tilespmem:s8+$0xFFFFFFB0];
	[tilespmem:s29+$0x20] =	vst v0  }
0x2ad: {  	[tilespmem:s29+$0xFFFFFF20] =	vst v1;
	v0 =	vld [tilespmem:s8+$0x30]  }
0x2ae: {  	v1 =	vld [tilespmem:s8+$0xFFFFFF30];
	[tilespmem:s16+$0xFFFFFF60] =	vst v3  }
0x2af: {  	[tilespmem:s16+$0xFFFFFFE0] =	vst v2;
	v3 =	vld [tilespmem:s20+$0x60]  }
0x2b0: {  	[tilespmem:s29+$0xB0] =	vst v4;
	v4 =	vld [tilespmem:s20+$0xFFFFFF70]  }
0x2b1: {  	[tilespmem:s29+$0xFFFFFFB0] =	vst v5;
	v5 =	vld [tilespmem:s8+$0xC0]  }
0x2b2: {  	v6 =	vld [tilespmem:s8+$0xFFFFFFC0];
	[tilespmem:s29+$0x30] =	vst v0  }
0x2b3: {  	[tilespmem:s29+$0xFFFFFF30] =	vst v1;
	v7 =	vld [tilespmem:s8+$0x40]  }
.Ltmp5:
0x2b4: {  	v2 =	vld [tilespmem:s8+$0xFFFFFF40];
	[tilespmem:s16+$0x60] =	vst v3;
	(pc) =	sbr.rel @p0 .LBB2_13-.Ltmp5, $4  }
0x2b5: {  	[tilespmem:s16+$0xFFFFFF70] =	vst v4;
	v0 =	vld [tilespmem:s20+$0xFFFFFFF0]  }
0x2b6: {  	[tilespmem:s29+$0xC0] =	vst v5;
	v1 =	vld [tilespmem:s20+$0x70];
	s20 =	smov.u32 s8  }
0x2b7: {  	[tilespmem:s29+$0xFFFFFFC0] =	vst v6;
	v4 =	vld [tilespmem:s8+$0xD0]  }
0x2b8: {  	s8 =	sadd.s32 $0x200, s8;
	v3 =	vld [tilespmem:s20+$0xFFFFFFD0];
	[tilespmem:s29+$0x40] =	vst v7  }
0x2b9: {  	[tilespmem:s29+$0xFFFFFF40] =	vst v2;
	v5 =	vld [tilespmem:s20+$0x50]  }
0x2ba: {  	v2 =	vld [tilespmem:s20+$0xFFFFFF50];
	_ =	sdelay $0x1  }
0x2bb: {  	[tilespmem:s29+$0xD0] =	vst v4  }
0x2bc: {  	v4 =	vld [tilespmem:s20+$0xE0];
	[tilespmem:s29+$0xFFFFFFD0] =	vst v3  }
0x2bd: {  	[tilespmem:s29+$0x50] =	vst v5;
	v3 =	vld [tilespmem:s20+$0xFFFFFFE0]  }
0x2be: {  	[tilespmem:s29+$0xFFFFFF50] =	vst v2;
	v5 =	vld [tilespmem:s20+$0x60]  }
0x2bf: {  	v2 =	vld [tilespmem:s20+$0xFFFFFF60];
	_ =	sdelay $0x1  }
0x2c0: {  	[tilespmem:s29+$0xE0] =	vst v4  }
0x2c1: {  	v60 =	vld [tilespmem:s20+$0xF0];
	[tilespmem:s29+$0xFFFFFFE0] =	vst v3  }
0x2c2: {  	[tilespmem:s29+$0x60] =	vst v5;
	v62 =	vld [tilespmem:s20+$0xFFFFFFF0]  }
0x2c3: {  	[tilespmem:s29+$0xFFFFFF60] =	vst v2;
	v63 =	vld [tilespmem:s20+$0x70]  }
0x2c4: {  	[tilespmem:s16+$0xFFFFFFF0] =	vst v0;
	v61 =	vld [tilespmem:s20+$0xFFFFFF70]  }
0x2c5: {  	[tilespmem:s16+$0x70] =	vst v1  }
0x2c6: {  	s6 =	smul.u32 $0x960, s2;
	[tilespmem:s29+$0xF0] =	vst v60  }
0x2c7: {  	[tilespmem:s29+$0xFFFFFFF0] =	vst v62  }
0x2c8: {  	s2 =	sadd.s32 $0x1, s2;
	s6 =	sshra.s32 s6, $0x2;
	[tilespmem:s29+$0x70] =	vst v63  }
0x2c9: {  	p0 =	sne.s32 s2, $0x9;
	s6 =	sadd.s32 $0x3E8, s6;
	[tilespmem:s29+$0xFFFFFF70] =	vst v61  }
0x2ca: {  	[tilespmem:s21], [sflag:$0x3] =	stream.indirect.gather.add.f32 [hbm:s1], $0x80, s6, s17, $0xb8;
	[tilespmem:$0x1A900] =	vst v63  }
.Ltmp6:
0x2cb: {  	_ = 	snop;
	(pc) =	sbr.rel @p0 .LBB2_8-.Ltmp6, $4  }
0x2cc: {  	s0 =	sadd.s32 s5, s0;
	_ =	swait.ge [sflag:s23], $0x6400  }
0x2cd: {  	s0 =	sshll.u32 s0, $0x4;
	[sflag:s23] =	ssyncset.done $0x0  }
0x2ce: {  	s0 =	sadd.s32 s3, s0;
	[sflag:s23] =	ssyncadd.s32 $0xFFFF9C00  }
0x2cf: {  	[hbm4b:s0+s4] =	stream.linear.scatter [tilespmem:s19], [sflag:$0x5], $0x6400, $0x38;
	[tilespmem:$0x1A900] =	vst v63  }
0x2d0: {  	_ =	swait.ge [sflag:s24], $0x6400  }
0x2d1: {  	[sflag:s24] =	ssyncset.done $0x0  }
0x2d2: {  	s6 =	simm.s32 $0x1A00;
	[sflag:s24] =	ssyncadd.s32 $0xFFFF9C00  }
0x2d3: {  	v0 =	vld [tilespmem:s6+$0x80]  }
0x2d4: {  	v2 =	vld [tilespmem:s6+$0x0]  }
0x2d5: {  	v1 =	vld [tilespmem:s6+$0xFFFFFF80]  }
0x2d6: {  	v3 =	vld [tilespmem:s6+$0xFFFFFF00]  }
0x2d7: {  	s0 =	simm.s32 $0x7E00  }
0x2d8: {  	[tilespmem:s0+$0x80] =	vst v0  }
0x2d9: {  	[tilespmem:s0+$0x0] =	vst v2;
	v0 =	vld [tilespmem:s6+$0x90]  }
0x2da: {  	[tilespmem:s0+$0xFFFFFF80] =	vst v1;
	v2 =	vld [tilespmem:s6+$0x10]  }
0x2db: {  	[tilespmem:s0+$0xFFFFFF00] =	vst v3;
	v1 =	vld [tilespmem:s6+$0xFFFFFF90]  }
0x2dc: {  	v3 =	vld [tilespmem:s6+$0xFFFFFF10];
	_ =	sdelay $0x1  }
0x2dd: {  	[tilespmem:s0+$0x90] =	vst v0  }
0x2de: {  	[tilespmem:s0+$0x10] =	vst v2;
	v0 =	vld [tilespmem:s6+$0xA0]  }
0x2df: {  	[tilespmem:s0+$0xFFFFFF90] =	vst v1;
	v2 =	vld [tilespmem:s6+$0x20]  }
0x2e0: {  	[tilespmem:s0+$0xFFFFFF10] =	vst v3;
	v1 =	vld [tilespmem:s6+$0xFFFFFFA0]  }
0x2e1: {  	v3 =	vld [tilespmem:s6+$0xFFFFFF20];
	_ =	sdelay $0x1  }
0x2e2: {  	[tilespmem:s0+$0xA0] =	vst v0  }
0x2e3: {  	[tilespmem:s0+$0x20] =	vst v2;
	v0 =	vld [tilespmem:s6+$0xB0]  }
0x2e4: {  	[tilespmem:s0+$0xFFFFFFA0] =	vst v1;
	v2 =	vld [tilespmem:s6+$0x30]  }
0x2e5: {  	[tilespmem:s0+$0xFFFFFF20] =	vst v3;
	v1 =	vld [tilespmem:s6+$0xFFFFFFB0]  }
0x2e6: {  	v3 =	vld [tilespmem:s6+$0xFFFFFF30];
	_ =	sdelay $0x1  }
0x2e7: {  	[tilespmem:s0+$0xB0] =	vst v0  }
0x2e8: {  	[tilespmem:s0+$0x30] =	vst v2;
	v0 =	vld [tilespmem:s6+$0xC0]  }
0x2e9: {  	[tilespmem:s0+$0xFFFFFFB0] =	vst v1;
	v2 =	vld [tilespmem:s6+$0x40]  }
0x2ea: {  	[tilespmem:s0+$0xFFFFFF30] =	vst v3;
	v1 =	vld [tilespmem:s6+$0xFFFFFFC0]  }
0x2eb: {  	v3 =	vld [tilespmem:s6+$0xFFFFFF40]  }
0x2ec: {  	s2 =	simm.s32 $0x1C00  }
0x2ed: {  	v4 =	vld [tilespmem:s2+$0x80];
	[tilespmem:s0+$0xC0] =	vst v0  }
0x2ee: {  	[tilespmem:s0+$0x40] =	vst v2;
	v2 =	vld [tilespmem:s2+$0xFFFFFF80]  }
0x2ef: {  	[tilespmem:s0+$0xFFFFFFC0] =	vst v1;
	v0 =	vld [tilespmem:s6+$0xD0]  }
0x2f0: {  	[tilespmem:s0+$0xFFFFFF40] =	vst v3;
	v3 =	vld [tilespmem:s2+$0x0]  }
0x2f1: {  	s16 =	simm.s32 $0x8000;
	v1 =	vld [tilespmem:s6+$0xFFFFFFD0]  }
0x2f2: {  	v5 =	vld [tilespmem:s2+$0xFFFFFF00];
	[tilespmem:s16+$0x80] =	vst v4  }
0x2f3: {  	[tilespmem:s16+$0xFFFFFF80] =	vst v2;
	v2 =	vld [tilespmem:s2+$0x90]  }
0x2f4: {  	[tilespmem:s0+$0xD0] =	vst v0;
	v4 =	vld [tilespmem:s2+$0xFFFFFF90]  }
0x2f5: {  	[tilespmem:s16+$0x0] =	vst v3;
	v0 =	vld [tilespmem:s6+$0xE0]  }
0x2f6: {  	[tilespmem:s0+$0xFFFFFFD0] =	vst v1;
	v1 =	vld [tilespmem:s6+$0xFFFFFF50]  }
0x2f7: {  	[tilespmem:s16+$0xFFFFFF00] =	vst v5;
	v3 =	vld [tilespmem:s2+$0x10]  }
0x2f8: {  	v5 =	vld [tilespmem:s2+$0xFFFFFF10];
	[tilespmem:s16+$0x90] =	vst v2  }
0x2f9: {  	[tilespmem:s16+$0xFFFFFF90] =	vst v4;
	v2 =	vld [tilespmem:s2+$0xA0]  }
0x2fa: {  	[tilespmem:s0+$0xE0] =	vst v0;
	v4 =	vld [tilespmem:s2+$0xFFFFFFA0]  }
0x2fb: {  	[tilespmem:s0+$0xFFFFFF50] =	vst v1;
	v0 =	vld [tilespmem:s6+$0xF0]  }
0x2fc: {  	v1 =	vld [tilespmem:s6+$0x50];
	[tilespmem:s16+$0x10] =	vst v3  }
0x2fd: {  	[tilespmem:s16+$0xFFFFFF10] =	vst v5;
	v3 =	vld [tilespmem:s2+$0x20]  }
0x2fe: {  	v5 =	vld [tilespmem:s2+$0xFFFFFF20];
	[tilespmem:s16+$0xA0] =	vst v2  }
0x2ff: {  	[tilespmem:s16+$0xFFFFFFA0] =	vst v4;
	v2 =	vld [tilespmem:s2+$0xB0]  }
0x300: {  	[tilespmem:s0+$0xF0] =	vst v0;
	v0 =	vld [tilespmem:s6+$0xFFFFFF60]  }
0x301: {  	[tilespmem:s0+$0x50] =	vst v1;
	v4 =	vld [tilespmem:s2+$0xFFFFFFB0]  }
0x302: {  	v1 =	vld [tilespmem:s6+$0xFFFFFFE0];
	[tilespmem:s16+$0x20] =	vst v3  }
0x303: {  	[tilespmem:s16+$0xFFFFFF20] =	vst v5;
	v3 =	vld [tilespmem:s2+$0x30]  }
0x304: {  	v5 =	vld [tilespmem:s2+$0xFFFFFF30];
	[tilespmem:s16+$0xB0] =	vst v2  }
0x305: {  	[tilespmem:s0+$0xFFFFFF60] =	vst v0;
	v0 =	vld [tilespmem:s6+$0x60]  }
0x306: {  	[tilespmem:s16+$0xFFFFFFB0] =	vst v4;
	v4 =	vld [tilespmem:s2+$0xC0]  }
0x307: {  	[tilespmem:s0+$0xFFFFFFE0] =	vst v1;
	v1 =	vld [tilespmem:s6+$0xFFFFFF70]  }
0x308: {  	[tilespmem:s16+$0x30] =	vst v3;
	v6 =	vld [tilespmem:s2+$0xFFFFFFC0]  }
0x309: {  	[tilespmem:s16+$0xFFFFFF30] =	vst v5;
	v5 =	vld [tilespmem:s2+$0x40]  }
0x30a: {  	v2 =	vld [tilespmem:s2+$0xFFFFFF40];
	[tilespmem:s0+$0x60] =	vst v0  }
0x30b: {  	v0 =	vld [tilespmem:s6+$0xFFFFFFF0];
	[tilespmem:s16+$0xC0] =	vst v4  }
0x30c: {  	[tilespmem:s0+$0xFFFFFF70] =	vst v1;
	v1 =	vld [tilespmem:s6+$0x70]  }
0x30d: {  	[tilespmem:s16+$0xFFFFFFC0] =	vst v6;
	v4 =	vld [tilespmem:s2+$0xD0]  }
0x30e: {  	s8 =	simm.s32 $0x1E00;
	s6 =	simm.s32 $0x4;
	[tilespmem:s16+$0x40] =	vst v5;
	v3 =	vld [tilespmem:s2+$0xFFFFFFD0]  }
.LBB2_16:
0x30f: {  	v5 =	vld [tilespmem:s8+$0x80];
	s6 =	sadd.s32 $0x4, s6;
	[tilespmem:s16+$0xFFFFFF40] =	vst v2  }
0x310: {  	v2 =	vld [tilespmem:s8+$0xFFFFFF80];
	p0 =	slt.u32 s6, $0xC4;
	[tilespmem:s0+$0xFFFFFFF0] =	vst v0  }
0x311: {  	v0 =	vld [tilespmem:s8+$0x0];
	[tilespmem:s0+$0x70] =	vst v1;
	s0 =	smov.u32 s16  }
0x312: {  	v1 =	vld [tilespmem:s8+$0xFFFFFF00];
	[tilespmem:s16+$0xD0] =	vst v4  }
0x313: {  	s16 =	sadd.s32 $0x200, s16;
	[tilespmem:s0+$0xFFFFFFD0] =	vst v3;
	v3 =	vld [tilespmem:s2+$0xE0]  }
0x314: {  	[tilespmem:s16+$0x80] =	vst v5;
	v4 =	vld [tilespmem:s2+$0xFFFFFF50]  }
0x315: {  	[tilespmem:s16+$0xFFFFFF80] =	vst v2;
	v2 =	vld [tilespmem:s8+$0x90]  }
0x316: {  	v5 =	vld [tilespmem:s8+$0xFFFFFF90];
	[tilespmem:s16+$0x0] =	vst v0  }
0x317: {  	[tilespmem:s16+$0xFFFFFF00] =	vst v1;
	v0 =	vld [tilespmem:s8+$0x10]  }
0x318: {  	v1 =	vld [tilespmem:s8+$0xFFFFFF10];
	[tilespmem:s0+$0xE0] =	vst v3  }
0x319: {  	[tilespmem:s0+$0xFFFFFF50] =	vst v4;
	v3 =	vld [tilespmem:s2+$0xF0]  }
0x31a: {  	[tilespmem:s16+$0x90] =	vst v2;
	v2 =	vld [tilespmem:s2+$0x50]  }
0x31b: {  	[tilespmem:s16+$0xFFFFFF90] =	vst v5;
	v4 =	vld [tilespmem:s8+$0xA0]  }
0x31c: {  	v5 =	vld [tilespmem:s8+$0xFFFFFFA0];
	[tilespmem:s16+$0x10] =	vst v0  }
0x31d: {  	[tilespmem:s16+$0xFFFFFF10] =	vst v1;
	v0 =	vld [tilespmem:s8+$0x20]  }
0x31e: {  	v1 =	vld [tilespmem:s8+$0xFFFFFF20];
	[tilespmem:s0+$0xF0] =	vst v3  }
0x31f: {  	v3 =	vld [tilespmem:s2+$0xFFFFFF60];
	[tilespmem:s0+$0x50] =	vst v2  }
0x320: {  	[tilespmem:s16+$0xA0] =	vst v4;
	v2 =	vld [tilespmem:s2+$0xFFFFFFE0]  }
0x321: {  	[tilespmem:s16+$0xFFFFFFA0] =	vst v5;
	v4 =	vld [tilespmem:s8+$0xB0]  }
0x322: {  	v5 =	vld [tilespmem:s8+$0xFFFFFFB0];
	[tilespmem:s16+$0x20] =	vst v0  }
0x323: {  	[tilespmem:s16+$0xFFFFFF20] =	vst v1;
	v0 =	vld [tilespmem:s8+$0x30]  }
0x324: {  	v1 =	vld [tilespmem:s8+$0xFFFFFF30];
	[tilespmem:s0+$0xFFFFFF60] =	vst v3  }
0x325: {  	[tilespmem:s0+$0xFFFFFFE0] =	vst v2;
	v3 =	vld [tilespmem:s2+$0x60]  }
0x326: {  	[tilespmem:s16+$0xB0] =	vst v4;
	v4 =	vld [tilespmem:s2+$0xFFFFFF70]  }
0x327: {  	[tilespmem:s16+$0xFFFFFFB0] =	vst v5;
	v5 =	vld [tilespmem:s8+$0xC0]  }
0x328: {  	v6 =	vld [tilespmem:s8+$0xFFFFFFC0];
	[tilespmem:s16+$0x30] =	vst v0  }
0x329: {  	[tilespmem:s16+$0xFFFFFF30] =	vst v1;
	v7 =	vld [tilespmem:s8+$0x40]  }
.Ltmp7:
0x32a: {  	v2 =	vld [tilespmem:s8+$0xFFFFFF40];
	[tilespmem:s0+$0x60] =	vst v3;
	(pc) =	sbr.rel @p0 .LBB2_16-.Ltmp7, $4  }
0x32b: {  	[tilespmem:s0+$0xFFFFFF70] =	vst v4;
	v0 =	vld [tilespmem:s2+$0xFFFFFFF0]  }
0x32c: {  	[tilespmem:s16+$0xC0] =	vst v5;
	v1 =	vld [tilespmem:s2+$0x70];
	s2 =	smov.u32 s8  }
0x32d: {  	[tilespmem:s16+$0xFFFFFFC0] =	vst v6;
	v4 =	vld [tilespmem:s8+$0xD0]  }
0x32e: {  	s8 =	sadd.s32 $0x200, s8;
	v3 =	vld [tilespmem:s2+$0xFFFFFFD0];
	[tilespmem:s16+$0x40] =	vst v7  }
0x32f: {  	[tilespmem:s16+$0xFFFFFF40] =	vst v2;
	v5 =	vld [tilespmem:s2+$0x50]  }
0x330: {  	v2 =	vld [tilespmem:s2+$0xFFFFFF50];
	_ =	sdelay $0x1  }
0x331: {  	[tilespmem:s16+$0xD0] =	vst v4  }
0x332: {  	v4 =	vld [tilespmem:s2+$0xE0];
	[tilespmem:s16+$0xFFFFFFD0] =	vst v3  }
0x333: {  	[tilespmem:s16+$0x50] =	vst v5;
	v3 =	vld [tilespmem:s2+$0xFFFFFFE0]  }
0x334: {  	[tilespmem:s16+$0xFFFFFF50] =	vst v2;
	v5 =	vld [tilespmem:s2+$0x60]  }
0x335: {  	v2 =	vld [tilespmem:s2+$0xFFFFFF60]  }
0x336: {  	[tilespmem:s0+$0xFFFFFFF0] =	vst v0  }
0x337: {  	[tilespmem:s16+$0xE0] =	vst v4  }
0x338: {  	v4 =	vld [tilespmem:s2+$0xF0];
	[tilespmem:s16+$0xFFFFFFE0] =	vst v3  }
0x339: {  	[tilespmem:s16+$0x60] =	vst v5;
	v3 =	vld [tilespmem:s2+$0xFFFFFFF0]  }
0x33a: {  	[tilespmem:s16+$0xFFFFFF60] =	vst v2;
	v0 =	vld [tilespmem:s2+$0x70]  }
0x33b: {  	v2 =	vld [tilespmem:s2+$0xFFFFFF70]  }
0x33c: {  	[tilespmem:s0+$0x70] =	vst v1  }
0x33d: {  	[tilespmem:s16+$0xF0] =	vst v4  }
0x33e: {  	[tilespmem:s16+$0xFFFFFFF0] =	vst v3  }
0x33f: {  	[tilespmem:s16+$0x70] =	vst v0  }
0x340: {  	s30 =	simm.s32 $0x1770;
	[tilespmem:s16+$0xFFFFFF70] =	vst v2  }
0x341: {  	[tilespmem:s18], [sflag:$0x1] =	stream.indirect.gather.add.f32 [hbm:s1], $0x80, s30, s17, $0xb8;
	[tilespmem:$0x1A900] =	vst v63  }
0x342: {  	_ =	swait.ge [sflag:s25], $0x6400  }
0x343: {  	[sflag:s25] =	ssyncset.done $0x0  }
0x344: {  	[sflag:s25] =	ssyncadd.s32 $0xFFFF9C00  }
0x345: {  	[hbm4b:s11+s4] =	stream.linear.scatter [tilespmem:s21], [sflag:$0x6], $0x6400, $0x38;
	[tilespmem:$0x1A900] =	vst v63  }
0x346: {  	_ =	swait.ge [sflag:s26], $0x6400  }
0x347: {  	[sflag:s26] =	ssyncset.done $0x0  }
0x348: {  	s6 =	simm.s32 $0x1A00;
	[sflag:s26] =	ssyncadd.s32 $0xFFFF9C00  }
0x349: {  	v0 =	vld [tilespmem:s6+$0x80]  }
0x34a: {  	v2 =	vld [tilespmem:s6+$0x0]  }
0x34b: {  	v1 =	vld [tilespmem:s6+$0xFFFFFF80]  }
0x34c: {  	v3 =	vld [tilespmem:s6+$0xFFFFFF00]  }
0x34d: {  	s0 =	simm.s32 $0xE200  }
0x34e: {  	[tilespmem:s0+$0x80] =	vst v0  }
0x34f: {  	[tilespmem:s0+$0x0] =	vst v2;
	v0 =	vld [tilespmem:s6+$0x90]  }
0x350: {  	[tilespmem:s0+$0xFFFFFF80] =	vst v1;
	v2 =	vld [tilespmem:s6+$0x10]  }
0x351: {  	[tilespmem:s0+$0xFFFFFF00] =	vst v3;
	v1 =	vld [tilespmem:s6+$0xFFFFFF90]  }
0x352: {  	v3 =	vld [tilespmem:s6+$0xFFFFFF10];
	_ =	sdelay $0x1  }
0x353: {  	[tilespmem:s0+$0x90] =	vst v0  }
0x354: {  	[tilespmem:s0+$0x10] =	vst v2;
	v0 =	vld [tilespmem:s6+$0xA0]  }
0x355: {  	[tilespmem:s0+$0xFFFFFF90] =	vst v1;
	v2 =	vld [tilespmem:s6+$0x20]  }
0x356: {  	[tilespmem:s0+$0xFFFFFF10] =	vst v3;
	v1 =	vld [tilespmem:s6+$0xFFFFFFA0]  }
0x357: {  	v3 =	vld [tilespmem:s6+$0xFFFFFF20];
	_ =	sdelay $0x1  }
0x358: {  	[tilespmem:s0+$0xA0] =	vst v0  }
0x359: {  	[tilespmem:s0+$0x20] =	vst v2;
	v0 =	vld [tilespmem:s6+$0xB0]  }
0x35a: {  	[tilespmem:s0+$0xFFFFFFA0] =	vst v1;
	v2 =	vld [tilespmem:s6+$0x30]  }
0x35b: {  	[tilespmem:s0+$0xFFFFFF20] =	vst v3;
	v1 =	vld [tilespmem:s6+$0xFFFFFFB0]  }
0x35c: {  	v3 =	vld [tilespmem:s6+$0xFFFFFF30];
	_ =	sdelay $0x1  }
0x35d: {  	[tilespmem:s0+$0xB0] =	vst v0  }
0x35e: {  	[tilespmem:s0+$0x30] =	vst v2;
	v0 =	vld [tilespmem:s6+$0xC0]  }
0x35f: {  	[tilespmem:s0+$0xFFFFFFB0] =	vst v1;
	v2 =	vld [tilespmem:s6+$0x40]  }
0x360: {  	[tilespmem:s0+$0xFFFFFF30] =	vst v3;
	v1 =	vld [tilespmem:s6+$0xFFFFFFC0]  }
0x361: {  	v3 =	vld [tilespmem:s6+$0xFFFFFF40]  }
0x362: {  	s2 =	simm.s32 $0x1C00  }
0x363: {  	v4 =	vld [tilespmem:s2+$0x80];
	[tilespmem:s0+$0xC0] =	vst v0  }
0x364: {  	[tilespmem:s0+$0x40] =	vst v2;
	v2 =	vld [tilespmem:s2+$0xFFFFFF80]  }
0x365: {  	[tilespmem:s0+$0xFFFFFFC0] =	vst v1;
	v0 =	vld [tilespmem:s6+$0xD0]  }
0x366: {  	[tilespmem:s0+$0xFFFFFF40] =	vst v3;
	v3 =	vld [tilespmem:s2+$0x0]  }
0x367: {  	s16 =	simm.s32 $0xE400;
	v1 =	vld [tilespmem:s6+$0xFFFFFFD0]  }
0x368: {  	v5 =	vld [tilespmem:s2+$0xFFFFFF00];
	[tilespmem:s16+$0x80] =	vst v4  }
0x369: {  	[tilespmem:s16+$0xFFFFFF80] =	vst v2;
	v2 =	vld [tilespmem:s2+$0x90]  }
0x36a: {  	[tilespmem:s0+$0xD0] =	vst v0;
	v4 =	vld [tilespmem:s2+$0xFFFFFF90]  }
0x36b: {  	[tilespmem:s16+$0x0] =	vst v3;
	v0 =	vld [tilespmem:s6+$0xE0]  }
0x36c: {  	[tilespmem:s0+$0xFFFFFFD0] =	vst v1;
	v1 =	vld [tilespmem:s6+$0xFFFFFF50]  }
0x36d: {  	[tilespmem:s16+$0xFFFFFF00] =	vst v5;
	v3 =	vld [tilespmem:s2+$0x10]  }
0x36e: {  	v5 =	vld [tilespmem:s2+$0xFFFFFF10];
	[tilespmem:s16+$0x90] =	vst v2  }
0x36f: {  	[tilespmem:s16+$0xFFFFFF90] =	vst v4;
	v2 =	vld [tilespmem:s2+$0xA0]  }
0x370: {  	[tilespmem:s0+$0xE0] =	vst v0;
	v4 =	vld [tilespmem:s2+$0xFFFFFFA0]  }
0x371: {  	[tilespmem:s0+$0xFFFFFF50] =	vst v1;
	v0 =	vld [tilespmem:s6+$0xF0]  }
0x372: {  	v1 =	vld [tilespmem:s6+$0x50];
	[tilespmem:s16+$0x10] =	vst v3  }
0x373: {  	[tilespmem:s16+$0xFFFFFF10] =	vst v5;
	v3 =	vld [tilespmem:s2+$0x20]  }
0x374: {  	v5 =	vld [tilespmem:s2+$0xFFFFFF20];
	[tilespmem:s16+$0xA0] =	vst v2  }
0x375: {  	[tilespmem:s16+$0xFFFFFFA0] =	vst v4;
	v2 =	vld [tilespmem:s2+$0xB0]  }
0x376: {  	[tilespmem:s0+$0xF0] =	vst v0;
	v0 =	vld [tilespmem:s6+$0xFFFFFF60]  }
0x377: {  	[tilespmem:s0+$0x50] =	vst v1;
	v4 =	vld [tilespmem:s2+$0xFFFFFFB0]  }
0x378: {  	v1 =	vld [tilespmem:s6+$0xFFFFFFE0];
	[tilespmem:s16+$0x20] =	vst v3  }
0x379: {  	[tilespmem:s16+$0xFFFFFF20] =	vst v5;
	v3 =	vld [tilespmem:s2+$0x30]  }
0x37a: {  	v5 =	vld [tilespmem:s2+$0xFFFFFF30];
	[tilespmem:s16+$0xB0] =	vst v2  }
0x37b: {  	[tilespmem:s0+$0xFFFFFF60] =	vst v0;
	v0 =	vld [tilespmem:s6+$0x60]  }
0x37c: {  	[tilespmem:s16+$0xFFFFFFB0] =	vst v4;
	v4 =	vld [tilespmem:s2+$0xC0]  }
0x37d: {  	[tilespmem:s0+$0xFFFFFFE0] =	vst v1;
	v1 =	vld [tilespmem:s6+$0xFFFFFF70]  }
0x37e: {  	[tilespmem:s16+$0x30] =	vst v3;
	v6 =	vld [tilespmem:s2+$0xFFFFFFC0]  }
0x37f: {  	[tilespmem:s16+$0xFFFFFF30] =	vst v5;
	v5 =	vld [tilespmem:s2+$0x40]  }
0x380: {  	v2 =	vld [tilespmem:s2+$0xFFFFFF40];
	[tilespmem:s0+$0x60] =	vst v0  }
0x381: {  	v0 =	vld [tilespmem:s6+$0xFFFFFFF0];
	[tilespmem:s16+$0xC0] =	vst v4  }
0x382: {  	[tilespmem:s0+$0xFFFFFF70] =	vst v1;
	v1 =	vld [tilespmem:s6+$0x70]  }
0x383: {  	[tilespmem:s16+$0xFFFFFFC0] =	vst v6;
	v4 =	vld [tilespmem:s2+$0xD0]  }
0x384: {  	s8 =	simm.s32 $0x1E00;
	s6 =	simm.s32 $0x4;
	[tilespmem:s16+$0x40] =	vst v5;
	v3 =	vld [tilespmem:s2+$0xFFFFFFD0]  }
.LBB2_18:
0x385: {  	v5 =	vld [tilespmem:s8+$0x80];
	s6 =	sadd.s32 $0x4, s6;
	[tilespmem:s16+$0xFFFFFF40] =	vst v2  }
0x386: {  	v2 =	vld [tilespmem:s8+$0xFFFFFF80];
	p0 =	slt.u32 s6, $0xC4;
	[tilespmem:s0+$0xFFFFFFF0] =	vst v0  }
0x387: {  	v0 =	vld [tilespmem:s8+$0x0];
	[tilespmem:s0+$0x70] =	vst v1;
	s0 =	smov.u32 s16  }
0x388: {  	v1 =	vld [tilespmem:s8+$0xFFFFFF00];
	[tilespmem:s16+$0xD0] =	vst v4  }
0x389: {  	s16 =	sadd.s32 $0x200, s16;
	[tilespmem:s0+$0xFFFFFFD0] =	vst v3;
	v3 =	vld [tilespmem:s2+$0xE0]  }
0x38a: {  	[tilespmem:s16+$0x80] =	vst v5;
	v4 =	vld [tilespmem:s2+$0xFFFFFF50]  }
0x38b: {  	[tilespmem:s16+$0xFFFFFF80] =	vst v2;
	v2 =	vld [tilespmem:s8+$0x90]  }
0x38c: {  	v5 =	vld [tilespmem:s8+$0xFFFFFF90];
	[tilespmem:s16+$0x0] =	vst v0  }
0x38d: {  	[tilespmem:s16+$0xFFFFFF00] =	vst v1;
	v0 =	vld [tilespmem:s8+$0x10]  }
0x38e: {  	v1 =	vld [tilespmem:s8+$0xFFFFFF10];
	[tilespmem:s0+$0xE0] =	vst v3  }
0x38f: {  	[tilespmem:s0+$0xFFFFFF50] =	vst v4;
	v3 =	vld [tilespmem:s2+$0xF0]  }
0x390: {  	[tilespmem:s16+$0x90] =	vst v2;
	v2 =	vld [tilespmem:s2+$0x50]  }
0x391: {  	[tilespmem:s16+$0xFFFFFF90] =	vst v5;
	v4 =	vld [tilespmem:s8+$0xA0]  }
0x392: {  	v5 =	vld [tilespmem:s8+$0xFFFFFFA0];
	[tilespmem:s16+$0x10] =	vst v0  }
0x393: {  	[tilespmem:s16+$0xFFFFFF10] =	vst v1;
	v0 =	vld [tilespmem:s8+$0x20]  }
0x394: {  	v1 =	vld [tilespmem:s8+$0xFFFFFF20];
	[tilespmem:s0+$0xF0] =	vst v3  }
0x395: {  	v3 =	vld [tilespmem:s2+$0xFFFFFF60];
	[tilespmem:s0+$0x50] =	vst v2  }
0x396: {  	[tilespmem:s16+$0xA0] =	vst v4;
	v2 =	vld [tilespmem:s2+$0xFFFFFFE0]  }
0x397: {  	[tilespmem:s16+$0xFFFFFFA0] =	vst v5;
	v4 =	vld [tilespmem:s8+$0xB0]  }
0x398: {  	v5 =	vld [tilespmem:s8+$0xFFFFFFB0];
	[tilespmem:s16+$0x20] =	vst v0  }
0x399: {  	[tilespmem:s16+$0xFFFFFF20] =	vst v1;
	v0 =	vld [tilespmem:s8+$0x30]  }
0x39a: {  	v1 =	vld [tilespmem:s8+$0xFFFFFF30];
	[tilespmem:s0+$0xFFFFFF60] =	vst v3  }
0x39b: {  	[tilespmem:s0+$0xFFFFFFE0] =	vst v2;
	v3 =	vld [tilespmem:s2+$0x60]  }
0x39c: {  	[tilespmem:s16+$0xB0] =	vst v4;
	v4 =	vld [tilespmem:s2+$0xFFFFFF70]  }
0x39d: {  	[tilespmem:s16+$0xFFFFFFB0] =	vst v5;
	v5 =	vld [tilespmem:s8+$0xC0]  }
0x39e: {  	v6 =	vld [tilespmem:s8+$0xFFFFFFC0];
	[tilespmem:s16+$0x30] =	vst v0  }
0x39f: {  	[tilespmem:s16+$0xFFFFFF30] =	vst v1;
	v7 =	vld [tilespmem:s8+$0x40]  }
.Ltmp8:
0x3a0: {  	v2 =	vld [tilespmem:s8+$0xFFFFFF40];
	[tilespmem:s0+$0x60] =	vst v3;
	(pc) =	sbr.rel @p0 .LBB2_18-.Ltmp8, $4  }
0x3a1: {  	[tilespmem:s0+$0xFFFFFF70] =	vst v4;
	v0 =	vld [tilespmem:s2+$0xFFFFFFF0]  }
0x3a2: {  	[tilespmem:s16+$0xC0] =	vst v5;
	v1 =	vld [tilespmem:s2+$0x70];
	s2 =	smov.u32 s8  }
0x3a3: {  	[tilespmem:s16+$0xFFFFFFC0] =	vst v6;
	v4 =	vld [tilespmem:s8+$0xD0]  }
0x3a4: {  	s8 =	sadd.s32 $0x200, s8;
	v3 =	vld [tilespmem:s2+$0xFFFFFFD0];
	[tilespmem:s16+$0x40] =	vst v7  }
0x3a5: {  	[tilespmem:s16+$0xFFFFFF40] =	vst v2;
	v5 =	vld [tilespmem:s2+$0x50]  }
0x3a6: {  	v2 =	vld [tilespmem:s2+$0xFFFFFF50];
	_ =	sdelay $0x1  }
0x3a7: {  	[tilespmem:s16+$0xD0] =	vst v4  }
0x3a8: {  	v4 =	vld [tilespmem:s2+$0xE0];
	[tilespmem:s16+$0xFFFFFFD0] =	vst v3  }
0x3a9: {  	[tilespmem:s16+$0x50] =	vst v5;
	v3 =	vld [tilespmem:s2+$0xFFFFFFE0]  }
0x3aa: {  	[tilespmem:s16+$0xFFFFFF50] =	vst v2;
	v5 =	vld [tilespmem:s2+$0x60]  }
0x3ab: {  	v2 =	vld [tilespmem:s2+$0xFFFFFF60];
	_ =	sdelay $0x1  }
0x3ac: {  	[tilespmem:s16+$0xE0] =	vst v4  }
0x3ad: {  	v60 =	vld [tilespmem:s2+$0xF0];
	[tilespmem:s16+$0xFFFFFFE0] =	vst v3  }
0x3ae: {  	[tilespmem:s16+$0x60] =	vst v5;
	v62 =	vld [tilespmem:s2+$0xFFFFFFF0]  }
0x3af: {  	[tilespmem:s16+$0xFFFFFF60] =	vst v2;
	v63 =	vld [tilespmem:s2+$0x70]  }
0x3b0: {  	[tilespmem:s0+$0xFFFFFFF0] =	vst v0;
	v61 =	vld [tilespmem:s2+$0xFFFFFF70]  }
0x3b1: {  	[tilespmem:s0+$0x70] =	vst v1  }
0x3b2: {  	[tilespmem:s16+$0xF0] =	vst v60  }
0x3b3: {  	[tilespmem:s16+$0xFFFFFFF0] =	vst v62  }
0x3b4: {  	[tilespmem:s16+$0x70] =	vst v63  }
0x3b5: {  	s30 =	simm.s32 $0x1838;
	[tilespmem:s16+$0xFFFFFF70] =	vst v61  }
0x3b6: {  	[tilespmem:s19], [sflag:$0x2] =	stream.indirect.gather.add.f32 [hbm:s1], $0x80, s30, s17, $0xb8;
	[tilespmem:$0x1A900] =	vst v63  }
0x3b7: {  	_ =	swait.ge [sflag:s22], $0x6400  }
0x3b8: {  	[sflag:s22] =	ssyncset.done $0x0  }
0x3b9: {  	[sflag:s22] =	ssyncadd.s32 $0xFFFF9C00  }
0x3ba: {  	[hbm4b:s12+s4] =	stream.linear.scatter [tilespmem:s18], [sflag:$0x4], $0x6400, $0x38;
	[tilespmem:$0x1A900] =	vst v63  }
0x3bb: {  	_ =	swait.ge [sflag:s23], $0x6400  }
0x3bc: {  	[sflag:s23] =	ssyncset.done $0x0  }
0x3bd: {  	[sflag:s23] =	ssyncadd.s32 $0xFFFF9C00  }
0x3be: {  	[hbm4b:s13+s4] =	stream.linear.scatter [tilespmem:s19], [sflag:$0x5], $0x6400, $0x38;
	[tilespmem:$0x1A900] =	vst v63  }
0x3bf: {  	_ =	swait.ge [sflag:s28], $0x6400  }
0x3c0: {  	[sflag:s28] =	ssyncset.done $0x0  }
0x3c1: {  	s31 =	sadd.s32 $0x1, s31;
	[sflag:s28] =	ssyncadd.s32 $0xFFFF9C00  }
0x3c2: {  	p0 =	sne.s32 s31, s14;
	_ =	swait.ge [sflag:s24], $0x6400  }
.Ltmp9:
0x3c3: {  	[sflag:s24] =	ssyncset.done $0x0;
	(pc) =	sbr.rel @p0 .LBB2_1-.Ltmp9, $4  }
0x3c4: {  	[sflag:s24] =	ssyncadd.s32 $0xFFFF9C00  }
0x3c5: {  	_ =	swait.ge [sflag:s26], $0x6400  }
0x3c6: {  	[sflag:s26] =	ssyncset.done $0x0  }
0x3c7: {  	[sflag:s26] =	ssyncadd.s32 $0xFFFF9C00  }
0x3c8: {  	_ =	sfence.sel $0x180000  }
0x3c9: {  	[bflag:$0x0] =	sbarrier.arrive $0xFFFF  }
0x3ca: {  	_ =	strace $0x90000047  }
0x3cb: {  	s0 =	stileid.u32;
	[bflag:$0x2] =	sbarrier.arrive $0xFFFF  }
0x3cc: {  	p0 =	sne.s32 s0, $0x0;
	s0 =	rddreg [dreg:$0x3]  }
0x3cd: {  	s0 =	sadd.s32 @!p0 $0x100000, s0  }
0x3ce: {  	[sflag:s0] =	ssyncadd.tile.s32 @!p0 $0x1;
	_ =	shalt  }
.Lfunc_end2:
_tile_overlayer_lowered:
.L_overlay_start_2:
0x3cf: {  	(tag) =	ssettag $0x2  }
0x3d0: {  	s0 =	rddreg [dreg:$0x0];
	s2 =	stileid.u32  }
0x3d1: {  	s1 =	rddreg [dreg:$0x1];
	p0 =	sne.s32 s2, $0x0  }
0x3d2: {  	s3 =	rddreg [dreg:$0x2];
	[bflag:$0x3] =	sbarrier.arrive $0xFFFF;
	s2 =	simm.s32 @!p0 $0x1C07  }
0x3d3: {  	[timem:s3], [sflag:s2] =	dma.local @!p0 [hbm:s0], s1  }
0x3d4: {  	s0 =	simm.s32 @!p0 $0x7  }
0x3d5: {  	_ =	swait.ge @!p0 [sflag:s0], s1  }
0x3d6: {  	s1 =	ssub.s32 @!p0 $0x0, s1;
	[sflag:s0] =	ssyncset.done @!p0 $0x0  }
0x3d7: {  	[sflag:s0] =	ssyncadd.s32 @!p0 s1  }
0x3d8: {  	[bflag:$0x3] =	sbarrier.arrive $0xFFFF  }
0x3d9: {  	_ =	shalt  }

</sc_bundles>
